<compile_context>
chip_gen: v7x
topology: tpu7x:2x2x1
jax: 0.10.2.dev20260603
libtpu: 0.0.44.dev20260713+nightly
codegen_flags: <defaults>
</compile_context>

<pallas_src>
import functools

import numpy as np
import jax
import jax.numpy as jnp
from jax import lax
from jax.experimental import pallas as pl
from jax.experimental.pallas import tpu as pltpu
from jax.experimental.pallas import tpu_sc as plsc

VOCAB = 100000
EMBED = 768
BATCH = 32
SEQ = 512
MAX_POS = 512

NC, NS, L = 2, 16, 16
NW = NC * NS
TOK_PER_W = (BATCH * SEQ) // NW
CH = 16
NCHUNK = TOK_PER_W // CH
NBUF = 4
NROUND = NCHUNK // NBUF


def _positional_encoding_np():
    pos = np.arange(MAX_POS)[:, np.newaxis]
    i = np.arange(EMBED)[np.newaxis, :]
    angle_rates = 1 / np.power(10000, 2 * (i // 2) / np.float32(EMBED))
    angle_rads = pos * angle_rates
    sines = np.sin(angle_rads[:, 0::2])
    cosines = np.cos(angle_rads[:, 1::2])
    return np.concatenate([sines, cosines], axis=-1).astype(np.float32)


_POS_ENC = _positional_encoding_np()


def _comb_body(pos_ref, seg_ref, out_ref):
    out_ref[...] = seg_ref[...][:, None, :] + pos_ref[...][None, :, :]


def _build_comb(seg_table):
    pos = jnp.asarray(_POS_ENC)
    out = pl.pallas_call(
        _comb_body,
        out_shape=jax.ShapeDtypeStruct((3, MAX_POS, EMBED), jnp.float32),
    )(pos, seg_table)
    return out.reshape(3 * MAX_POS, EMBED)


_MESH = plsc.VectorSubcoreMesh(
    core_axis_name="c", subcore_axis_name="s", num_cores=NC, num_subcores=NS)


@functools.partial(
    pl.kernel,
    out_type=jax.ShapeDtypeStruct((BATCH * SEQ, EMBED), jnp.float32),
    mesh=_MESH,
    scratch_types=[
        pltpu.VMEM((TOK_PER_W,), jnp.int32),
        pltpu.VMEM((TOK_PER_W,), jnp.int32),
        pltpu.VMEM((NBUF, CH, EMBED), jnp.float32),
        pltpu.VMEM((NBUF, CH, EMBED), jnp.float32),
        pltpu.SemaphoreType.DMA((NBUF,)),
        pltpu.SemaphoreType.DMA((NBUF,)),
        pltpu.SemaphoreType.DMA((NBUF,)),
    ],
)
def _embed_sc(tok_hbm, comb_hbm, x_hbm, seg_hbm, out_hbm,
              idx_v, idx2_v, rows_v, comb_v,
              gsem, csem, ssem):
    wid = lax.axis_index("s") * NC + lax.axis_index("c")
    base = wid * TOK_PER_W

    pltpu.sync_copy(x_hbm.at[wid], idx_v)
    pltpu.sync_copy(seg_hbm.at[wid], idx2_v)
    for i in range(TOK_PER_W // L):
        g = idx2_v[pl.ds(i * L, L)]
        idx2_v[pl.ds(i * L, L)] = g * MAX_POS + lax.iota(jnp.int32, L) + i * L

    def _descs(c, b):
        dt = pltpu.make_async_copy(
            tok_hbm.at[idx_v.at[pl.ds(c * CH, CH)]], rows_v.at[b], gsem.at[b])
        dp = pltpu.make_async_copy(
            comb_hbm.at[idx2_v.at[pl.ds(c * CH, CH)]], comb_v.at[b],
            csem.at[b])
        return dt, dp

    def kick(c, b):
        dt, dp = _descs(c, b)
        dt.start()
        dp.start()

    def _store_desc(c, b):
        return pltpu.make_async_copy(
            rows_v.at[b], out_hbm.at[pl.ds(base + c * CH, CH)], ssem.at[b])

    for b in range(NBUF):
        kick(b, b)

    def round_body(r, carry):
        for b in range(NBUF):
            c = r * NBUF + b
            dt, dp = _descs(c, b)
            dt.wait()
            dp.wait()

            def add_slice(k, acc, _b=b):
                sl = pl.ds(k * L, L)
                for t in range(CH):
                    plsc.addupdate(
                        rows_v.at[_b, t, sl], comb_v[_b, t, sl])
                return acc

            lax.fori_loop(0, EMBED // L, add_slice, 0)
            _store_desc(c, b).start()
            bm = (b - 1) % NBUF
            cm = c - 1

            @pl.when(jnp.logical_and(cm >= 0, cm + NBUF < NCHUNK))
            def _(cm=cm, bm=bm):
                _store_desc(cm, bm).wait()
                kick(cm + NBUF, bm)
        return carry

    lax.fori_loop(0, NROUND, round_body, 0)
    for c in range(NCHUNK - NBUF, NCHUNK):
        _store_desc(c, c % NBUF).wait()


def kernel(x, pad_seg_embed_token, token_table, seg_table):
    comb = _build_comb(seg_table)
    out = _embed_sc(token_table, comb, x, pad_seg_embed_token)
    return out.reshape(BATCH, SEQ, EMBED)

# --- scband reference (transcript-rebuilt; emitter-appended) ---
"""Pipeline reference for scband-bertembedding-64407329571233 (READ-ONLY COPY).

The authoritative reference and input builder live on the scoring server;
editing this copy changes nothing except your own understanding.
"""

import jax, jax.numpy as jnp
import numpy as np

VOCAB = 100000
EMBED = 768
BATCH = 32
SEQ = 512
MAX_POS = 512


def _get_angles(pos, i, d_model):
    angle_rates = 1 / np.power(10000, 2 * (i // 2) / np.float32(d_model))
    return pos * angle_rates


def _positional_encoding(max_len_position, embed_dim):
    angle_rads = _get_angles(np.arange(max_len_position)[:, np.newaxis],
                             np.arange(embed_dim)[np.newaxis, :], embed_dim)
    sines = np.sin(angle_rads[:, 0::2])
    cosines = np.cos(angle_rads[:, 1::2])
    pos_encoding = np.concatenate([sines, cosines], axis=-1)
    pos_encoding = pos_encoding[np.newaxis, ...]
    return jnp.asarray(pos_encoding, dtype=jnp.float32)


def setup_inputs(seed: int = 0) -> dict:
    key = jax.random.key(seed)
    k1, k2, k3, k4 = jax.random.split(key, 4)
    x = jax.random.randint(k1, (BATCH, SEQ), 0, VOCAB, dtype=jnp.int64 if jax.config.jax_enable_x64 else jnp.int32).astype(jnp.int32)
    pad_seg_embed_token = jax.random.randint(k2, (BATCH, SEQ), 0, 3).astype(jnp.int32)
    token_table = jax.random.normal(k3, (VOCAB, EMBED), dtype=jnp.float32) * 0.02
    seg_table = jax.random.normal(k4, (3, EMBED), dtype=jnp.float32) * 0.02
    return {"x": x, "pad_seg_embed_token": pad_seg_embed_token,
            "token_table": token_table, "seg_table": seg_table}


def reference(x, pad_seg_embed_token, token_table, seg_table):
    seq_len = x.shape[1]
    x_embed = jnp.take(token_table, x, axis=0)
    x_embed = x_embed + _positional_encoding(MAX_POS, EMBED)[:, :seq_len, :]
    x_embed = x_embed + jnp.take(seg_table, pad_seg_embed_token, axis=0)
    return x_embed

if __name__ == "__main__":
    import jax
    _d = setup_inputs()
    print(jax.jit(kernel)(*tuple(_d.values())))

</pallas_src>

<mosaic_0001>
#map = affine_map<(d0, d1) -> (0, 0)>
module attributes {stable_mosaic.version = 14 : i64} {
  func.func @_embed_sc(%arg0: i32, %arg1: i32, %arg2: memref<100000x768xf32, #tpu.memory_space<hbm>>, %arg3: memref<1536x768xf32, #tpu.memory_space<hbm>>, %arg4: memref<32x512xi32, #tpu.memory_space<hbm>>, %arg5: memref<32x512xi32, #tpu.memory_space<hbm>>, %arg6: memref<16384x768xf32, #tpu.memory_space<hbm>>, %arg7: memref<512xi32, #tpu.memory_space<vmem>>, %arg8: memref<512xi32, #tpu.memory_space<vmem>>, %arg9: memref<4x16x768xf32, #tpu.memory_space<vmem>>, %arg10: memref<4x16x768xf32, #tpu.memory_space<vmem>>, %arg11: memref<4x!tpu.dma_semaphore, #tpu.memory_space<semaphore_mem>>, %arg12: memref<4x!tpu.dma_semaphore, #tpu.memory_space<semaphore_mem>>, %arg13: memref<4x!tpu.dma_semaphore, #tpu.memory_space<semaphore_mem>>) attributes {dimension_semantics = [#tpu.dimension_semantics<core_parallel>, #tpu.dimension_semantics<subcore_parallel>], iteration_bounds = array<i64: 2, 16>, scalar_prefetch = 0 : i64, scratch_operands = 7 : i64, tpu.core_type = #tpu.core_type<sc_vector_subcore>, window_params = [{transform_indices = #map}, {transform_indices = #map}, {transform_indices = #map}, {transform_indices = #map}, {transform_indices = #map}]} {
    %mul3A = arith.constant 2 : i32
    %mul3A_0 = arith.muli %arg1, %mul3A : i32
    %add3A = arith.addi %mul3A_0, %arg0 : i32
    %mul3A_1 = arith.constant 512 : i32
    %mul3A_2 = arith.muli %add3A, %mul3A_1 : i32
    "tpu.region"() ({
      %run_scoped3A = tpu.sem_alloc : memref<!tpu.dma_semaphore, #tpu.memory_space<semaphore_mem>>
      %dma_start3A_659 = arith.constant 0 : i32
      %dma_start3A_660 = tpu.memref_slice %arg4[%add3A, %dma_start3A_659] : memref<32x512xi32, #tpu.memory_space<hbm>> -> memref<1x512xi32, #tpu.memory_space<hbm>>
      %dma_start3A_661 = tpu.memref_squeeze %dma_start3A_660 : memref<1x512xi32, #tpu.memory_space<hbm>> -> memref<512xi32, #tpu.memory_space<hbm>>
      %dma_start3A_662 = arith.constant 0 : i32
      %dma_start3A_663 = tpu.memref_slice %arg4[%add3A, %dma_start3A_662] : memref<32x512xi32, #tpu.memory_space<hbm>> -> memref<1x512xi32, #tpu.memory_space<hbm>>
      %dma_start3A_664 = tpu.memref_squeeze %dma_start3A_663 : memref<1x512xi32, #tpu.memory_space<hbm>> -> memref<512xi32, #tpu.memory_space<hbm>>
      tpu.enqueue_dma source(%dma_start3A_664 : memref<512xi32, #tpu.memory_space<hbm>>) target(%arg7 : memref<512xi32, #tpu.memory_space<vmem>>) target_semaphore(%run_scoped3A : memref<!tpu.dma_semaphore, #tpu.memory_space<semaphore_mem>>)
      %dma_wait3A_665 = arith.constant 0 : i32
      %dma_wait3A_666 = tpu.memref_slice %arg4[%add3A, %dma_wait3A_665] : memref<32x512xi32, #tpu.memory_space<hbm>> -> memref<1x512xi32, #tpu.memory_space<hbm>>
      %dma_wait3A_667 = tpu.memref_squeeze %dma_wait3A_666 : memref<1x512xi32, #tpu.memory_space<hbm>> -> memref<512xi32, #tpu.memory_space<hbm>>
      %dma_wait3A_668 = arith.constant 0 : i32
      %dma_wait3A_669 = tpu.memref_slice %arg4[%add3A, %dma_wait3A_668] : memref<32x512xi32, #tpu.memory_space<hbm>> -> memref<1x512xi32, #tpu.memory_space<hbm>>
      %dma_wait3A_670 = tpu.memref_squeeze %dma_wait3A_669 : memref<1x512xi32, #tpu.memory_space<hbm>> -> memref<512xi32, #tpu.memory_space<hbm>>
      tpu.wait_dma2 semaphore(%run_scoped3A : memref<!tpu.dma_semaphore, #tpu.memory_space<semaphore_mem>>) src(%dma_wait3A_670 : memref<512xi32, #tpu.memory_space<hbm>>) dst(%arg7 : memref<512xi32, #tpu.memory_space<vmem>>)
      tpu.yield
    }) : () -> ()
    "tpu.region"() ({
      %run_scoped3A = tpu.sem_alloc : memref<!tpu.dma_semaphore, #tpu.memory_space<semaphore_mem>>
      %dma_start3A_659 = arith.constant 0 : i32
      %dma_start3A_660 = tpu.memref_slice %arg5[%add3A, %dma_start3A_659] : memref<32x512xi32, #tpu.memory_space<hbm>> -> memref<1x512xi32, #tpu.memory_space<hbm>>
      %dma_start3A_661 = tpu.memref_squeeze %dma_start3A_660 : memref<1x512xi32, #tpu.memory_space<hbm>> -> memref<512xi32, #tpu.memory_space<hbm>>
      %dma_start3A_662 = arith.constant 0 : i32
      %dma_start3A_663 = tpu.memref_slice %arg5[%add3A, %dma_start3A_662] : memref<32x512xi32, #tpu.memory_space<hbm>> -> memref<1x512xi32, #tpu.memory_space<hbm>>
      %dma_start3A_664 = tpu.memref_squeeze %dma_start3A_663 : memref<1x512xi32, #tpu.memory_space<hbm>> -> memref<512xi32, #tpu.memory_space<hbm>>
      tpu.enqueue_dma source(%dma_start3A_664 : memref<512xi32, #tpu.memory_space<hbm>>) target(%arg8 : memref<512xi32, #tpu.memory_space<vmem>>) target_semaphore(%run_scoped3A : memref<!tpu.dma_semaphore, #tpu.memory_space<semaphore_mem>>)
      %dma_wait3A_665 = arith.constant 0 : i32
      %dma_wait3A_666 = tpu.memref_slice %arg5[%add3A, %dma_wait3A_665] : memref<32x512xi32, #tpu.memory_space<hbm>> -> memref<1x512xi32, #tpu.memory_space<hbm>>
      %dma_wait3A_667 = tpu.memref_squeeze %dma_wait3A_666 : memref<1x512xi32, #tpu.memory_space<hbm>> -> memref<512xi32, #tpu.memory_space<hbm>>
      %dma_wait3A_668 = arith.constant 0 : i32
      %dma_wait3A_669 = tpu.memref_slice %arg5[%add3A, %dma_wait3A_668] : memref<32x512xi32, #tpu.memory_space<hbm>> -> memref<1x512xi32, #tpu.memory_space<hbm>>
      %dma_wait3A_670 = tpu.memref_squeeze %dma_wait3A_669 : memref<1x512xi32, #tpu.memory_space<hbm>> -> memref<512xi32, #tpu.memory_space<hbm>>
      tpu.wait_dma2 semaphore(%run_scoped3A : memref<!tpu.dma_semaphore, #tpu.memory_space<semaphore_mem>>) src(%dma_wait3A_670 : memref<512xi32, #tpu.memory_space<hbm>>) dst(%arg8 : memref<512xi32, #tpu.memory_space<vmem>>)
      tpu.yield
    }) : () -> ()
    %get3A = arith.constant 0 : index
    %get3A_3 = tpu.vector_load %arg8[%get3A] {strides = array<i32>} : memref<512xi32, #tpu.memory_space<vmem>>, vector<16xi32>,
    %get3A_4 = vector.shape_cast %get3A_3 : vector<16xi32> to vector<16xi32>
    %mul3A_5 = arith.constant 512 : i32
    %mul3A_6 = vector.broadcast %mul3A_5 : i32 to vector<16xi32>
    %mul3A_7 = arith.muli %get3A_4, %mul3A_6 : vector<16xi32>
    %iota3A = tpu.iota {dimensions = array<i32: 0>} : vector<16xi32>
    %add3A_8 = arith.addi %mul3A_7, %iota3A : vector<16xi32>
    %add3A_9 = arith.constant 0 : i32
    %add3A_10 = vector.broadcast %add3A_9 : i32 to vector<16xi32>
    %add3A_11 = arith.addi %add3A_8, %add3A_10 : vector<16xi32>
    %swap3A = arith.constant 0 : index
    %swap3A_12 = tpu.vector_load %arg8[%swap3A] {strides = array<i32>} : memref<512xi32, #tpu.memory_space<vmem>>, vector<16xi32>,
    %swap3A_13 = vector.shape_cast %swap3A_12 : vector<16xi32> to vector<16xi32>
    %swap3A_14 = vector.shape_cast %add3A_11 : vector<16xi32> to vector<16xi32>
    tpu.vector_store %arg8[%swap3A], %swap3A_14 {strides = array<i32>} : memref<512xi32, #tpu.memory_space<vmem>>, vector<16xi32>,
    %get3A_15 = arith.constant 16 : index
    %get3A_16 = tpu.vector_load %arg8[%get3A_15] {strides = array<i32>} : memref<512xi32, #tpu.memory_space<vmem>>, vector<16xi32>,
    %get3A_17 = vector.shape_cast %get3A_16 : vector<16xi32> to vector<16xi32>
    %mul3A_18 = arith.constant 512 : i32
    %mul3A_19 = vector.broadcast %mul3A_18 : i32 to vector<16xi32>
    %mul3A_20 = arith.muli %get3A_17, %mul3A_19 : vector<16xi32>
    %iota3A_21 = tpu.iota {dimensions = array<i32: 0>} : vector<16xi32>
    %add3A_22 = arith.addi %mul3A_20, %iota3A_21 : vector<16xi32>
    %add3A_23 = arith.constant 16 : i32
    %add3A_24 = vector.broadcast %add3A_23 : i32 to vector<16xi32>
    %add3A_25 = arith.addi %add3A_22, %add3A_24 : vector<16xi32>
    %swap3A_26 = arith.constant 16 : index
    %swap3A_27 = tpu.vector_load %arg8[%swap3A_26] {strides = array<i32>} : memref<512xi32, #tpu.memory_space<vmem>>, vector<16xi32>,
    %swap3A_28 = vector.shape_cast %swap3A_27 : vector<16xi32> to vector<16xi32>
    %swap3A_29 = vector.shape_cast %add3A_25 : vector<16xi32> to vector<16xi32>
    tpu.vector_store %arg8[%swap3A_26], %swap3A_29 {strides = array<i32>} : memref<512xi32, #tpu.memory_space<vmem>>, vector<16xi32>,
    %get3A_30 = arith.constant 32 : index
    %get3A_31 = tpu.vector_load %arg8[%get3A_30] {strides = array<i32>} : memref<512xi32, #tpu.memory_space<vmem>>, vector<16xi32>,
    %get3A_32 = vector.shape_cast %get3A_31 : vector<16xi32> to vector<16xi32>
    %mul3A_33 = arith.constant 512 : i32
    %mul3A_34 = vector.broadcast %mul3A_33 : i32 to vector<16xi32>
    %mul3A_35 = arith.muli %get3A_32, %mul3A_34 : vector<16xi32>
    %iota3A_36 = tpu.iota {dimensions = array<i32: 0>} : vector<16xi32>
    %add3A_37 = arith.addi %mul3A_35, %iota3A_36 : vector<16xi32>
    %add3A_38 = arith.constant 32 : i32
    %add3A_39 = vector.broadcast %add3A_38 : i32 to vector<16xi32>
    %add3A_40 = arith.addi %add3A_37, %add3A_39 : vector<16xi32>
    %swap3A_41 = arith.constant 32 : index
    %swap3A_42 = tpu.vector_load %arg8[%swap3A_41] {strides = array<i32>} : memref<512xi32, #tpu.memory_space<vmem>>, vector<16xi32>,
    %swap3A_43 = vector.shape_cast %swap3A_42 : vector<16xi32> to vector<16xi32>
    %swap3A_44 = vector.shape_cast %add3A_40 : vector<16xi32> to vector<16xi32>
    tpu.vector_store %arg8[%swap3A_41], %swap3A_44 {strides = array<i32>} : memref<512xi32, #tpu.memory_space<vmem>>, vector<16xi32>,
    %get3A_45 = arith.constant 48 : index
    %get3A_46 = tpu.vector_load %arg8[%get3A_45] {strides = array<i32>} : memref<512xi32, #tpu.memory_space<vmem>>, vector<16xi32>,
    %get3A_47 = vector.shape_cast %get3A_46 : vector<16xi32> to vector<16xi32>
    %mul3A_48 = arith.constant 512 : i32
    %mul3A_49 = vector.broadcast %mul3A_48 : i32 to vector<16xi32>
    %mul3A_50 = arith.muli %get3A_47, %mul3A_49 : vector<16xi32>
    %iota3A_51 = tpu.iota {dimensions = array<i32: 0>} : vector<16xi32>
    %add3A_52 = arith.addi %mul3A_50, %iota3A_51 : vector<16xi32>
    %add3A_53 = arith.constant 48 : i32
    %add3A_54 = vector.broadcast %add3A_53 : i32 to vector<16xi32>
    %add3A_55 = arith.addi %add3A_52, %add3A_54 : vector<16xi32>
    %swap3A_56 = arith.constant 48 : index
    %swap3A_57 = tpu.vector_load %arg8[%swap3A_56] {strides = array<i32>} : memref<512xi32, #tpu.memory_space<vmem>>, vector<16xi32>,
    %swap3A_58 = vector.shape_cast %swap3A_57 : vector<16xi32> to vector<16xi32>
    %swap3A_59 = vector.shape_cast %add3A_55 : vector<16xi32> to vector<16xi32>
    tpu.vector_store %arg8[%swap3A_56], %swap3A_59 {strides = array<i32>} : memref<512xi32, #tpu.memory_space<vmem>>, vector<16xi32>,
    %get3A_60 = arith.constant 64 : index
    %get3A_61 = tpu.vector_load %arg8[%get3A_60] {strides = array<i32>} : memref<512xi32, #tpu.memory_space<vmem>>, vector<16xi32>,
    %get3A_62 = vector.shape_cast %get3A_61 : vector<16xi32> to vector<16xi32>
    %mul3A_63 = arith.constant 512 : i32
    %mul3A_64 = vector.broadcast %mul3A_63 : i32 to vector<16xi32>
    %mul3A_65 = arith.muli %get3A_62, %mul3A_64 : vector<16xi32>
    %iota3A_66 = tpu.iota {dimensions = array<i32: 0>} : vector<16xi32>
    %add3A_67 = arith.addi %mul3A_65, %iota3A_66 : vector<16xi32>
    %add3A_68 = arith.constant 64 : i32
    %add3A_69 = vector.broadcast %add3A_68 : i32 to vector<16xi32>
    %add3A_70 = arith.addi %add3A_67, %add3A_69 : vector<16xi32>
    %swap3A_71 = arith.constant 64 : index
    %swap3A_72 = tpu.vector_load %arg8[%swap3A_71] {strides = array<i32>} : memref<512xi32, #tpu.memory_space<vmem>>, vector<16xi32>,
    %swap3A_73 = vector.shape_cast %swap3A_72 : vector<16xi32> to vector<16xi32>
    %swap3A_74 = vector.shape_cast %add3A_70 : vector<16xi32> to vector<16xi32>
    tpu.vector_store %arg8[%swap3A_71], %swap3A_74 {strides = array<i32>} : memref<512xi32, #tpu.memory_space<vmem>>, vector<16xi32>,
    %get3A_75 = arith.constant 80 : index
    %get3A_76 = tpu.vector_load %arg8[%get3A_75] {strides = array<i32>} : memref<512xi32, #tpu.memory_space<vmem>>, vector<16xi32>,
    %get3A_77 = vector.shape_cast %get3A_76 : vector<16xi32> to vector<16xi32>
    %mul3A_78 = arith.constant 512 : i32
    %mul3A_79 = vector.broadcast %mul3A_78 : i32 to vector<16xi32>
    %mul3A_80 = arith.muli %get3A_77, %mul3A_79 : vector<16xi32>
    %iota3A_81 = tpu.iota {dimensions = array<i32: 0>} : vector<16xi32>
    %add3A_82 = arith.addi %mul3A_80, %iota3A_81 : vector<16xi32>
    %add3A_83 = arith.constant 80 : i32
    %add3A_84 = vector.broadcast %add3A_83 : i32 to vector<16xi32>
    %add3A_85 = arith.addi %add3A_82, %add3A_84 : vector<16xi32>
    %swap3A_86 = arith.constant 80 : index
    %swap3A_87 = tpu.vector_load %arg8[%swap3A_86] {strides = array<i32>} : memref<512xi32, #tpu.memory_space<vmem>>, vector<16xi32>,
    %swap3A_88 = vector.shape_cast %swap3A_87 : vector<16xi32> to vector<16xi32>
    %swap3A_89 = vector.shape_cast %add3A_85 : vector<16xi32> to vector<16xi32>
    tpu.vector_store %arg8[%swap3A_86], %swap3A_89 {strides = array<i32>} : memref<512xi32, #tpu.memory_space<vmem>>, vector<16xi32>,
    %get3A_90 = arith.constant 96 : index
    %get3A_91 = tpu.vector_load %arg8[%get3A_90] {strides = array<i32>} : memref<512xi32, #tpu.memory_space<vmem>>, vector<16xi32>,
    %get3A_92 = vector.shape_cast %get3A_91 : vector<16xi32> to vector<16xi32>
    %mul3A_93 = arith.constant 512 : i32
    %mul3A_94 = vector.broadcast %mul3A_93 : i32 to vector<16xi32>
    %mul3A_95 = arith.muli %get3A_92, %mul3A_94 : vector<16xi32>
    %iota3A_96 = tpu.iota {dimensions = array<i32: 0>} : vector<16xi32>
    %add3A_97 = arith.addi %mul3A_95, %iota3A_96 : vector<16xi32>
    %add3A_98 = arith.constant 96 : i32
    %add3A_99 = vector.broadcast %add3A_98 : i32 to vector<16xi32>
    %add3A_100 = arith.addi %add3A_97, %add3A_99 : vector<16xi32>
    %swap3A_101 = arith.constant 96 : index
    %swap3A_102 = tpu.vector_load %arg8[%swap3A_101] {strides = array<i32>} : memref<512xi32, #tpu.memory_space<vmem>>, vector<16xi32>,
    %swap3A_103 = vector.shape_cast %swap3A_102 : vector<16xi32> to vector<16xi32>
    %swap3A_104 = vector.shape_cast %add3A_100 : vector<16xi32> to vector<16xi32>
    tpu.vector_store %arg8[%swap3A_101], %swap3A_104 {strides = array<i32>} : memref<512xi32, #tpu.memory_space<vmem>>, vector<16xi32>,
    %get3A_105 = arith.constant 112 : index
    %get3A_106 = tpu.vector_load %arg8[%get3A_105] {strides = array<i32>} : memref<512xi32, #tpu.memory_space<vmem>>, vector<16xi32>,
    %get3A_107 = vector.shape_cast %get3A_106 : vector<16xi32> to vector<16xi32>
    %mul3A_108 = arith.constant 512 : i32
    %mul3A_109 = vector.broadcast %mul3A_108 : i32 to vector<16xi32>
    %mul3A_110 = arith.muli %get3A_107, %mul3A_109 : vector<16xi32>
    %iota3A_111 = tpu.iota {dimensions = array<i32: 0>} : vector<16xi32>
    %add3A_112 = arith.addi %mul3A_110, %iota3A_111 : vector<16xi32>
    %add3A_113 = arith.constant 112 : i32
    %add3A_114 = vector.broadcast %add3A_113 : i32 to vector<16xi32>
    %add3A_115 = arith.addi %add3A_112, %add3A_114 : vector<16xi32>
    %swap3A_116 = arith.constant 112 : index
    %swap3A_117 = tpu.vector_load %arg8[%swap3A_116] {strides = array<i32>} : memref<512xi32, #tpu.memory_space<vmem>>, vector<16xi32>,
    %swap3A_118 = vector.shape_cast %swap3A_117 : vector<16xi32> to vector<16xi32>
    %swap3A_119 = vector.shape_cast %add3A_115 : vector<16xi32> to vector<16xi32>
    tpu.vector_store %arg8[%swap3A_116], %swap3A_119 {strides = array<i32>} : memref<512xi32, #tpu.memory_space<vmem>>, vector<16xi32>,
    %get3A_120 = arith.constant 128 : index
    %get3A_121 = tpu.vector_load %arg8[%get3A_120] {strides = array<i32>} : memref<512xi32, #tpu.memory_space<vmem>>, vector<16xi32>,
    %get3A_122 = vector.shape_cast %get3A_121 : vector<16xi32> to vector<16xi32>
    %mul3A_123 = arith.constant 512 : i32
    %mul3A_124 = vector.broadcast %mul3A_123 : i32 to vector<16xi32>
    %mul3A_125 = arith.muli %get3A_122, %mul3A_124 : vector<16xi32>
    %iota3A_126 = tpu.iota {dimensions = array<i32: 0>} : vector<16xi32>
    %add3A_127 = arith.addi %mul3A_125, %iota3A_126 : vector<16xi32>
    %add3A_128 = arith.constant 128 : i32
    %add3A_129 = vector.broadcast %add3A_128 : i32 to vector<16xi32>
    %add3A_130 = arith.addi %add3A_127, %add3A_129 : vector<16xi32>
    %swap3A_131 = arith.constant 128 : index
    %swap3A_132 = tpu.vector_load %arg8[%swap3A_131] {strides = array<i32>} : memref<512xi32, #tpu.memory_space<vmem>>, vector<16xi32>,
    %swap3A_133 = vector.shape_cast %swap3A_132 : vector<16xi32> to vector<16xi32>
    %swap3A_134 = vector.shape_cast %add3A_130 : vector<16xi32> to vector<16xi32>
    tpu.vector_store %arg8[%swap3A_131], %swap3A_134 {strides = array<i32>} : memref<512xi32, #tpu.memory_space<vmem>>, vector<16xi32>,
    %get3A_135 = arith.constant 144 : index
    %get3A_136 = tpu.vector_load %arg8[%get3A_135] {strides = array<i32>} : memref<512xi32, #tpu.memory_space<vmem>>, vector<16xi32>,
    %get3A_137 = vector.shape_cast %get3A_136 : vector<16xi32> to vector<16xi32>
    %mul3A_138 = arith.constant 512 : i32
    %mul3A_139 = vector.broadcast %mul3A_138 : i32 to vector<16xi32>
    %mul3A_140 = arith.muli %get3A_137, %mul3A_139 : vector<16xi32>
    %iota3A_141 = tpu.iota {dimensions = array<i32: 0>} : vector<16xi32>
    %add3A_142 = arith.addi %mul3A_140, %iota3A_141 : vector<16xi32>
    %add3A_143 = arith.constant 144 : i32
    %add3A_144 = vector.broadcast %add3A_143 : i32 to vector<16xi32>
    %add3A_145 = arith.addi %add3A_142, %add3A_144 : vector<16xi32>
    %swap3A_146 = arith.constant 144 : index
    %swap3A_147 = tpu.vector_load %arg8[%swap3A_146] {strides = array<i32>} : memref<512xi32, #tpu.memory_space<vmem>>, vector<16xi32>,
    %swap3A_148 = vector.shape_cast %swap3A_147 : vector<16xi32> to vector<16xi32>
    %swap3A_149 = vector.shape_cast %add3A_145 : vector<16xi32> to vector<16xi32>
    tpu.vector_store %arg8[%swap3A_146], %swap3A_149 {strides = array<i32>} : memref<512xi32, #tpu.memory_space<vmem>>, vector<16xi32>,
    %get3A_150 = arith.constant 160 : index
    %get3A_151 = tpu.vector_load %arg8[%get3A_150] {strides = array<i32>} : memref<512xi32, #tpu.memory_space<vmem>>, vector<16xi32>,
    %get3A_152 = vector.shape_cast %get3A_151 : vector<16xi32> to vector<16xi32>
    %mul3A_153 = arith.constant 512 : i32
    %mul3A_154 = vector.broadcast %mul3A_153 : i32 to vector<16xi32>
    %mul3A_155 = arith.muli %get3A_152, %mul3A_154 : vector<16xi32>
    %iota3A_156 = tpu.iota {dimensions = array<i32: 0>} : vector<16xi32>
    %add3A_157 = arith.addi %mul3A_155, %iota3A_156 : vector<16xi32>
    %add3A_158 = arith.constant 160 : i32
    %add3A_159 = vector.broadcast %add3A_158 : i32 to vector<16xi32>
    %add3A_160 = arith.addi %add3A_157, %add3A_159 : vector<16xi32>
    %swap3A_161 = arith.constant 160 : index
    %swap3A_162 = tpu.vector_load %arg8[%swap3A_161] {strides = array<i32>} : memref<512xi32, #tpu.memory_space<vmem>>, vector<16xi32>,
    %swap3A_163 = vector.shape_cast %swap3A_162 : vector<16xi32> to vector<16xi32>
    %swap3A_164 = vector.shape_cast %add3A_160 : vector<16xi32> to vector<16xi32>
    tpu.vector_store %arg8[%swap3A_161], %swap3A_164 {strides = array<i32>} : memref<512xi32, #tpu.memory_space<vmem>>, vector<16xi32>,
    %get3A_165 = arith.constant 176 : index
    %get3A_166 = tpu.vector_load %arg8[%get3A_165] {strides = array<i32>} : memref<512xi32, #tpu.memory_space<vmem>>, vector<16xi32>,
    %get3A_167 = vector.shape_cast %get3A_166 : vector<16xi32> to vector<16xi32>
    %mul3A_168 = arith.constant 512 : i32
    %mul3A_169 = vector.broadcast %mul3A_168 : i32 to vector<16xi32>
    %mul3A_170 = arith.muli %get3A_167, %mul3A_169 : vector<16xi32>
    %iota3A_171 = tpu.iota {dimensions = array<i32: 0>} : vector<16xi32>
    %add3A_172 = arith.addi %mul3A_170, %iota3A_171 : vector<16xi32>
    %add3A_173 = arith.constant 176 : i32
    %add3A_174 = vector.broadcast %add3A_173 : i32 to vector<16xi32>
    %add3A_175 = arith.addi %add3A_172, %add3A_174 : vector<16xi32>
    %swap3A_176 = arith.constant 176 : index
    %swap3A_177 = tpu.vector_load %arg8[%swap3A_176] {strides = array<i32>} : memref<512xi32, #tpu.memory_space<vmem>>, vector<16xi32>,
    %swap3A_178 = vector.shape_cast %swap3A_177 : vector<16xi32> to vector<16xi32>
    %swap3A_179 = vector.shape_cast %add3A_175 : vector<16xi32> to vector<16xi32>
    tpu.vector_store %arg8[%swap3A_176], %swap3A_179 {strides = array<i32>} : memref<512xi32, #tpu.memory_space<vmem>>, vector<16xi32>,
    %get3A_180 = arith.constant 192 : index
    %get3A_181 = tpu.vector_load %arg8[%get3A_180] {strides = array<i32>} : memref<512xi32, #tpu.memory_space<vmem>>, vector<16xi32>,
    %get3A_182 = vector.shape_cast %get3A_181 : vector<16xi32> to vector<16xi32>
    %mul3A_183 = arith.constant 512 : i32
    %mul3A_184 = vector.broadcast %mul3A_183 : i32 to vector<16xi32>
    %mul3A_185 = arith.muli %get3A_182, %mul3A_184 : vector<16xi32>
    %iota3A_186 = tpu.iota {dimensions = array<i32: 0>} : vector<16xi32>
    %add3A_187 = arith.addi %mul3A_185, %iota3A_186 : vector<16xi32>
    %add3A_188 = arith.constant 192 : i32
    %add3A_189 = vector.broadcast %add3A_188 : i32 to vector<16xi32>
    %add3A_190 = arith.addi %add3A_187, %add3A_189 : vector<16xi32>
    %swap3A_191 = arith.constant 192 : index
    %swap3A_192 = tpu.vector_load %arg8[%swap3A_191] {strides = array<i32>} : memref<512xi32, #tpu.memory_space<vmem>>, vector<16xi32>,
    %swap3A_193 = vector.shape_cast %swap3A_192 : vector<16xi32> to vector<16xi32>
    %swap3A_194 = vector.shape_cast %add3A_190 : vector<16xi32> to vector<16xi32>
    tpu.vector_store %arg8[%swap3A_191], %swap3A_194 {strides = array<i32>} : memref<512xi32, #tpu.memory_space<vmem>>, vector<16xi32>,
    %get3A_195 = arith.constant 208 : index
    %get3A_196 = tpu.vector_load %arg8[%get3A_195] {strides = array<i32>} : memref<512xi32, #tpu.memory_space<vmem>>, vector<16xi32>,
    %get3A_197 = vector.shape_cast %get3A_196 : vector<16xi32> to vector<16xi32>
    %mul3A_198 = arith.constant 512 : i32
    %mul3A_199 = vector.broadcast %mul3A_198 : i32 to vector<16xi32>
    %mul3A_200 = arith.muli %get3A_197, %mul3A_199 : vector<16xi32>
    %iota3A_201 = tpu.iota {dimensions = array<i32: 0>} : vector<16xi32>
    %add3A_202 = arith.addi %mul3A_200, %iota3A_201 : vector<16xi32>
    %add3A_203 = arith.constant 208 : i32
    %add3A_204 = vector.broadcast %add3A_203 : i32 to vector<16xi32>
    %add3A_205 = arith.addi %add3A_202, %add3A_204 : vector<16xi32>
    %swap3A_206 = arith.constant 208 : index
    %swap3A_207 = tpu.vector_load %arg8[%swap3A_206] {strides = array<i32>} : memref<512xi32, #tpu.memory_space<vmem>>, vector<16xi32>,
    %swap3A_208 = vector.shape_cast %swap3A_207 : vector<16xi32> to vector<16xi32>
    %swap3A_209 = vector.shape_cast %add3A_205 : vector<16xi32> to vector<16xi32>
    tpu.vector_store %arg8[%swap3A_206], %swap3A_209 {strides = array<i32>} : memref<512xi32, #tpu.memory_space<vmem>>, vector<16xi32>,
    %get3A_210 = arith.constant 224 : index
    %get3A_211 = tpu.vector_load %arg8[%get3A_210] {strides = array<i32>} : memref<512xi32, #tpu.memory_space<vmem>>, vector<16xi32>,
    %get3A_212 = vector.shape_cast %get3A_211 : vector<16xi32> to vector<16xi32>
    %mul3A_213 = arith.constant 512 : i32
    %mul3A_214 = vector.broadcast %mul3A_213 : i32 to vector<16xi32>
    %mul3A_215 = arith.muli %get3A_212, %mul3A_214 : vector<16xi32>
    %iota3A_216 = tpu.iota {dimensions = array<i32: 0>} : vector<16xi32>
    %add3A_217 = arith.addi %mul3A_215, %iota3A_216 : vector<16xi32>
    %add3A_218 = arith.constant 224 : i32
    %add3A_219 = vector.broadcast %add3A_218 : i32 to vector<16xi32>
    %add3A_220 = arith.addi %add3A_217, %add3A_219 : vector<16xi32>
    %swap3A_221 = arith.constant 224 : index
    %swap3A_222 = tpu.vector_load %arg8[%swap3A_221] {strides = array<i32>} : memref<512xi32, #tpu.memory_space<vmem>>, vector<16xi32>,
    %swap3A_223 = vector.shape_cast %swap3A_222 : vector<16xi32> to vector<16xi32>
    %swap3A_224 = vector.shape_cast %add3A_220 : vector<16xi32> to vector<16xi32>
    tpu.vector_store %arg8[%swap3A_221], %swap3A_224 {strides = array<i32>} : memref<512xi32, #tpu.memory_space<vmem>>, vector<16xi32>,
    %get3A_225 = arith.constant 240 : index
    %get3A_226 = tpu.vector_load %arg8[%get3A_225] {strides = array<i32>} : memref<512xi32, #tpu.memory_space<vmem>>, vector<16xi32>,
    %get3A_227 = vector.shape_cast %get3A_226 : vector<16xi32> to vector<16xi32>
    %mul3A_228 = arith.constant 512 : i32
    %mul3A_229 = vector.broadcast %mul3A_228 : i32 to vector<16xi32>
    %mul3A_230 = arith.muli %get3A_227, %mul3A_229 : vector<16xi32>
    %iota3A_231 = tpu.iota {dimensions = array<i32: 0>} : vector<16xi32>
    %add3A_232 = arith.addi %mul3A_230, %iota3A_231 : vector<16xi32>
    %add3A_233 = arith.constant 240 : i32
    %add3A_234 = vector.broadcast %add3A_233 : i32 to vector<16xi32>
    %add3A_235 = arith.addi %add3A_232, %add3A_234 : vector<16xi32>
    %swap3A_236 = arith.constant 240 : index
    %swap3A_237 = tpu.vector_load %arg8[%swap3A_236] {strides = array<i32>} : memref<512xi32, #tpu.memory_space<vmem>>, vector<16xi32>,
    %swap3A_238 = vector.shape_cast %swap3A_237 : vector<16xi32> to vector<16xi32>
    %swap3A_239 = vector.shape_cast %add3A_235 : vector<16xi32> to vector<16xi32>
    tpu.vector_store %arg8[%swap3A_236], %swap3A_239 {strides = array<i32>} : memref<512xi32, #tpu.memory_space<vmem>>, vector<16xi32>,
    %get3A_240 = arith.constant 256 : index
    %get3A_241 = tpu.vector_load %arg8[%get3A_240] {strides = array<i32>} : memref<512xi32, #tpu.memory_space<vmem>>, vector<16xi32>,
    %get3A_242 = vector.shape_cast %get3A_241 : vector<16xi32> to vector<16xi32>
    %mul3A_243 = arith.constant 512 : i32
    %mul3A_244 = vector.broadcast %mul3A_243 : i32 to vector<16xi32>
    %mul3A_245 = arith.muli %get3A_242, %mul3A_244 : vector<16xi32>
    %iota3A_246 = tpu.iota {dimensions = array<i32: 0>} : vector<16xi32>
    %add3A_247 = arith.addi %mul3A_245, %iota3A_246 : vector<16xi32>
    %add3A_248 = arith.constant 256 : i32
    %add3A_249 = vector.broadcast %add3A_248 : i32 to vector<16xi32>
    %add3A_250 = arith.addi %add3A_247, %add3A_249 : vector<16xi32>
    %swap3A_251 = arith.constant 256 : index
    %swap3A_252 = tpu.vector_load %arg8[%swap3A_251] {strides = array<i32>} : memref<512xi32, #tpu.memory_space<vmem>>, vector<16xi32>,
    %swap3A_253 = vector.shape_cast %swap3A_252 : vector<16xi32> to vector<16xi32>
    %swap3A_254 = vector.shape_cast %add3A_250 : vector<16xi32> to vector<16xi32>
    tpu.vector_store %arg8[%swap3A_251], %swap3A_254 {strides = array<i32>} : memref<512xi32, #tpu.memory_space<vmem>>, vector<16xi32>,
    %get3A_255 = arith.constant 272 : index
    %get3A_256 = tpu.vector_load %arg8[%get3A_255] {strides = array<i32>} : memref<512xi32, #tpu.memory_space<vmem>>, vector<16xi32>,
    %get3A_257 = vector.shape_cast %get3A_256 : vector<16xi32> to vector<16xi32>
    %mul3A_258 = arith.constant 512 : i32
    %mul3A_259 = vector.broadcast %mul3A_258 : i32 to vector<16xi32>
    %mul3A_260 = arith.muli %get3A_257, %mul3A_259 : vector<16xi32>
    %iota3A_261 = tpu.iota {dimensions = array<i32: 0>} : vector<16xi32>
    %add3A_262 = arith.addi %mul3A_260, %iota3A_261 : vector<16xi32>
    %add3A_263 = arith.constant 272 : i32
    %add3A_264 = vector.broadcast %add3A_263 : i32 to vector<16xi32>
    %add3A_265 = arith.addi %add3A_262, %add3A_264 : vector<16xi32>
    %swap3A_266 = arith.constant 272 : index
    %swap3A_267 = tpu.vector_load %arg8[%swap3A_266] {strides = array<i32>} : memref<512xi32, #tpu.memory_space<vmem>>, vector<16xi32>,
    %swap3A_268 = vector.shape_cast %swap3A_267 : vector<16xi32> to vector<16xi32>
    %swap3A_269 = vector.shape_cast %add3A_265 : vector<16xi32> to vector<16xi32>
    tpu.vector_store %arg8[%swap3A_266], %swap3A_269 {strides = array<i32>} : memref<512xi32, #tpu.memory_space<vmem>>, vector<16xi32>,
    %get3A_270 = arith.constant 288 : index
    %get3A_271 = tpu.vector_load %arg8[%get3A_270] {strides = array<i32>} : memref<512xi32, #tpu.memory_space<vmem>>, vector<16xi32>,
    %get3A_272 = vector.shape_cast %get3A_271 : vector<16xi32> to vector<16xi32>
    %mul3A_273 = arith.constant 512 : i32
    %mul3A_274 = vector.broadcast %mul3A_273 : i32 to vector<16xi32>
    %mul3A_275 = arith.muli %get3A_272, %mul3A_274 : vector<16xi32>
    %iota3A_276 = tpu.iota {dimensions = array<i32: 0>} : vector<16xi32>
    %add3A_277 = arith.addi %mul3A_275, %iota3A_276 : vector<16xi32>
    %add3A_278 = arith.constant 288 : i32
    %add3A_279 = vector.broadcast %add3A_278 : i32 to vector<16xi32>
    %add3A_280 = arith.addi %add3A_277, %add3A_279 : vector<16xi32>
    %swap3A_281 = arith.constant 288 : index
    %swap3A_282 = tpu.vector_load %arg8[%swap3A_281] {strides = array<i32>} : memref<512xi32, #tpu.memory_space<vmem>>, vector<16xi32>,
    %swap3A_283 = vector.shape_cast %swap3A_282 : vector<16xi32> to vector<16xi32>
    %swap3A_284 = vector.shape_cast %add3A_280 : vector<16xi32> to vector<16xi32>
    tpu.vector_store %arg8[%swap3A_281], %swap3A_284 {strides = array<i32>} : memref<512xi32, #tpu.memory_space<vmem>>, vector<16xi32>,
    %get3A_285 = arith.constant 304 : index
    %get3A_286 = tpu.vector_load %arg8[%get3A_285] {strides = array<i32>} : memref<512xi32, #tpu.memory_space<vmem>>, vector<16xi32>,
    %get3A_287 = vector.shape_cast %get3A_286 : vector<16xi32> to vector<16xi32>
    %mul3A_288 = arith.constant 512 : i32
    %mul3A_289 = vector.broadcast %mul3A_288 : i32 to vector<16xi32>
    %mul3A_290 = arith.muli %get3A_287, %mul3A_289 : vector<16xi32>
    %iota3A_291 = tpu.iota {dimensions = array<i32: 0>} : vector<16xi32>
    %add3A_292 = arith.addi %mul3A_290, %iota3A_291 : vector<16xi32>
    %add3A_293 = arith.constant 304 : i32
    %add3A_294 = vector.broadcast %add3A_293 : i32 to vector<16xi32>
    %add3A_295 = arith.addi %add3A_292, %add3A_294 : vector<16xi32>
    %swap3A_296 = arith.constant 304 : index
    %swap3A_297 = tpu.vector_load %arg8[%swap3A_296] {strides = array<i32>} : memref<512xi32, #tpu.memory_space<vmem>>, vector<16xi32>,
    %swap3A_298 = vector.shape_cast %swap3A_297 : vector<16xi32> to vector<16xi32>
    %swap3A_299 = vector.shape_cast %add3A_295 : vector<16xi32> to vector<16xi32>
    tpu.vector_store %arg8[%swap3A_296], %swap3A_299 {strides = array<i32>} : memref<512xi32, #tpu.memory_space<vmem>>, vector<16xi32>,
    %get3A_300 = arith.constant 320 : index
    %get3A_301 = tpu.vector_load %arg8[%get3A_300] {strides = array<i32>} : memref<512xi32, #tpu.memory_space<vmem>>, vector<16xi32>,
    %get3A_302 = vector.shape_cast %get3A_301 : vector<16xi32> to vector<16xi32>
    %mul3A_303 = arith.constant 512 : i32
    %mul3A_304 = vector.broadcast %mul3A_303 : i32 to vector<16xi32>
    %mul3A_305 = arith.muli %get3A_302, %mul3A_304 : vector<16xi32>
    %iota3A_306 = tpu.iota {dimensions = array<i32: 0>} : vector<16xi32>
    %add3A_307 = arith.addi %mul3A_305, %iota3A_306 : vector<16xi32>
    %add3A_308 = arith.constant 320 : i32
    %add3A_309 = vector.broadcast %add3A_308 : i32 to vector<16xi32>
    %add3A_310 = arith.addi %add3A_307, %add3A_309 : vector<16xi32>
    %swap3A_311 = arith.constant 320 : index
    %swap3A_312 = tpu.vector_load %arg8[%swap3A_311] {strides = array<i32>} : memref<512xi32, #tpu.memory_space<vmem>>, vector<16xi32>,
    %swap3A_313 = vector.shape_cast %swap3A_312 : vector<16xi32> to vector<16xi32>
    %swap3A_314 = vector.shape_cast %add3A_310 : vector<16xi32> to vector<16xi32>
    tpu.vector_store %arg8[%swap3A_311], %swap3A_314 {strides = array<i32>} : memref<512xi32, #tpu.memory_space<vmem>>, vector<16xi32>,
    %get3A_315 = arith.constant 336 : index
    %get3A_316 = tpu.vector_load %arg8[%get3A_315] {strides = array<i32>} : memref<512xi32, #tpu.memory_space<vmem>>, vector<16xi32>,
    %get3A_317 = vector.shape_cast %get3A_316 : vector<16xi32> to vector<16xi32>
    %mul3A_318 = arith.constant 512 : i32
    %mul3A_319 = vector.broadcast %mul3A_318 : i32 to vector<16xi32>
    %mul3A_320 = arith.muli %get3A_317, %mul3A_319 : vector<16xi32>
    %iota3A_321 = tpu.iota {dimensions = array<i32: 0>} : vector<16xi32>
    %add3A_322 = arith.addi %mul3A_320, %iota3A_321 : vector<16xi32>
    %add3A_323 = arith.constant 336 : i32
    %add3A_324 = vector.broadcast %add3A_323 : i32 to vector<16xi32>
    %add3A_325 = arith.addi %add3A_322, %add3A_324 : vector<16xi32>
    %swap3A_326 = arith.constant 336 : index
    %swap3A_327 = tpu.vector_load %arg8[%swap3A_326] {strides = array<i32>} : memref<512xi32, #tpu.memory_space<vmem>>, vector<16xi32>,
    %swap3A_328 = vector.shape_cast %swap3A_327 : vector<16xi32> to vector<16xi32>
    %swap3A_329 = vector.shape_cast %add3A_325 : vector<16xi32> to vector<16xi32>
    tpu.vector_store %arg8[%swap3A_326], %swap3A_329 {strides = array<i32>} : memref<512xi32, #tpu.memory_space<vmem>>, vector<16xi32>,
    %get3A_330 = arith.constant 352 : index
    %get3A_331 = tpu.vector_load %arg8[%get3A_330] {strides = array<i32>} : memref<512xi32, #tpu.memory_space<vmem>>, vector<16xi32>,
    %get3A_332 = vector.shape_cast %get3A_331 : vector<16xi32> to vector<16xi32>
    %mul3A_333 = arith.constant 512 : i32
    %mul3A_334 = vector.broadcast %mul3A_333 : i32 to vector<16xi32>
    %mul3A_335 = arith.muli %get3A_332, %mul3A_334 : vector<16xi32>
    %iota3A_336 = tpu.iota {dimensions = array<i32: 0>} : vector<16xi32>
    %add3A_337 = arith.addi %mul3A_335, %iota3A_336 : vector<16xi32>
    %add3A_338 = arith.constant 352 : i32
    %add3A_339 = vector.broadcast %add3A_338 : i32 to vector<16xi32>
    %add3A_340 = arith.addi %add3A_337, %add3A_339 : vector<16xi32>
    %swap3A_341 = arith.constant 352 : index
    %swap3A_342 = tpu.vector_load %arg8[%swap3A_341] {strides = array<i32>} : memref<512xi32, #tpu.memory_space<vmem>>, vector<16xi32>,
    %swap3A_343 = vector.shape_cast %swap3A_342 : vector<16xi32> to vector<16xi32>
    %swap3A_344 = vector.shape_cast %add3A_340 : vector<16xi32> to vector<16xi32>
    tpu.vector_store %arg8[%swap3A_341], %swap3A_344 {strides = array<i32>} : memref<512xi32, #tpu.memory_space<vmem>>, vector<16xi32>,
    %get3A_345 = arith.constant 368 : index
    %get3A_346 = tpu.vector_load %arg8[%get3A_345] {strides = array<i32>} : memref<512xi32, #tpu.memory_space<vmem>>, vector<16xi32>,
    %get3A_347 = vector.shape_cast %get3A_346 : vector<16xi32> to vector<16xi32>
    %mul3A_348 = arith.constant 512 : i32
    %mul3A_349 = vector.broadcast %mul3A_348 : i32 to vector<16xi32>
    %mul3A_350 = arith.muli %get3A_347, %mul3A_349 : vector<16xi32>
    %iota3A_351 = tpu.iota {dimensions = array<i32: 0>} : vector<16xi32>
    %add3A_352 = arith.addi %mul3A_350, %iota3A_351 : vector<16xi32>
    %add3A_353 = arith.constant 368 : i32
    %add3A_354 = vector.broadcast %add3A_353 : i32 to vector<16xi32>
    %add3A_355 = arith.addi %add3A_352, %add3A_354 : vector<16xi32>
    %swap3A_356 = arith.constant 368 : index
    %swap3A_357 = tpu.vector_load %arg8[%swap3A_356] {strides = array<i32>} : memref<512xi32, #tpu.memory_space<vmem>>, vector<16xi32>,
    %swap3A_358 = vector.shape_cast %swap3A_357 : vector<16xi32> to vector<16xi32>
    %swap3A_359 = vector.shape_cast %add3A_355 : vector<16xi32> to vector<16xi32>
    tpu.vector_store %arg8[%swap3A_356], %swap3A_359 {strides = array<i32>} : memref<512xi32, #tpu.memory_space<vmem>>, vector<16xi32>,
    %get3A_360 = arith.constant 384 : index
    %get3A_361 = tpu.vector_load %arg8[%get3A_360] {strides = array<i32>} : memref<512xi32, #tpu.memory_space<vmem>>, vector<16xi32>,
    %get3A_362 = vector.shape_cast %get3A_361 : vector<16xi32> to vector<16xi32>
    %mul3A_363 = arith.constant 512 : i32
    %mul3A_364 = vector.broadcast %mul3A_363 : i32 to vector<16xi32>
    %mul3A_365 = arith.muli %get3A_362, %mul3A_364 : vector<16xi32>
    %iota3A_366 = tpu.iota {dimensions = array<i32: 0>} : vector<16xi32>
    %add3A_367 = arith.addi %mul3A_365, %iota3A_366 : vector<16xi32>
    %add3A_368 = arith.constant 384 : i32
    %add3A_369 = vector.broadcast %add3A_368 : i32 to vector<16xi32>
    %add3A_370 = arith.addi %add3A_367, %add3A_369 : vector<16xi32>
    %swap3A_371 = arith.constant 384 : index
    %swap3A_372 = tpu.vector_load %arg8[%swap3A_371] {strides = array<i32>} : memref<512xi32, #tpu.memory_space<vmem>>, vector<16xi32>,
    %swap3A_373 = vector.shape_cast %swap3A_372 : vector<16xi32> to vector<16xi32>
    %swap3A_374 = vector.shape_cast %add3A_370 : vector<16xi32> to vector<16xi32>
    tpu.vector_store %arg8[%swap3A_371], %swap3A_374 {strides = array<i32>} : memref<512xi32, #tpu.memory_space<vmem>>, vector<16xi32>,
    %get3A_375 = arith.constant 400 : index
    %get3A_376 = tpu.vector_load %arg8[%get3A_375] {strides = array<i32>} : memref<512xi32, #tpu.memory_space<vmem>>, vector<16xi32>,
    %get3A_377 = vector.shape_cast %get3A_376 : vector<16xi32> to vector<16xi32>
    %mul3A_378 = arith.constant 512 : i32
    %mul3A_379 = vector.broadcast %mul3A_378 : i32 to vector<16xi32>
    %mul3A_380 = arith.muli %get3A_377, %mul3A_379 : vector<16xi32>
    %iota3A_381 = tpu.iota {dimensions = array<i32: 0>} : vector<16xi32>
    %add3A_382 = arith.addi %mul3A_380, %iota3A_381 : vector<16xi32>
    %add3A_383 = arith.constant 400 : i32
    %add3A_384 = vector.broadcast %add3A_383 : i32 to vector<16xi32>
    %add3A_385 = arith.addi %add3A_382, %add3A_384 : vector<16xi32>
    %swap3A_386 = arith.constant 400 : index
    %swap3A_387 = tpu.vector_load %arg8[%swap3A_386] {strides = array<i32>} : memref<512xi32, #tpu.memory_space<vmem>>, vector<16xi32>,
    %swap3A_388 = vector.shape_cast %swap3A_387 : vector<16xi32> to vector<16xi32>
    %swap3A_389 = vector.shape_cast %add3A_385 : vector<16xi32> to vector<16xi32>
    tpu.vector_store %arg8[%swap3A_386], %swap3A_389 {strides = array<i32>} : memref<512xi32, #tpu.memory_space<vmem>>, vector<16xi32>,
    %get3A_390 = arith.constant 416 : index
    %get3A_391 = tpu.vector_load %arg8[%get3A_390] {strides = array<i32>} : memref<512xi32, #tpu.memory_space<vmem>>, vector<16xi32>,
    %get3A_392 = vector.shape_cast %get3A_391 : vector<16xi32> to vector<16xi32>
    %mul3A_393 = arith.constant 512 : i32
    %mul3A_394 = vector.broadcast %mul3A_393 : i32 to vector<16xi32>
    %mul3A_395 = arith.muli %get3A_392, %mul3A_394 : vector<16xi32>
    %iota3A_396 = tpu.iota {dimensions = array<i32: 0>} : vector<16xi32>
    %add3A_397 = arith.addi %mul3A_395, %iota3A_396 : vector<16xi32>
    %add3A_398 = arith.constant 416 : i32
    %add3A_399 = vector.broadcast %add3A_398 : i32 to vector<16xi32>
    %add3A_400 = arith.addi %add3A_397, %add3A_399 : vector<16xi32>
    %swap3A_401 = arith.constant 416 : index
    %swap3A_402 = tpu.vector_load %arg8[%swap3A_401] {strides = array<i32>} : memref<512xi32, #tpu.memory_space<vmem>>, vector<16xi32>,
    %swap3A_403 = vector.shape_cast %swap3A_402 : vector<16xi32> to vector<16xi32>
    %swap3A_404 = vector.shape_cast %add3A_400 : vector<16xi32> to vector<16xi32>
    tpu.vector_store %arg8[%swap3A_401], %swap3A_404 {strides = array<i32>} : memref<512xi32, #tpu.memory_space<vmem>>, vector<16xi32>,
    %get3A_405 = arith.constant 432 : index
    %get3A_406 = tpu.vector_load %arg8[%get3A_405] {strides = array<i32>} : memref<512xi32, #tpu.memory_space<vmem>>, vector<16xi32>,
    %get3A_407 = vector.shape_cast %get3A_406 : vector<16xi32> to vector<16xi32>
    %mul3A_408 = arith.constant 512 : i32
    %mul3A_409 = vector.broadcast %mul3A_408 : i32 to vector<16xi32>
    %mul3A_410 = arith.muli %get3A_407, %mul3A_409 : vector<16xi32>
    %iota3A_411 = tpu.iota {dimensions = array<i32: 0>} : vector<16xi32>
    %add3A_412 = arith.addi %mul3A_410, %iota3A_411 : vector<16xi32>
    %add3A_413 = arith.constant 432 : i32
    %add3A_414 = vector.broadcast %add3A_413 : i32 to vector<16xi32>
    %add3A_415 = arith.addi %add3A_412, %add3A_414 : vector<16xi32>
    %swap3A_416 = arith.constant 432 : index
    %swap3A_417 = tpu.vector_load %arg8[%swap3A_416] {strides = array<i32>} : memref<512xi32, #tpu.memory_space<vmem>>, vector<16xi32>,
    %swap3A_418 = vector.shape_cast %swap3A_417 : vector<16xi32> to vector<16xi32>
    %swap3A_419 = vector.shape_cast %add3A_415 : vector<16xi32> to vector<16xi32>
    tpu.vector_store %arg8[%swap3A_416], %swap3A_419 {strides = array<i32>} : memref<512xi32, #tpu.memory_space<vmem>>, vector<16xi32>,
    %get3A_420 = arith.constant 448 : index
    %get3A_421 = tpu.vector_load %arg8[%get3A_420] {strides = array<i32>} : memref<512xi32, #tpu.memory_space<vmem>>, vector<16xi32>,
    %get3A_422 = vector.shape_cast %get3A_421 : vector<16xi32> to vector<16xi32>
    %mul3A_423 = arith.constant 512 : i32
    %mul3A_424 = vector.broadcast %mul3A_423 : i32 to vector<16xi32>
    %mul3A_425 = arith.muli %get3A_422, %mul3A_424 : vector<16xi32>
    %iota3A_426 = tpu.iota {dimensions = array<i32: 0>} : vector<16xi32>
    %add3A_427 = arith.addi %mul3A_425, %iota3A_426 : vector<16xi32>
    %add3A_428 = arith.constant 448 : i32
    %add3A_429 = vector.broadcast %add3A_428 : i32 to vector<16xi32>
    %add3A_430 = arith.addi %add3A_427, %add3A_429 : vector<16xi32>
    %swap3A_431 = arith.constant 448 : index
    %swap3A_432 = tpu.vector_load %arg8[%swap3A_431] {strides = array<i32>} : memref<512xi32, #tpu.memory_space<vmem>>, vector<16xi32>,
    %swap3A_433 = vector.shape_cast %swap3A_432 : vector<16xi32> to vector<16xi32>
    %swap3A_434 = vector.shape_cast %add3A_430 : vector<16xi32> to vector<16xi32>
    tpu.vector_store %arg8[%swap3A_431], %swap3A_434 {strides = array<i32>} : memref<512xi32, #tpu.memory_space<vmem>>, vector<16xi32>,
    %get3A_435 = arith.constant 464 : index
    %get3A_436 = tpu.vector_load %arg8[%get3A_435] {strides = array<i32>} : memref<512xi32, #tpu.memory_space<vmem>>, vector<16xi32>,
    %get3A_437 = vector.shape_cast %get3A_436 : vector<16xi32> to vector<16xi32>
    %mul3A_438 = arith.constant 512 : i32
    %mul3A_439 = vector.broadcast %mul3A_438 : i32 to vector<16xi32>
    %mul3A_440 = arith.muli %get3A_437, %mul3A_439 : vector<16xi32>
    %iota3A_441 = tpu.iota {dimensions = array<i32: 0>} : vector<16xi32>
    %add3A_442 = arith.addi %mul3A_440, %iota3A_441 : vector<16xi32>
    %add3A_443 = arith.constant 464 : i32
    %add3A_444 = vector.broadcast %add3A_443 : i32 to vector<16xi32>
    %add3A_445 = arith.addi %add3A_442, %add3A_444 : vector<16xi32>
    %swap3A_446 = arith.constant 464 : index
    %swap3A_447 = tpu.vector_load %arg8[%swap3A_446] {strides = array<i32>} : memref<512xi32, #tpu.memory_space<vmem>>, vector<16xi32>,
    %swap3A_448 = vector.shape_cast %swap3A_447 : vector<16xi32> to vector<16xi32>
    %swap3A_449 = vector.shape_cast %add3A_445 : vector<16xi32> to vector<16xi32>
    tpu.vector_store %arg8[%swap3A_446], %swap3A_449 {strides = array<i32>} : memref<512xi32, #tpu.memory_space<vmem>>, vector<16xi32>,
    %get3A_450 = arith.constant 480 : index
    %get3A_451 = tpu.vector_load %arg8[%get3A_450] {strides = array<i32>} : memref<512xi32, #tpu.memory_space<vmem>>, vector<16xi32>,
    %get3A_452 = vector.shape_cast %get3A_451 : vector<16xi32> to vector<16xi32>
    %mul3A_453 = arith.constant 512 : i32
    %mul3A_454 = vector.broadcast %mul3A_453 : i32 to vector<16xi32>
    %mul3A_455 = arith.muli %get3A_452, %mul3A_454 : vector<16xi32>
    %iota3A_456 = tpu.iota {dimensions = array<i32: 0>} : vector<16xi32>
    %add3A_457 = arith.addi %mul3A_455, %iota3A_456 : vector<16xi32>
    %add3A_458 = arith.constant 480 : i32
    %add3A_459 = vector.broadcast %add3A_458 : i32 to vector<16xi32>
    %add3A_460 = arith.addi %add3A_457, %add3A_459 : vector<16xi32>
    %swap3A_461 = arith.constant 480 : index
    %swap3A_462 = tpu.vector_load %arg8[%swap3A_461] {strides = array<i32>} : memref<512xi32, #tpu.memory_space<vmem>>, vector<16xi32>,
    %swap3A_463 = vector.shape_cast %swap3A_462 : vector<16xi32> to vector<16xi32>
    %swap3A_464 = vector.shape_cast %add3A_460 : vector<16xi32> to vector<16xi32>
    tpu.vector_store %arg8[%swap3A_461], %swap3A_464 {strides = array<i32>} : memref<512xi32, #tpu.memory_space<vmem>>, vector<16xi32>,
    %get3A_465 = arith.constant 496 : index
    %get3A_466 = tpu.vector_load %arg8[%get3A_465] {strides = array<i32>} : memref<512xi32, #tpu.memory_space<vmem>>, vector<16xi32>,
    %get3A_467 = vector.shape_cast %get3A_466 : vector<16xi32> to vector<16xi32>
    %mul3A_468 = arith.constant 512 : i32
    %mul3A_469 = vector.broadcast %mul3A_468 : i32 to vector<16xi32>
    %mul3A_470 = arith.muli %get3A_467, %mul3A_469 : vector<16xi32>
    %iota3A_471 = tpu.iota {dimensions = array<i32: 0>} : vector<16xi32>
    %add3A_472 = arith.addi %mul3A_470, %iota3A_471 : vector<16xi32>
    %add3A_473 = arith.constant 496 : i32
    %add3A_474 = vector.broadcast %add3A_473 : i32 to vector<16xi32>
    %add3A_475 = arith.addi %add3A_472, %add3A_474 : vector<16xi32>
    %swap3A_476 = arith.constant 496 : index
    %swap3A_477 = tpu.vector_load %arg8[%swap3A_476] {strides = array<i32>} : memref<512xi32, #tpu.memory_space<vmem>>, vector<16xi32>,
    %swap3A_478 = vector.shape_cast %swap3A_477 : vector<16xi32> to vector<16xi32>
    %swap3A_479 = vector.shape_cast %add3A_475 : vector<16xi32> to vector<16xi32>
    tpu.vector_store %arg8[%swap3A_476], %swap3A_479 {strides = array<i32>} : memref<512xi32, #tpu.memory_space<vmem>>, vector<16xi32>,
    %dma_start3A = arith.constant 0 : i32
    %dma_start3A_480 = arith.constant 0 : i32
    %dma_start3A_481 = arith.constant 0 : i32
    %dma_start3A_482 = arith.constant 0 : i32
    %dma_start3A_483 = tpu.memref_slice %arg9[%dma_start3A, %dma_start3A_481, %dma_start3A_482] : memref<4x16x768xf32, #tpu.memory_space<vmem>> -> memref<1x16x768xf32, #tpu.memory_space<vmem>>
    %dma_start3A_484 = tpu.memref_squeeze %dma_start3A_483 : memref<1x16x768xf32, #tpu.memory_space<vmem>> -> memref<16x768xf32, #tpu.memory_space<vmem>>
    %dma_start3A_485 = arith.constant 0 : i32
    %dma_start3A_486 = tpu.memref_slice %arg7[%dma_start3A_485] : memref<512xi32, #tpu.memory_space<vmem>> -> memref<16xi32, #tpu.memory_space<vmem>>
    %dma_start3A_487 = arith.constant 0 : i32
    %dma_start3A_488 = arith.constant 0 : i32
    %dma_start3A_489 = tpu.memref_slice %arg2[%dma_start3A_487, %dma_start3A_488] : memref<100000x768xf32, #tpu.memory_space<hbm>> -> memref<100000x768xf32, #tpu.memory_space<hbm>>
    %dma_start3A_490 = tpu.memref_slice %arg11[%dma_start3A_480] : memref<4x!tpu.dma_semaphore, #tpu.memory_space<semaphore_mem>> -> memref<1x!tpu.dma_semaphore, #tpu.memory_space<semaphore_mem>>
    %dma_start3A_491 = tpu.memref_squeeze %dma_start3A_490 : memref<1x!tpu.dma_semaphore, #tpu.memory_space<semaphore_mem>> -> memref<!tpu.dma_semaphore, #tpu.memory_space<semaphore_mem>>
    tpu.enqueue_indirect_dma source(%dma_start3A_489 : memref<100000x768xf32, #tpu.memory_space<hbm>>) target(%dma_start3A_484 : memref<16x768xf32, #tpu.memory_space<vmem>>) offsets(%dma_start3A_486 : memref<16xi32, #tpu.memory_space<vmem>>) semaphore(%dma_start3A_491 : memref<!tpu.dma_semaphore, #tpu.memory_space<semaphore_mem>>)
    %dma_start3A_492 = arith.constant 0 : i32
    %dma_start3A_493 = arith.constant 0 : i32
    %dma_start3A_494 = arith.constant 0 : i32
    %dma_start3A_495 = arith.constant 0 : i32
    %dma_start3A_496 = tpu.memref_slice %arg10[%dma_start3A_492, %dma_start3A_494, %dma_start3A_495] : memref<4x16x768xf32, #tpu.memory_space<vmem>> -> memref<1x16x768xf32, #tpu.memory_space<vmem>>
    %dma_start3A_497 = tpu.memref_squeeze %dma_start3A_496 : memref<1x16x768xf32, #tpu.memory_space<vmem>> -> memref<16x768xf32, #tpu.memory_space<vmem>>
    %dma_start3A_498 = arith.constant 0 : i32
    %dma_start3A_499 = tpu.memref_slice %arg8[%dma_start3A_498] : memref<512xi32, #tpu.memory_space<vmem>> -> memref<16xi32, #tpu.memory_space<vmem>>
    %dma_start3A_500 = arith.constant 0 : i32
    %dma_start3A_501 = arith.constant 0 : i32
    %dma_start3A_502 = tpu.memref_slice %arg3[%dma_start3A_500, %dma_start3A_501] : memref<1536x768xf32, #tpu.memory_space<hbm>> -> memref<1536x768xf32, #tpu.memory_space<hbm>>
    %dma_start3A_503 = tpu.memref_slice %arg12[%dma_start3A_493] : memref<4x!tpu.dma_semaphore, #tpu.memory_space<semaphore_mem>> -> memref<1x!tpu.dma_semaphore, #tpu.memory_space<semaphore_mem>>
    %dma_start3A_504 = tpu.memref_squeeze %dma_start3A_503 : memref<1x!tpu.dma_semaphore, #tpu.memory_space<semaphore_mem>> -> memref<!tpu.dma_semaphore, #tpu.memory_space<semaphore_mem>>
    tpu.enqueue_indirect_dma source(%dma_start3A_502 : memref<1536x768xf32, #tpu.memory_space<hbm>>) target(%dma_start3A_497 : memref<16x768xf32, #tpu.memory_space<vmem>>) offsets(%dma_start3A_499 : memref<16xi32, #tpu.memory_space<vmem>>) semaphore(%dma_start3A_504 : memref<!tpu.dma_semaphore, #tpu.memory_space<semaphore_mem>>)
    %dma_start3A_505 = arith.constant 1 : i32
    %dma_start3A_506 = arith.constant 1 : i32
    %dma_start3A_507 = arith.constant 0 : i32
    %dma_start3A_508 = arith.constant 0 : i32
    %dma_start3A_509 = tpu.memref_slice %arg9[%dma_start3A_505, %dma_start3A_507, %dma_start3A_508] : memref<4x16x768xf32, #tpu.memory_space<vmem>> -> memref<1x16x768xf32, #tpu.memory_space<vmem>>
    %dma_start3A_510 = tpu.memref_squeeze %dma_start3A_509 : memref<1x16x768xf32, #tpu.memory_space<vmem>> -> memref<16x768xf32, #tpu.memory_space<vmem>>
    %dma_start3A_511 = arith.constant 16 : i32
    %dma_start3A_512 = tpu.memref_slice %arg7[%dma_start3A_511] : memref<512xi32, #tpu.memory_space<vmem>> -> memref<16xi32, #tpu.memory_space<vmem>>
    %dma_start3A_513 = arith.constant 0 : i32
    %dma_start3A_514 = arith.constant 0 : i32
    %dma_start3A_515 = tpu.memref_slice %arg2[%dma_start3A_513, %dma_start3A_514] : memref<100000x768xf32, #tpu.memory_space<hbm>> -> memref<100000x768xf32, #tpu.memory_space<hbm>>
    %dma_start3A_516 = tpu.memref_slice %arg11[%dma_start3A_506] : memref<4x!tpu.dma_semaphore, #tpu.memory_space<semaphore_mem>> -> memref<1x!tpu.dma_semaphore, #tpu.memory_space<semaphore_mem>>
    %dma_start3A_517 = tpu.memref_squeeze %dma_start3A_516 : memref<1x!tpu.dma_semaphore, #tpu.memory_space<semaphore_mem>> -> memref<!tpu.dma_semaphore, #tpu.memory_space<semaphore_mem>>
    tpu.enqueue_indirect_dma source(%dma_start3A_515 : memref<100000x768xf32, #tpu.memory_space<hbm>>) target(%dma_start3A_510 : memref<16x768xf32, #tpu.memory_space<vmem>>) offsets(%dma_start3A_512 : memref<16xi32, #tpu.memory_space<vmem>>) semaphore(%dma_start3A_517 : memref<!tpu.dma_semaphore, #tpu.memory_space<semaphore_mem>>)
    %dma_start3A_518 = arith.constant 1 : i32
    %dma_start3A_519 = arith.constant 1 : i32
    %dma_start3A_520 = arith.constant 0 : i32
    %dma_start3A_521 = arith.constant 0 : i32
    %dma_start3A_522 = tpu.memref_slice %arg10[%dma_start3A_518, %dma_start3A_520, %dma_start3A_521] : memref<4x16x768xf32, #tpu.memory_space<vmem>> -> memref<1x16x768xf32, #tpu.memory_space<vmem>>
    %dma_start3A_523 = tpu.memref_squeeze %dma_start3A_522 : memref<1x16x768xf32, #tpu.memory_space<vmem>> -> memref<16x768xf32, #tpu.memory_space<vmem>>
    %dma_start3A_524 = arith.constant 16 : i32
    %dma_start3A_525 = tpu.memref_slice %arg8[%dma_start3A_524] : memref<512xi32, #tpu.memory_space<vmem>> -> memref<16xi32, #tpu.memory_space<vmem>>
    %dma_start3A_526 = arith.constant 0 : i32
    %dma_start3A_527 = arith.constant 0 : i32
    %dma_start3A_528 = tpu.memref_slice %arg3[%dma_start3A_526, %dma_start3A_527] : memref<1536x768xf32, #tpu.memory_space<hbm>> -> memref<1536x768xf32, #tpu.memory_space<hbm>>
    %dma_start3A_529 = tpu.memref_slice %arg12[%dma_start3A_519] : memref<4x!tpu.dma_semaphore, #tpu.memory_space<semaphore_mem>> -> memref<1x!tpu.dma_semaphore, #tpu.memory_space<semaphore_mem>>
    %dma_start3A_530 = tpu.memref_squeeze %dma_start3A_529 : memref<1x!tpu.dma_semaphore, #tpu.memory_space<semaphore_mem>> -> memref<!tpu.dma_semaphore, #tpu.memory_space<semaphore_mem>>
    tpu.enqueue_indirect_dma source(%dma_start3A_528 : memref<1536x768xf32, #tpu.memory_space<hbm>>) target(%dma_start3A_523 : memref<16x768xf32, #tpu.memory_space<vmem>>) offsets(%dma_start3A_525 : memref<16xi32, #tpu.memory_space<vmem>>) semaphore(%dma_start3A_530 : memref<!tpu.dma_semaphore, #tpu.memory_space<semaphore_mem>>)
    %dma_start3A_531 = arith.constant 2 : i32
    %dma_start3A_532 = arith.constant 2 : i32
    %dma_start3A_533 = arith.constant 0 : i32
    %dma_start3A_534 = arith.constant 0 : i32
    %dma_start3A_535 = tpu.memref_slice %arg9[%dma_start3A_531, %dma_start3A_533, %dma_start3A_534] : memref<4x16x768xf32, #tpu.memory_space<vmem>> -> memref<1x16x768xf32, #tpu.memory_space<vmem>>
    %dma_start3A_536 = tpu.memref_squeeze %dma_start3A_535 : memref<1x16x768xf32, #tpu.memory_space<vmem>> -> memref<16x768xf32, #tpu.memory_space<vmem>>
    %dma_start3A_537 = arith.constant 32 : i32
    %dma_start3A_538 = tpu.memref_slice %arg7[%dma_start3A_537] : memref<512xi32, #tpu.memory_space<vmem>> -> memref<16xi32, #tpu.memory_space<vmem>>
    %dma_start3A_539 = arith.constant 0 : i32
    %dma_start3A_540 = arith.constant 0 : i32
    %dma_start3A_541 = tpu.memref_slice %arg2[%dma_start3A_539, %dma_start3A_540] : memref<100000x768xf32, #tpu.memory_space<hbm>> -> memref<100000x768xf32, #tpu.memory_space<hbm>>
    %dma_start3A_542 = tpu.memref_slice %arg11[%dma_start3A_532] : memref<4x!tpu.dma_semaphore, #tpu.memory_space<semaphore_mem>> -> memref<1x!tpu.dma_semaphore, #tpu.memory_space<semaphore_mem>>
    %dma_start3A_543 = tpu.memref_squeeze %dma_start3A_542 : memref<1x!tpu.dma_semaphore, #tpu.memory_space<semaphore_mem>> -> memref<!tpu.dma_semaphore, #tpu.memory_space<semaphore_mem>>
    tpu.enqueue_indirect_dma source(%dma_start3A_541 : memref<100000x768xf32, #tpu.memory_space<hbm>>) target(%dma_start3A_536 : memref<16x768xf32, #tpu.memory_space<vmem>>) offsets(%dma_start3A_538 : memref<16xi32, #tpu.memory_space<vmem>>) semaphore(%dma_start3A_543 : memref<!tpu.dma_semaphore, #tpu.memory_space<semaphore_mem>>)
    %dma_start3A_544 = arith.constant 2 : i32
    %dma_start3A_545 = arith.constant 2 : i32
    %dma_start3A_546 = arith.constant 0 : i32
    %dma_start3A_547 = arith.constant 0 : i32
    %dma_start3A_548 = tpu.memref_slice %arg10[%dma_start3A_544, %dma_start3A_546, %dma_start3A_547] : memref<4x16x768xf32, #tpu.memory_space<vmem>> -> memref<1x16x768xf32, #tpu.memory_space<vmem>>
    %dma_start3A_549 = tpu.memref_squeeze %dma_start3A_548 : memref<1x16x768xf32, #tpu.memory_space<vmem>> -> memref<16x768xf32, #tpu.memory_space<vmem>>
    %dma_start3A_550 = arith.constant 32 : i32
    %dma_start3A_551 = tpu.memref_slice %arg8[%dma_start3A_550] : memref<512xi32, #tpu.memory_space<vmem>> -> memref<16xi32, #tpu.memory_space<vmem>>
    %dma_start3A_552 = arith.constant 0 : i32
    %dma_start3A_553 = arith.constant 0 : i32
    %dma_start3A_554 = tpu.memref_slice %arg3[%dma_start3A_552, %dma_start3A_553] : memref<1536x768xf32, #tpu.memory_space<hbm>> -> memref<1536x768xf32, #tpu.memory_space<hbm>>
    %dma_start3A_555 = tpu.memref_slice %arg12[%dma_start3A_545] : memref<4x!tpu.dma_semaphore, #tpu.memory_space<semaphore_mem>> -> memref<1x!tpu.dma_semaphore, #tpu.memory_space<semaphore_mem>>
    %dma_start3A_556 = tpu.memref_squeeze %dma_start3A_555 : memref<1x!tpu.dma_semaphore, #tpu.memory_space<semaphore_mem>> -> memref<!tpu.dma_semaphore, #tpu.memory_space<semaphore_mem>>
    tpu.enqueue_indirect_dma source(%dma_start3A_554 : memref<1536x768xf32, #tpu.memory_space<hbm>>) target(%dma_start3A_549 : memref<16x768xf32, #tpu.memory_space<vmem>>) offsets(%dma_start3A_551 : memref<16xi32, #tpu.memory_space<vmem>>) semaphore(%dma_start3A_556 : memref<!tpu.dma_semaphore, #tpu.memory_space<semaphore_mem>>)
    %dma_start3A_557 = arith.constant 3 : i32
    %dma_start3A_558 = arith.constant 3 : i32
    %dma_start3A_559 = arith.constant 0 : i32
    %dma_start3A_560 = arith.constant 0 : i32
    %dma_start3A_561 = tpu.memref_slice %arg9[%dma_start3A_557, %dma_start3A_559, %dma_start3A_560] : memref<4x16x768xf32, #tpu.memory_space<vmem>> -> memref<1x16x768xf32, #tpu.memory_space<vmem>>
    %dma_start3A_562 = tpu.memref_squeeze %dma_start3A_561 : memref<1x16x768xf32, #tpu.memory_space<vmem>> -> memref<16x768xf32, #tpu.memory_space<vmem>>
    %dma_start3A_563 = arith.constant 48 : i32
    %dma_start3A_564 = tpu.memref_slice %arg7[%dma_start3A_563] : memref<512xi32, #tpu.memory_space<vmem>> -> memref<16xi32, #tpu.memory_space<vmem>>
    %dma_start3A_565 = arith.constant 0 : i32
    %dma_start3A_566 = arith.constant 0 : i32
    %dma_start3A_567 = tpu.memref_slice %arg2[%dma_start3A_565, %dma_start3A_566] : memref<100000x768xf32, #tpu.memory_space<hbm>> -> memref<100000x768xf32, #tpu.memory_space<hbm>>
    %dma_start3A_568 = tpu.memref_slice %arg11[%dma_start3A_558] : memref<4x!tpu.dma_semaphore, #tpu.memory_space<semaphore_mem>> -> memref<1x!tpu.dma_semaphore, #tpu.memory_space<semaphore_mem>>
    %dma_start3A_569 = tpu.memref_squeeze %dma_start3A_568 : memref<1x!tpu.dma_semaphore, #tpu.memory_space<semaphore_mem>> -> memref<!tpu.dma_semaphore, #tpu.memory_space<semaphore_mem>>
    tpu.enqueue_indirect_dma source(%dma_start3A_567 : memref<100000x768xf32, #tpu.memory_space<hbm>>) target(%dma_start3A_562 : memref<16x768xf32, #tpu.memory_space<vmem>>) offsets(%dma_start3A_564 : memref<16xi32, #tpu.memory_space<vmem>>) semaphore(%dma_start3A_569 : memref<!tpu.dma_semaphore, #tpu.memory_space<semaphore_mem>>)
    %dma_start3A_570 = arith.constant 3 : i32
    %dma_start3A_571 = arith.constant 3 : i32
    %dma_start3A_572 = arith.constant 0 : i32
    %dma_start3A_573 = arith.constant 0 : i32
    %dma_start3A_574 = tpu.memref_slice %arg10[%dma_start3A_570, %dma_start3A_572, %dma_start3A_573] : memref<4x16x768xf32, #tpu.memory_space<vmem>> -> memref<1x16x768xf32, #tpu.memory_space<vmem>>
    %dma_start3A_575 = tpu.memref_squeeze %dma_start3A_574 : memref<1x16x768xf32, #tpu.memory_space<vmem>> -> memref<16x768xf32, #tpu.memory_space<vmem>>
    %dma_start3A_576 = arith.constant 48 : i32
    %dma_start3A_577 = tpu.memref_slice %arg8[%dma_start3A_576] : memref<512xi32, #tpu.memory_space<vmem>> -> memref<16xi32, #tpu.memory_space<vmem>>
    %dma_start3A_578 = arith.constant 0 : i32
    %dma_start3A_579 = arith.constant 0 : i32
    %dma_start3A_580 = tpu.memref_slice %arg3[%dma_start3A_578, %dma_start3A_579] : memref<1536x768xf32, #tpu.memory_space<hbm>> -> memref<1536x768xf32, #tpu.memory_space<hbm>>
    %dma_start3A_581 = tpu.memref_slice %arg12[%dma_start3A_571] : memref<4x!tpu.dma_semaphore, #tpu.memory_space<semaphore_mem>> -> memref<1x!tpu.dma_semaphore, #tpu.memory_space<semaphore_mem>>
    %dma_start3A_582 = tpu.memref_squeeze %dma_start3A_581 : memref<1x!tpu.dma_semaphore, #tpu.memory_space<semaphore_mem>> -> memref<!tpu.dma_semaphore, #tpu.memory_space<semaphore_mem>>
    tpu.enqueue_indirect_dma source(%dma_start3A_580 : memref<1536x768xf32, #tpu.memory_space<hbm>>) target(%dma_start3A_575 : memref<16x768xf32, #tpu.memory_space<vmem>>) offsets(%dma_start3A_577 : memref<16xi32, #tpu.memory_space<vmem>>) semaphore(%dma_start3A_582 : memref<!tpu.dma_semaphore, #tpu.memory_space<semaphore_mem>>)
    %scan3A = arith.constant 0 : i32
    %scan3A_583 = arith.constant 0 : i32
    %scan3A_584 = arith.constant 8 : i32
    %scan3A_585 = arith.addi %scan3A_583, %scan3A_584 : i32
    %scan3A_586 = arith.constant 1 : i32
    scf.for %scan3A_659 = %scan3A_583 to %scan3A_585 step %scan3A_586  : i32 {
      %mul3A_660 = arith.constant 4 : i32
      %mul3A_661 = arith.muli %scan3A_659, %mul3A_660 : i32
      %add3A_662 = arith.constant 0 : i32
      %add3A_663 = arith.addi %mul3A_661, %add3A_662 : i32
      %mul3A_664 = arith.constant 16 : i32
      %mul3A_665 = arith.muli %add3A_663, %mul3A_664 : i32
      %mul3A_666 = arith.constant 16 : i32
      %mul3A_667 = arith.muli %add3A_663, %mul3A_666 : i32
      %dma_wait3A_668 = arith.constant 0 : i32
      %dma_wait3A_669 = arith.constant 0 : i32
      %dma_wait3A_670 = arith.constant 0 : i32
      %dma_wait3A_671 = arith.constant 0 : i32
      %dma_wait3A_672 = tpu.memref_slice %arg9[%dma_wait3A_668, %dma_wait3A_670, %dma_wait3A_671] : memref<4x16x768xf32, #tpu.memory_space<vmem>> -> memref<1x16x768xf32, #tpu.memory_space<vmem>>
      %dma_wait3A_673 = tpu.memref_squeeze %dma_wait3A_672 : memref<1x16x768xf32, #tpu.memory_space<vmem>> -> memref<16x768xf32, #tpu.memory_space<vmem>>
      %dma_wait3A_674 = tpu.memref_slice %arg7[%mul3A_665] : memref<512xi32, #tpu.memory_space<vmem>> -> memref<16xi32, #tpu.memory_space<vmem>>
      %dma_wait3A_675 = arith.constant 0 : i32
      %dma_wait3A_676 = arith.constant 0 : i32
      %dma_wait3A_677 = tpu.memref_slice %arg2[%dma_wait3A_675, %dma_wait3A_676] : memref<100000x768xf32, #tpu.memory_space<hbm>> -> memref<100000x768xf32, #tpu.memory_space<hbm>>
      %dma_wait3A_678 = tpu.memref_slice %arg11[%dma_wait3A_669] : memref<4x!tpu.dma_semaphore, #tpu.memory_space<semaphore_mem>> -> memref<1x!tpu.dma_semaphore, #tpu.memory_space<semaphore_mem>>
      %dma_wait3A_679 = tpu.memref_squeeze %dma_wait3A_678 : memref<1x!tpu.dma_semaphore, #tpu.memory_space<semaphore_mem>> -> memref<!tpu.dma_semaphore, #tpu.memory_space<semaphore_mem>>
      tpu.wait_indirect_dma semaphore(%dma_wait3A_679 : memref<!tpu.dma_semaphore, #tpu.memory_space<semaphore_mem>>) src(%dma_wait3A_677 : memref<100000x768xf32, #tpu.memory_space<hbm>>) dst(%dma_wait3A_673 : memref<16x768xf32, #tpu.memory_space<vmem>>)
      %dma_wait3A_680 = arith.constant 0 : i32
      %dma_wait3A_681 = arith.constant 0 : i32
      %dma_wait3A_682 = arith.constant 0 : i32
      %dma_wait3A_683 = arith.constant 0 : i32
      %dma_wait3A_684 = tpu.memref_slice %arg10[%dma_wait3A_680, %dma_wait3A_682, %dma_wait3A_683] : memref<4x16x768xf32, #tpu.memory_space<vmem>> -> memref<1x16x768xf32, #tpu.memory_space<vmem>>
      %dma_wait3A_685 = tpu.memref_squeeze %dma_wait3A_684 : memref<1x16x768xf32, #tpu.memory_space<vmem>> -> memref<16x768xf32, #tpu.memory_space<vmem>>
      %dma_wait3A_686 = tpu.memref_slice %arg8[%mul3A_667] : memref<512xi32, #tpu.memory_space<vmem>> -> memref<16xi32, #tpu.memory_space<vmem>>
      %dma_wait3A_687 = arith.constant 0 : i32
      %dma_wait3A_688 = arith.constant 0 : i32
      %dma_wait3A_689 = tpu.memref_slice %arg3[%dma_wait3A_687, %dma_wait3A_688] : memref<1536x768xf32, #tpu.memory_space<hbm>> -> memref<1536x768xf32, #tpu.memory_space<hbm>>
      %dma_wait3A_690 = tpu.memref_slice %arg12[%dma_wait3A_681] : memref<4x!tpu.dma_semaphore, #tpu.memory_space<semaphore_mem>> -> memref<1x!tpu.dma_semaphore, #tpu.memory_space<semaphore_mem>>
      %dma_wait3A_691 = tpu.memref_squeeze %dma_wait3A_690 : memref<1x!tpu.dma_semaphore, #tpu.memory_space<semaphore_mem>> -> memref<!tpu.dma_semaphore, #tpu.memory_space<semaphore_mem>>
      tpu.wait_indirect_dma semaphore(%dma_wait3A_691 : memref<!tpu.dma_semaphore, #tpu.memory_space<semaphore_mem>>) src(%dma_wait3A_689 : memref<1536x768xf32, #tpu.memory_space<hbm>>) dst(%dma_wait3A_685 : memref<16x768xf32, #tpu.memory_space<vmem>>)
      %scan3A_692 = arith.constant 0 : i32
      %scan3A_693 = arith.constant 0 : i32
      %scan3A_694 = arith.constant 48 : i32
      %scan3A_695 = arith.addi %scan3A_693, %scan3A_694 : i32
      %scan3A_696 = arith.constant 1 : i32
      scf.for %scan3A_930 = %scan3A_693 to %scan3A_695 step %scan3A_696  : i32 {
        %mul3A_931 = arith.constant 16 : i32
        %mul3A_932 = arith.muli %scan3A_930, %mul3A_931 : i32
        %get3A_933 = arith.constant 0 : i32
        %get3A_934 = arith.constant 0 : i32
        %get3A_935 = arith.index_cast %get3A_933 : i32 to index
        %get3A_936 = arith.index_cast %get3A_934 : i32 to index
        %get3A_937 = arith.index_cast %mul3A_932 : i32 to index
        %get3A_938 = tpu.vector_load %arg10[%get3A_935, %get3A_936, %get3A_937] {strides = array<i32>} : memref<4x16x768xf32, #tpu.memory_space<vmem>>, vector<1x1x16xf32>,
        %get3A_939 = vector.shape_cast %get3A_938 : vector<1x1x16xf32> to vector<16xf32>
        %swap3A_940 = arith.constant 0 : i32
        %swap3A_941 = arith.constant 0 : i32
        %swap3A_942 = arith.index_cast %swap3A_940 : i32 to index
        %swap3A_943 = arith.index_cast %swap3A_941 : i32 to index
        %swap3A_944 = arith.index_cast %mul3A_932 : i32 to index
        %swap3A_945 = tpu.vector_load %arg9[%swap3A_942, %swap3A_943, %swap3A_944] {strides = array<i32>} : memref<4x16x768xf32, #tpu.memory_space<vmem>>, vector<1x1x16xf32>,
        %swap3A_946 = vector.shape_cast %swap3A_945 : vector<1x1x16xf32> to vector<16xf32>
        %swap3A_947 = vector.shape_cast %get3A_939 : vector<16xf32> to vector<1x1x16xf32>
        tpu.vector_store %arg9[%swap3A_942, %swap3A_943, %swap3A_944], %swap3A_947 {add = true, strides = array<i32>} : memref<4x16x768xf32, #tpu.memory_space<vmem>>, vector<1x1x16xf32>,
        %get3A_948 = arith.constant 0 : i32
        %get3A_949 = arith.constant 1 : i32
        %get3A_950 = arith.index_cast %get3A_948 : i32 to index
        %get3A_951 = arith.index_cast %get3A_949 : i32 to index
        %get3A_952 = arith.index_cast %mul3A_932 : i32 to index
        %get3A_953 = tpu.vector_load %arg10[%get3A_950, %get3A_951, %get3A_952] {strides = array<i32>} : memref<4x16x768xf32, #tpu.memory_space<vmem>>, vector<1x1x16xf32>,
        %get3A_954 = vector.shape_cast %get3A_953 : vector<1x1x16xf32> to vector<16xf32>
        %swap3A_955 = arith.constant 0 : i32
        %swap3A_956 = arith.constant 1 : i32
        %swap3A_957 = arith.index_cast %swap3A_955 : i32 to index
        %swap3A_958 = arith.index_cast %swap3A_956 : i32 to index
        %swap3A_959 = arith.index_cast %mul3A_932 : i32 to index
        %swap3A_960 = tpu.vector_load %arg9[%swap3A_957, %swap3A_958, %swap3A_959] {strides = array<i32>} : memref<4x16x768xf32, #tpu.memory_space<vmem>>, vector<1x1x16xf32>,
        %swap3A_961 = vector.shape_cast %swap3A_960 : vector<1x1x16xf32> to vector<16xf32>
        %swap3A_962 = vector.shape_cast %get3A_954 : vector<16xf32> to vector<1x1x16xf32>
        tpu.vector_store %arg9[%swap3A_957, %swap3A_958, %swap3A_959], %swap3A_962 {add = true, strides = array<i32>} : memref<4x16x768xf32, #tpu.memory_space<vmem>>, vector<1x1x16xf32>,
        %get3A_963 = arith.constant 0 : i32
        %get3A_964 = arith.constant 2 : i32
        %get3A_965 = arith.index_cast %get3A_963 : i32 to index
        %get3A_966 = arith.index_cast %get3A_964 : i32 to index
        %get3A_967 = arith.index_cast %mul3A_932 : i32 to index
        %get3A_968 = tpu.vector_load %arg10[%get3A_965, %get3A_966, %get3A_967] {strides = array<i32>} : memref<4x16x768xf32, #tpu.memory_space<vmem>>, vector<1x1x16xf32>,
        %get3A_969 = vector.shape_cast %get3A_968 : vector<1x1x16xf32> to vector<16xf32>
        %swap3A_970 = arith.constant 0 : i32
        %swap3A_971 = arith.constant 2 : i32
        %swap3A_972 = arith.index_cast %swap3A_970 : i32 to index
        %swap3A_973 = arith.index_cast %swap3A_971 : i32 to index
        %swap3A_974 = arith.index_cast %mul3A_932 : i32 to index
        %swap3A_975 = tpu.vector_load %arg9[%swap3A_972, %swap3A_973, %swap3A_974] {strides = array<i32>} : memref<4x16x768xf32, #tpu.memory_space<vmem>>, vector<1x1x16xf32>,
        %swap3A_976 = vector.shape_cast %swap3A_975 : vector<1x1x16xf32> to vector<16xf32>
        %swap3A_977 = vector.shape_cast %get3A_969 : vector<16xf32> to vector<1x1x16xf32>
        tpu.vector_store %arg9[%swap3A_972, %swap3A_973, %swap3A_974], %swap3A_977 {add = true, strides = array<i32>} : memref<4x16x768xf32, #tpu.memory_space<vmem>>, vector<1x1x16xf32>,
        %get3A_978 = arith.constant 0 : i32
        %get3A_979 = arith.constant 3 : i32
        %get3A_980 = arith.index_cast %get3A_978 : i32 to index
        %get3A_981 = arith.index_cast %get3A_979 : i32 to index
        %get3A_982 = arith.index_cast %mul3A_932 : i32 to index
        %get3A_983 = tpu.vector_load %arg10[%get3A_980, %get3A_981, %get3A_982] {strides = array<i32>} : memref<4x16x768xf32, #tpu.memory_space<vmem>>, vector<1x1x16xf32>,
        %get3A_984 = vector.shape_cast %get3A_983 : vector<1x1x16xf32> to vector<16xf32>
        %swap3A_985 = arith.constant 0 : i32
        %swap3A_986 = arith.constant 3 : i32
        %swap3A_987 = arith.index_cast %swap3A_985 : i32 to index
        %swap3A_988 = arith.index_cast %swap3A_986 : i32 to index
        %swap3A_989 = arith.index_cast %mul3A_932 : i32 to index
        %swap3A_990 = tpu.vector_load %arg9[%swap3A_987, %swap3A_988, %swap3A_989] {strides = array<i32>} : memref<4x16x768xf32, #tpu.memory_space<vmem>>, vector<1x1x16xf32>,
        %swap3A_991 = vector.shape_cast %swap3A_990 : vector<1x1x16xf32> to vector<16xf32>
        %swap3A_992 = vector.shape_cast %get3A_984 : vector<16xf32> to vector<1x1x16xf32>
        tpu.vector_store %arg9[%swap3A_987, %swap3A_988, %swap3A_989], %swap3A_992 {add = true, strides = array<i32>} : memref<4x16x768xf32, #tpu.memory_space<vmem>>, vector<1x1x16xf32>,
        %get3A_993 = arith.constant 0 : i32
        %get3A_994 = arith.constant 4 : i32
        %get3A_995 = arith.index_cast %get3A_993 : i32 to index
        %get3A_996 = arith.index_cast %get3A_994 : i32 to index
        %get3A_997 = arith.index_cast %mul3A_932 : i32 to index
        %get3A_998 = tpu.vector_load %arg10[%get3A_995, %get3A_996, %get3A_997] {strides = array<i32>} : memref<4x16x768xf32, #tpu.memory_space<vmem>>, vector<1x1x16xf32>,
        %get3A_999 = vector.shape_cast %get3A_998 : vector<1x1x16xf32> to vector<16xf32>
        %swap3A_1000 = arith.constant 0 : i32
        %swap3A_1001 = arith.constant 4 : i32
        %swap3A_1002 = arith.index_cast %swap3A_1000 : i32 to index
        %swap3A_1003 = arith.index_cast %swap3A_1001 : i32 to index
        %swap3A_1004 = arith.index_cast %mul3A_932 : i32 to index
        %swap3A_1005 = tpu.vector_load %arg9[%swap3A_1002, %swap3A_1003, %swap3A_1004] {strides = array<i32>} : memref<4x16x768xf32, #tpu.memory_space<vmem>>, vector<1x1x16xf32>,
        %swap3A_1006 = vector.shape_cast %swap3A_1005 : vector<1x1x16xf32> to vector<16xf32>
        %swap3A_1007 = vector.shape_cast %get3A_999 : vector<16xf32> to vector<1x1x16xf32>
        tpu.vector_store %arg9[%swap3A_1002, %swap3A_1003, %swap3A_1004], %swap3A_1007 {add = true, strides = array<i32>} : memref<4x16x768xf32, #tpu.memory_space<vmem>>, vector<1x1x16xf32>,
        %get3A_1008 = arith.constant 0 : i32
        %get3A_1009 = arith.constant 5 : i32
        %get3A_1010 = arith.index_cast %get3A_1008 : i32 to index
        %get3A_1011 = arith.index_cast %get3A_1009 : i32 to index
        %get3A_1012 = arith.index_cast %mul3A_932 : i32 to index
        %get3A_1013 = tpu.vector_load %arg10[%get3A_1010, %get3A_1011, %get3A_1012] {strides = array<i32>} : memref<4x16x768xf32, #tpu.memory_space<vmem>>, vector<1x1x16xf32>,
        %get3A_1014 = vector.shape_cast %get3A_1013 : vector<1x1x16xf32> to vector<16xf32>
        %swap3A_1015 = arith.constant 0 : i32
        %swap3A_1016 = arith.constant 5 : i32
        %swap3A_1017 = arith.index_cast %swap3A_1015 : i32 to index
        %swap3A_1018 = arith.index_cast %swap3A_1016 : i32 to index
        %swap3A_1019 = arith.index_cast %mul3A_932 : i32 to index
        %swap3A_1020 = tpu.vector_load %arg9[%swap3A_1017, %swap3A_1018, %swap3A_1019] {strides = array<i32>} : memref<4x16x768xf32, #tpu.memory_space<vmem>>, vector<1x1x16xf32>,
        %swap3A_1021 = vector.shape_cast %swap3A_1020 : vector<1x1x16xf32> to vector<16xf32>
        %swap3A_1022 = vector.shape_cast %get3A_1014 : vector<16xf32> to vector<1x1x16xf32>
        tpu.vector_store %arg9[%swap3A_1017, %swap3A_1018, %swap3A_1019], %swap3A_1022 {add = true, strides = array<i32>} : memref<4x16x768xf32, #tpu.memory_space<vmem>>, vector<1x1x16xf32>,
        %get3A_1023 = arith.constant 0 : i32
        %get3A_1024 = arith.constant 6 : i32
        %get3A_1025 = arith.index_cast %get3A_1023 : i32 to index
        %get3A_1026 = arith.index_cast %get3A_1024 : i32 to index
        %get3A_1027 = arith.index_cast %mul3A_932 : i32 to index
        %get3A_1028 = tpu.vector_load %arg10[%get3A_1025, %get3A_1026, %get3A_1027] {strides = array<i32>} : memref<4x16x768xf32, #tpu.memory_space<vmem>>, vector<1x1x16xf32>,
        %get3A_1029 = vector.shape_cast %get3A_1028 : vector<1x1x16xf32> to vector<16xf32>
        %swap3A_1030 = arith.constant 0 : i32
        %swap3A_1031 = arith.constant 6 : i32
        %swap3A_1032 = arith.index_cast %swap3A_1030 : i32 to index
        %swap3A_1033 = arith.index_cast %swap3A_1031 : i32 to index
        %swap3A_1034 = arith.index_cast %mul3A_932 : i32 to index
        %swap3A_1035 = tpu.vector_load %arg9[%swap3A_1032, %swap3A_1033, %swap3A_1034] {strides = array<i32>} : memref<4x16x768xf32, #tpu.memory_space<vmem>>, vector<1x1x16xf32>,
        %swap3A_1036 = vector.shape_cast %swap3A_1035 : vector<1x1x16xf32> to vector<16xf32>
        %swap3A_1037 = vector.shape_cast %get3A_1029 : vector<16xf32> to vector<1x1x16xf32>
        tpu.vector_store %arg9[%swap3A_1032, %swap3A_1033, %swap3A_1034], %swap3A_1037 {add = true, strides = array<i32>} : memref<4x16x768xf32, #tpu.memory_space<vmem>>, vector<1x1x16xf32>,
        %get3A_1038 = arith.constant 0 : i32
        %get3A_1039 = arith.constant 7 : i32
        %get3A_1040 = arith.index_cast %get3A_1038 : i32 to index
        %get3A_1041 = arith.index_cast %get3A_1039 : i32 to index
        %get3A_1042 = arith.index_cast %mul3A_932 : i32 to index
        %get3A_1043 = tpu.vector_load %arg10[%get3A_1040, %get3A_1041, %get3A_1042] {strides = array<i32>} : memref<4x16x768xf32, #tpu.memory_space<vmem>>, vector<1x1x16xf32>,
        %get3A_1044 = vector.shape_cast %get3A_1043 : vector<1x1x16xf32> to vector<16xf32>
        %swap3A_1045 = arith.constant 0 : i32
        %swap3A_1046 = arith.constant 7 : i32
        %swap3A_1047 = arith.index_cast %swap3A_1045 : i32 to index
        %swap3A_1048 = arith.index_cast %swap3A_1046 : i32 to index
        %swap3A_1049 = arith.index_cast %mul3A_932 : i32 to index
        %swap3A_1050 = tpu.vector_load %arg9[%swap3A_1047, %swap3A_1048, %swap3A_1049] {strides = array<i32>} : memref<4x16x768xf32, #tpu.memory_space<vmem>>, vector<1x1x16xf32>,
        %swap3A_1051 = vector.shape_cast %swap3A_1050 : vector<1x1x16xf32> to vector<16xf32>
        %swap3A_1052 = vector.shape_cast %get3A_1044 : vector<16xf32> to vector<1x1x16xf32>
        tpu.vector_store %arg9[%swap3A_1047, %swap3A_1048, %swap3A_1049], %swap3A_1052 {add = true, strides = array<i32>} : memref<4x16x768xf32, #tpu.memory_space<vmem>>, vector<1x1x16xf32>,
        %get3A_1053 = arith.constant 0 : i32
        %get3A_1054 = arith.constant 8 : i32
        %get3A_1055 = arith.index_cast %get3A_1053 : i32 to index
        %get3A_1056 = arith.index_cast %get3A_1054 : i32 to index
        %get3A_1057 = arith.index_cast %mul3A_932 : i32 to index
        %get3A_1058 = tpu.vector_load %arg10[%get3A_1055, %get3A_1056, %get3A_1057] {strides = array<i32>} : memref<4x16x768xf32, #tpu.memory_space<vmem>>, vector<1x1x16xf32>,
        %get3A_1059 = vector.shape_cast %get3A_1058 : vector<1x1x16xf32> to vector<16xf32>
        %swap3A_1060 = arith.constant 0 : i32
        %swap3A_1061 = arith.constant 8 : i32
        %swap3A_1062 = arith.index_cast %swap3A_1060 : i32 to index
        %swap3A_1063 = arith.index_cast %swap3A_1061 : i32 to index
        %swap3A_1064 = arith.index_cast %mul3A_932 : i32 to index
        %swap3A_1065 = tpu.vector_load %arg9[%swap3A_1062, %swap3A_1063, %swap3A_1064] {strides = array<i32>} : memref<4x16x768xf32, #tpu.memory_space<vmem>>, vector<1x1x16xf32>,
        %swap3A_1066 = vector.shape_cast %swap3A_1065 : vector<1x1x16xf32> to vector<16xf32>
        %swap3A_1067 = vector.shape_cast %get3A_1059 : vector<16xf32> to vector<1x1x16xf32>
        tpu.vector_store %arg9[%swap3A_1062, %swap3A_1063, %swap3A_1064], %swap3A_1067 {add = true, strides = array<i32>} : memref<4x16x768xf32, #tpu.memory_space<vmem>>, vector<1x1x16xf32>,
        %get3A_1068 = arith.constant 0 : i32
        %get3A_1069 = arith.constant 9 : i32
        %get3A_1070 = arith.index_cast %get3A_1068 : i32 to index
        %get3A_1071 = arith.index_cast %get3A_1069 : i32 to index
        %get3A_1072 = arith.index_cast %mul3A_932 : i32 to index
        %get3A_1073 = tpu.vector_load %arg10[%get3A_1070, %get3A_1071, %get3A_1072] {strides = array<i32>} : memref<4x16x768xf32, #tpu.memory_space<vmem>>, vector<1x1x16xf32>,
        %get3A_1074 = vector.shape_cast %get3A_1073 : vector<1x1x16xf32> to vector<16xf32>
        %swap3A_1075 = arith.constant 0 : i32
        %swap3A_1076 = arith.constant 9 : i32
        %swap3A_1077 = arith.index_cast %swap3A_1075 : i32 to index
        %swap3A_1078 = arith.index_cast %swap3A_1076 : i32 to index
        %swap3A_1079 = arith.index_cast %mul3A_932 : i32 to index
        %swap3A_1080 = tpu.vector_load %arg9[%swap3A_1077, %swap3A_1078, %swap3A_1079] {strides = array<i32>} : memref<4x16x768xf32, #tpu.memory_space<vmem>>, vector<1x1x16xf32>,
        %swap3A_1081 = vector.shape_cast %swap3A_1080 : vector<1x1x16xf32> to vector<16xf32>
        %swap3A_1082 = vector.shape_cast %get3A_1074 : vector<16xf32> to vector<1x1x16xf32>
        tpu.vector_store %arg9[%swap3A_1077, %swap3A_1078, %swap3A_1079], %swap3A_1082 {add = true, strides = array<i32>} : memref<4x16x768xf32, #tpu.memory_space<vmem>>, vector<1x1x16xf32>,
        %get3A_1083 = arith.constant 0 : i32
        %get3A_1084 = arith.constant 10 : i32
        %get3A_1085 = arith.index_cast %get3A_1083 : i32 to index
        %get3A_1086 = arith.index_cast %get3A_1084 : i32 to index
        %get3A_1087 = arith.index_cast %mul3A_932 : i32 to index
        %get3A_1088 = tpu.vector_load %arg10[%get3A_1085, %get3A_1086, %get3A_1087] {strides = array<i32>} : memref<4x16x768xf32, #tpu.memory_space<vmem>>, vector<1x1x16xf32>,
        %get3A_1089 = vector.shape_cast %get3A_1088 : vector<1x1x16xf32> to vector<16xf32>
        %swap3A_1090 = arith.constant 0 : i32
        %swap3A_1091 = arith.constant 10 : i32
        %swap3A_1092 = arith.index_cast %swap3A_1090 : i32 to index
        %swap3A_1093 = arith.index_cast %swap3A_1091 : i32 to index
        %swap3A_1094 = arith.index_cast %mul3A_932 : i32 to index
        %swap3A_1095 = tpu.vector_load %arg9[%swap3A_1092, %swap3A_1093, %swap3A_1094] {strides = array<i32>} : memref<4x16x768xf32, #tpu.memory_space<vmem>>, vector<1x1x16xf32>,
        %swap3A_1096 = vector.shape_cast %swap3A_1095 : vector<1x1x16xf32> to vector<16xf32>
        %swap3A_1097 = vector.shape_cast %get3A_1089 : vector<16xf32> to vector<1x1x16xf32>
        tpu.vector_store %arg9[%swap3A_1092, %swap3A_1093, %swap3A_1094], %swap3A_1097 {add = true, strides = array<i32>} : memref<4x16x768xf32, #tpu.memory_space<vmem>>, vector<1x1x16xf32>,
        %get3A_1098 = arith.constant 0 : i32
        %get3A_1099 = arith.constant 11 : i32
        %get3A_1100 = arith.index_cast %get3A_1098 : i32 to index
        %get3A_1101 = arith.index_cast %get3A_1099 : i32 to index
        %get3A_1102 = arith.index_cast %mul3A_932 : i32 to index
        %get3A_1103 = tpu.vector_load %arg10[%get3A_1100, %get3A_1101, %get3A_1102] {strides = array<i32>} : memref<4x16x768xf32, #tpu.memory_space<vmem>>, vector<1x1x16xf32>,
        %get3A_1104 = vector.shape_cast %get3A_1103 : vector<1x1x16xf32> to vector<16xf32>
        %swap3A_1105 = arith.constant 0 : i32
        %swap3A_1106 = arith.constant 11 : i32
        %swap3A_1107 = arith.index_cast %swap3A_1105 : i32 to index
        %swap3A_1108 = arith.index_cast %swap3A_1106 : i32 to index
        %swap3A_1109 = arith.index_cast %mul3A_932 : i32 to index
        %swap3A_1110 = tpu.vector_load %arg9[%swap3A_1107, %swap3A_1108, %swap3A_1109] {strides = array<i32>} : memref<4x16x768xf32, #tpu.memory_space<vmem>>, vector<1x1x16xf32>,
        %swap3A_1111 = vector.shape_cast %swap3A_1110 : vector<1x1x16xf32> to vector<16xf32>
        %swap3A_1112 = vector.shape_cast %get3A_1104 : vector<16xf32> to vector<1x1x16xf32>
        tpu.vector_store %arg9[%swap3A_1107, %swap3A_1108, %swap3A_1109], %swap3A_1112 {add = true, strides = array<i32>} : memref<4x16x768xf32, #tpu.memory_space<vmem>>, vector<1x1x16xf32>,
        %get3A_1113 = arith.constant 0 : i32
        %get3A_1114 = arith.constant 12 : i32
        %get3A_1115 = arith.index_cast %get3A_1113 : i32 to index
        %get3A_1116 = arith.index_cast %get3A_1114 : i32 to index
        %get3A_1117 = arith.index_cast %mul3A_932 : i32 to index
        %get3A_1118 = tpu.vector_load %arg10[%get3A_1115, %get3A_1116, %get3A_1117] {strides = array<i32>} : memref<4x16x768xf32, #tpu.memory_space<vmem>>, vector<1x1x16xf32>,
        %get3A_1119 = vector.shape_cast %get3A_1118 : vector<1x1x16xf32> to vector<16xf32>
        %swap3A_1120 = arith.constant 0 : i32
        %swap3A_1121 = arith.constant 12 : i32
        %swap3A_1122 = arith.index_cast %swap3A_1120 : i32 to index
        %swap3A_1123 = arith.index_cast %swap3A_1121 : i32 to index
        %swap3A_1124 = arith.index_cast %mul3A_932 : i32 to index
        %swap3A_1125 = tpu.vector_load %arg9[%swap3A_1122, %swap3A_1123, %swap3A_1124] {strides = array<i32>} : memref<4x16x768xf32, #tpu.memory_space<vmem>>, vector<1x1x16xf32>,
        %swap3A_1126 = vector.shape_cast %swap3A_1125 : vector<1x1x16xf32> to vector<16xf32>
        %swap3A_1127 = vector.shape_cast %get3A_1119 : vector<16xf32> to vector<1x1x16xf32>
        tpu.vector_store %arg9[%swap3A_1122, %swap3A_1123, %swap3A_1124], %swap3A_1127 {add = true, strides = array<i32>} : memref<4x16x768xf32, #tpu.memory_space<vmem>>, vector<1x1x16xf32>,
        %get3A_1128 = arith.constant 0 : i32
        %get3A_1129 = arith.constant 13 : i32
        %get3A_1130 = arith.index_cast %get3A_1128 : i32 to index
        %get3A_1131 = arith.index_cast %get3A_1129 : i32 to index
        %get3A_1132 = arith.index_cast %mul3A_932 : i32 to index
        %get3A_1133 = tpu.vector_load %arg10[%get3A_1130, %get3A_1131, %get3A_1132] {strides = array<i32>} : memref<4x16x768xf32, #tpu.memory_space<vmem>>, vector<1x1x16xf32>,
        %get3A_1134 = vector.shape_cast %get3A_1133 : vector<1x1x16xf32> to vector<16xf32>
        %swap3A_1135 = arith.constant 0 : i32
        %swap3A_1136 = arith.constant 13 : i32
        %swap3A_1137 = arith.index_cast %swap3A_1135 : i32 to index
        %swap3A_1138 = arith.index_cast %swap3A_1136 : i32 to index
        %swap3A_1139 = arith.index_cast %mul3A_932 : i32 to index
        %swap3A_1140 = tpu.vector_load %arg9[%swap3A_1137, %swap3A_1138, %swap3A_1139] {strides = array<i32>} : memref<4x16x768xf32, #tpu.memory_space<vmem>>, vector<1x1x16xf32>,
        %swap3A_1141 = vector.shape_cast %swap3A_1140 : vector<1x1x16xf32> to vector<16xf32>
        %swap3A_1142 = vector.shape_cast %get3A_1134 : vector<16xf32> to vector<1x1x16xf32>
        tpu.vector_store %arg9[%swap3A_1137, %swap3A_1138, %swap3A_1139], %swap3A_1142 {add = true, strides = array<i32>} : memref<4x16x768xf32, #tpu.memory_space<vmem>>, vector<1x1x16xf32>,
        %get3A_1143 = arith.constant 0 : i32
        %get3A_1144 = arith.constant 14 : i32
        %get3A_1145 = arith.index_cast %get3A_1143 : i32 to index
        %get3A_1146 = arith.index_cast %get3A_1144 : i32 to index
        %get3A_1147 = arith.index_cast %mul3A_932 : i32 to index
        %get3A_1148 = tpu.vector_load %arg10[%get3A_1145, %get3A_1146, %get3A_1147] {strides = array<i32>} : memref<4x16x768xf32, #tpu.memory_space<vmem>>, vector<1x1x16xf32>,
        %get3A_1149 = vector.shape_cast %get3A_1148 : vector<1x1x16xf32> to vector<16xf32>
        %swap3A_1150 = arith.constant 0 : i32
        %swap3A_1151 = arith.constant 14 : i32
        %swap3A_1152 = arith.index_cast %swap3A_1150 : i32 to index
        %swap3A_1153 = arith.index_cast %swap3A_1151 : i32 to index
        %swap3A_1154 = arith.index_cast %mul3A_932 : i32 to index
        %swap3A_1155 = tpu.vector_load %arg9[%swap3A_1152, %swap3A_1153, %swap3A_1154] {strides = array<i32>} : memref<4x16x768xf32, #tpu.memory_space<vmem>>, vector<1x1x16xf32>,
        %swap3A_1156 = vector.shape_cast %swap3A_1155 : vector<1x1x16xf32> to vector<16xf32>
        %swap3A_1157 = vector.shape_cast %get3A_1149 : vector<16xf32> to vector<1x1x16xf32>
        tpu.vector_store %arg9[%swap3A_1152, %swap3A_1153, %swap3A_1154], %swap3A_1157 {add = true, strides = array<i32>} : memref<4x16x768xf32, #tpu.memory_space<vmem>>, vector<1x1x16xf32>,
        %get3A_1158 = arith.constant 0 : i32
        %get3A_1159 = arith.constant 15 : i32
        %get3A_1160 = arith.index_cast %get3A_1158 : i32 to index
        %get3A_1161 = arith.index_cast %get3A_1159 : i32 to index
        %get3A_1162 = arith.index_cast %mul3A_932 : i32 to index
        %get3A_1163 = tpu.vector_load %arg10[%get3A_1160, %get3A_1161, %get3A_1162] {strides = array<i32>} : memref<4x16x768xf32, #tpu.memory_space<vmem>>, vector<1x1x16xf32>,
        %get3A_1164 = vector.shape_cast %get3A_1163 : vector<1x1x16xf32> to vector<16xf32>
        %swap3A_1165 = arith.constant 0 : i32
        %swap3A_1166 = arith.constant 15 : i32
        %swap3A_1167 = arith.index_cast %swap3A_1165 : i32 to index
        %swap3A_1168 = arith.index_cast %swap3A_1166 : i32 to index
        %swap3A_1169 = arith.index_cast %mul3A_932 : i32 to index
        %swap3A_1170 = tpu.vector_load %arg9[%swap3A_1167, %swap3A_1168, %swap3A_1169] {strides = array<i32>} : memref<4x16x768xf32, #tpu.memory_space<vmem>>, vector<1x1x16xf32>,
        %swap3A_1171 = vector.shape_cast %swap3A_1170 : vector<1x1x16xf32> to vector<16xf32>
        %swap3A_1172 = vector.shape_cast %get3A_1164 : vector<16xf32> to vector<1x1x16xf32>
        tpu.vector_store %arg9[%swap3A_1167, %swap3A_1168, %swap3A_1169], %swap3A_1172 {add = true, strides = array<i32>} : memref<4x16x768xf32, #tpu.memory_space<vmem>>, vector<1x1x16xf32>,
      }
      %scan3A_697 = arith.constant 48 : i32
      %mul3A_698 = arith.constant 16 : i32
      %mul3A_699 = arith.muli %add3A_663, %mul3A_698 : i32
      %add3A_700 = arith.addi %mul3A_2, %mul3A_699 : i32
      %dma_start3A_701 = arith.constant 0 : i32
      %dma_start3A_702 = arith.constant 0 : i32
      %dma_start3A_703 = arith.constant 0 : i32
      %dma_start3A_704 = arith.constant 0 : i32
      %dma_start3A_705 = tpu.memref_slice %arg9[%dma_start3A_701, %dma_start3A_703, %dma_start3A_704] : memref<4x16x768xf32, #tpu.memory_space<vmem>> -> memref<1x16x768xf32, #tpu.memory_space<vmem>>
      %dma_start3A_706 = tpu.memref_squeeze %dma_start3A_705 : memref<1x16x768xf32, #tpu.memory_space<vmem>> -> memref<16x768xf32, #tpu.memory_space<vmem>>
      %dma_start3A_707 = arith.constant 0 : i32
      %dma_start3A_708 = tpu.memref_slice %arg6[%add3A_700, %dma_start3A_707] : memref<16384x768xf32, #tpu.memory_space<hbm>> -> memref<16x768xf32, #tpu.memory_space<hbm>>
      %dma_start3A_709 = tpu.memref_slice %arg13[%dma_start3A_702] : memref<4x!tpu.dma_semaphore, #tpu.memory_space<semaphore_mem>> -> memref<1x!tpu.dma_semaphore, #tpu.memory_space<semaphore_mem>>
      %dma_start3A_710 = tpu.memref_squeeze %dma_start3A_709 : memref<1x!tpu.dma_semaphore, #tpu.memory_space<semaphore_mem>> -> memref<!tpu.dma_semaphore, #tpu.memory_space<semaphore_mem>>
      %dma_start3A_711 = arith.constant 0 : i32
      %dma_start3A_712 = tpu.memref_slice %arg6[%add3A_700, %dma_start3A_711] : memref<16384x768xf32, #tpu.memory_space<hbm>> -> memref<16x768xf32, #tpu.memory_space<hbm>>
      %dma_start3A_713 = arith.constant 0 : i32
      %dma_start3A_714 = arith.constant 0 : i32
      %dma_start3A_715 = tpu.memref_slice %arg9[%dma_start3A_701, %dma_start3A_713, %dma_start3A_714] : memref<4x16x768xf32, #tpu.memory_space<vmem>> -> memref<1x16x768xf32, #tpu.memory_space<vmem>>
      %dma_start3A_716 = tpu.memref_squeeze %dma_start3A_715 : memref<1x16x768xf32, #tpu.memory_space<vmem>> -> memref<16x768xf32, #tpu.memory_space<vmem>>
      tpu.enqueue_dma source(%dma_start3A_716 : memref<16x768xf32, #tpu.memory_space<vmem>>) target(%dma_start3A_712 : memref<16x768xf32, #tpu.memory_space<hbm>>) target_semaphore(%dma_start3A_710 : memref<!tpu.dma_semaphore, #tpu.memory_space<semaphore_mem>>)
      %sub3A = arith.constant 1 : i32
      %sub3A_717 = arith.subi %add3A_663, %sub3A : i32
      %ge3A = arith.constant 0 : i32
      %ge3A_718 = arith.cmpi sge, %sub3A_717, %ge3A : i32
      %add3A_719 = arith.constant 4 : i32
      %add3A_720 = arith.addi %sub3A_717, %add3A_719 : i32
      %lt3A = arith.constant 32 : i32
      %lt3A_721 = arith.cmpi slt, %add3A_720, %lt3A : i32
      %and3A = arith.andi %ge3A_718, %lt3A_721 : i1
      %convert_element_type3A = arith.extui %and3A : i1 to i32
      %cond3A = arith.constant 0 : i32
      %cond3A_722 = arith.cmpi ne, %convert_element_type3A, %cond3A : i32
      scf.if %cond3A_722 {
        %mul3A_930 = arith.constant 16 : i32
        %mul3A_931 = arith.muli %sub3A_717, %mul3A_930 : i32
        %add3A_932 = arith.addi %mul3A_2, %mul3A_931 : i32
        %dma_wait3A_933 = arith.constant 3 : i32
        %dma_wait3A_934 = arith.constant 3 : i32
        %dma_wait3A_935 = arith.constant 0 : i32
        %dma_wait3A_936 = arith.constant 0 : i32
        %dma_wait3A_937 = tpu.memref_slice %arg9[%dma_wait3A_933, %dma_wait3A_935, %dma_wait3A_936] : memref<4x16x768xf32, #tpu.memory_space<vmem>> -> memref<1x16x768xf32, #tpu.memory_space<vmem>>
        %dma_wait3A_938 = tpu.memref_squeeze %dma_wait3A_937 : memref<1x16x768xf32, #tpu.memory_space<vmem>> -> memref<16x768xf32, #tpu.memory_space<vmem>>
        %dma_wait3A_939 = arith.constant 0 : i32
        %dma_wait3A_940 = tpu.memref_slice %arg6[%add3A_932, %dma_wait3A_939] : memref<16384x768xf32, #tpu.memory_space<hbm>> -> memref<16x768xf32, #tpu.memory_space<hbm>>
        %dma_wait3A_941 = tpu.memref_slice %arg13[%dma_wait3A_934] : memref<4x!tpu.dma_semaphore, #tpu.memory_space<semaphore_mem>> -> memref<1x!tpu.dma_semaphore, #tpu.memory_space<semaphore_mem>>
        %dma_wait3A_942 = tpu.memref_squeeze %dma_wait3A_941 : memref<1x!tpu.dma_semaphore, #tpu.memory_space<semaphore_mem>> -> memref<!tpu.dma_semaphore, #tpu.memory_space<semaphore_mem>>
        %dma_wait3A_943 = arith.constant 0 : i32
        %dma_wait3A_944 = tpu.memref_slice %arg6[%add3A_932, %dma_wait3A_943] : memref<16384x768xf32, #tpu.memory_space<hbm>> -> memref<16x768xf32, #tpu.memory_space<hbm>>
        %dma_wait3A_945 = arith.constant 0 : i32
        %dma_wait3A_946 = arith.constant 0 : i32
        %dma_wait3A_947 = tpu.memref_slice %arg9[%dma_wait3A_933, %dma_wait3A_945, %dma_wait3A_946] : memref<4x16x768xf32, #tpu.memory_space<vmem>> -> memref<1x16x768xf32, #tpu.memory_space<vmem>>
        %dma_wait3A_948 = tpu.memref_squeeze %dma_wait3A_947 : memref<1x16x768xf32, #tpu.memory_space<vmem>> -> memref<16x768xf32, #tpu.memory_space<vmem>>
        tpu.wait_dma2 semaphore(%dma_wait3A_942 : memref<!tpu.dma_semaphore, #tpu.memory_space<semaphore_mem>>) src(%dma_wait3A_948 : memref<16x768xf32, #tpu.memory_space<vmem>>) dst(%dma_wait3A_944 : memref<16x768xf32, #tpu.memory_space<hbm>>)
        %add3A_949 = arith.constant 4 : i32
        %add3A_950 = arith.addi %sub3A_717, %add3A_949 : i32
        %mul3A_951 = arith.constant 16 : i32
        %mul3A_952 = arith.muli %add3A_950, %mul3A_951 : i32
        %mul3A_953 = arith.constant 16 : i32
        %mul3A_954 = arith.muli %add3A_950, %mul3A_953 : i32
        %dma_start3A_955 = arith.constant 3 : i32
        %dma_start3A_956 = arith.constant 3 : i32
        %dma_start3A_957 = arith.constant 0 : i32
        %dma_start3A_958 = arith.constant 0 : i32
        %dma_start3A_959 = tpu.memref_slice %arg9[%dma_start3A_955, %dma_start3A_957, %dma_start3A_958] : memref<4x16x768xf32, #tpu.memory_space<vmem>> -> memref<1x16x768xf32, #tpu.memory_space<vmem>>
        %dma_start3A_960 = tpu.memref_squeeze %dma_start3A_959 : memref<1x16x768xf32, #tpu.memory_space<vmem>> -> memref<16x768xf32, #tpu.memory_space<vmem>>
        %dma_start3A_961 = tpu.memref_slice %arg7[%mul3A_952] : memref<512xi32, #tpu.memory_space<vmem>> -> memref<16xi32, #tpu.memory_space<vmem>>
        %dma_start3A_962 = arith.constant 0 : i32
        %dma_start3A_963 = arith.constant 0 : i32
        %dma_start3A_964 = tpu.memref_slice %arg2[%dma_start3A_962, %dma_start3A_963] : memref<100000x768xf32, #tpu.memory_space<hbm>> -> memref<100000x768xf32, #tpu.memory_space<hbm>>
        %dma_start3A_965 = tpu.memref_slice %arg11[%dma_start3A_956] : memref<4x!tpu.dma_semaphore, #tpu.memory_space<semaphore_mem>> -> memref<1x!tpu.dma_semaphore, #tpu.memory_space<semaphore_mem>>
        %dma_start3A_966 = tpu.memref_squeeze %dma_start3A_965 : memref<1x!tpu.dma_semaphore, #tpu.memory_space<semaphore_mem>> -> memref<!tpu.dma_semaphore, #tpu.memory_space<semaphore_mem>>
        tpu.enqueue_indirect_dma source(%dma_start3A_964 : memref<100000x768xf32, #tpu.memory_space<hbm>>) target(%dma_start3A_960 : memref<16x768xf32, #tpu.memory_space<vmem>>) offsets(%dma_start3A_961 : memref<16xi32, #tpu.memory_space<vmem>>) semaphore(%dma_start3A_966 : memref<!tpu.dma_semaphore, #tpu.memory_space<semaphore_mem>>)
        %dma_start3A_967 = arith.constant 3 : i32
        %dma_start3A_968 = arith.constant 3 : i32
        %dma_start3A_969 = arith.constant 0 : i32
        %dma_start3A_970 = arith.constant 0 : i32
        %dma_start3A_971 = tpu.memref_slice %arg10[%dma_start3A_967, %dma_start3A_969, %dma_start3A_970] : memref<4x16x768xf32, #tpu.memory_space<vmem>> -> memref<1x16x768xf32, #tpu.memory_space<vmem>>
        %dma_start3A_972 = tpu.memref_squeeze %dma_start3A_971 : memref<1x16x768xf32, #tpu.memory_space<vmem>> -> memref<16x768xf32, #tpu.memory_space<vmem>>
        %dma_start3A_973 = tpu.memref_slice %arg8[%mul3A_954] : memref<512xi32, #tpu.memory_space<vmem>> -> memref<16xi32, #tpu.memory_space<vmem>>
        %dma_start3A_974 = arith.constant 0 : i32
        %dma_start3A_975 = arith.constant 0 : i32
        %dma_start3A_976 = tpu.memref_slice %arg3[%dma_start3A_974, %dma_start3A_975] : memref<1536x768xf32, #tpu.memory_space<hbm>> -> memref<1536x768xf32, #tpu.memory_space<hbm>>
        %dma_start3A_977 = tpu.memref_slice %arg12[%dma_start3A_968] : memref<4x!tpu.dma_semaphore, #tpu.memory_space<semaphore_mem>> -> memref<1x!tpu.dma_semaphore, #tpu.memory_space<semaphore_mem>>
        %dma_start3A_978 = tpu.memref_squeeze %dma_start3A_977 : memref<1x!tpu.dma_semaphore, #tpu.memory_space<semaphore_mem>> -> memref<!tpu.dma_semaphore, #tpu.memory_space<semaphore_mem>>
        tpu.enqueue_indirect_dma source(%dma_start3A_976 : memref<1536x768xf32, #tpu.memory_space<hbm>>) target(%dma_start3A_972 : memref<16x768xf32, #tpu.memory_space<vmem>>) offsets(%dma_start3A_973 : memref<16xi32, #tpu.memory_space<vmem>>) semaphore(%dma_start3A_978 : memref<!tpu.dma_semaphore, #tpu.memory_space<semaphore_mem>>)
      } else {
      }
      %mul3A_723 = arith.constant 4 : i32
      %mul3A_724 = arith.muli %scan3A_659, %mul3A_723 : i32
      %add3A_725 = arith.constant 1 : i32
      %add3A_726 = arith.addi %mul3A_724, %add3A_725 : i32
      %mul3A_727 = arith.constant 16 : i32
      %mul3A_728 = arith.muli %add3A_726, %mul3A_727 : i32
      %mul3A_729 = arith.constant 16 : i32
      %mul3A_730 = arith.muli %add3A_726, %mul3A_729 : i32
      %dma_wait3A_731 = arith.constant 1 : i32
      %dma_wait3A_732 = arith.constant 1 : i32
      %dma_wait3A_733 = arith.constant 0 : i32
      %dma_wait3A_734 = arith.constant 0 : i32
      %dma_wait3A_735 = tpu.memref_slice %arg9[%dma_wait3A_731, %dma_wait3A_733, %dma_wait3A_734] : memref<4x16x768xf32, #tpu.memory_space<vmem>> -> memref<1x16x768xf32, #tpu.memory_space<vmem>>
      %dma_wait3A_736 = tpu.memref_squeeze %dma_wait3A_735 : memref<1x16x768xf32, #tpu.memory_space<vmem>> -> memref<16x768xf32, #tpu.memory_space<vmem>>
      %dma_wait3A_737 = tpu.memref_slice %arg7[%mul3A_728] : memref<512xi32, #tpu.memory_space<vmem>> -> memref<16xi32, #tpu.memory_space<vmem>>
      %dma_wait3A_738 = arith.constant 0 : i32
      %dma_wait3A_739 = arith.constant 0 : i32
      %dma_wait3A_740 = tpu.memref_slice %arg2[%dma_wait3A_738, %dma_wait3A_739] : memref<100000x768xf32, #tpu.memory_space<hbm>> -> memref<100000x768xf32, #tpu.memory_space<hbm>>
      %dma_wait3A_741 = tpu.memref_slice %arg11[%dma_wait3A_732] : memref<4x!tpu.dma_semaphore, #tpu.memory_space<semaphore_mem>> -> memref<1x!tpu.dma_semaphore, #tpu.memory_space<semaphore_mem>>
      %dma_wait3A_742 = tpu.memref_squeeze %dma_wait3A_741 : memref<1x!tpu.dma_semaphore, #tpu.memory_space<semaphore_mem>> -> memref<!tpu.dma_semaphore, #tpu.memory_space<semaphore_mem>>
      tpu.wait_indirect_dma semaphore(%dma_wait3A_742 : memref<!tpu.dma_semaphore, #tpu.memory_space<semaphore_mem>>) src(%dma_wait3A_740 : memref<100000x768xf32, #tpu.memory_space<hbm>>) dst(%dma_wait3A_736 : memref<16x768xf32, #tpu.memory_space<vmem>>)
      %dma_wait3A_743 = arith.constant 1 : i32
      %dma_wait3A_744 = arith.constant 1 : i32
      %dma_wait3A_745 = arith.constant 0 : i32
      %dma_wait3A_746 = arith.constant 0 : i32
      %dma_wait3A_747 = tpu.memref_slice %arg10[%dma_wait3A_743, %dma_wait3A_745, %dma_wait3A_746] : memref<4x16x768xf32, #tpu.memory_space<vmem>> -> memref<1x16x768xf32, #tpu.memory_space<vmem>>
      %dma_wait3A_748 = tpu.memref_squeeze %dma_wait3A_747 : memref<1x16x768xf32, #tpu.memory_space<vmem>> -> memref<16x768xf32, #tpu.memory_space<vmem>>
      %dma_wait3A_749 = tpu.memref_slice %arg8[%mul3A_730] : memref<512xi32, #tpu.memory_space<vmem>> -> memref<16xi32, #tpu.memory_space<vmem>>
      %dma_wait3A_750 = arith.constant 0 : i32
      %dma_wait3A_751 = arith.constant 0 : i32
      %dma_wait3A_752 = tpu.memref_slice %arg3[%dma_wait3A_750, %dma_wait3A_751] : memref<1536x768xf32, #tpu.memory_space<hbm>> -> memref<1536x768xf32, #tpu.memory_space<hbm>>
      %dma_wait3A_753 = tpu.memref_slice %arg12[%dma_wait3A_744] : memref<4x!tpu.dma_semaphore, #tpu.memory_space<semaphore_mem>> -> memref<1x!tpu.dma_semaphore, #tpu.memory_space<semaphore_mem>>
      %dma_wait3A_754 = tpu.memref_squeeze %dma_wait3A_753 : memref<1x!tpu.dma_semaphore, #tpu.memory_space<semaphore_mem>> -> memref<!tpu.dma_semaphore, #tpu.memory_space<semaphore_mem>>
      tpu.wait_indirect_dma semaphore(%dma_wait3A_754 : memref<!tpu.dma_semaphore, #tpu.memory_space<semaphore_mem>>) src(%dma_wait3A_752 : memref<1536x768xf32, #tpu.memory_space<hbm>>) dst(%dma_wait3A_748 : memref<16x768xf32, #tpu.memory_space<vmem>>)
      %scan3A_755 = arith.constant 0 : i32
      %scan3A_756 = arith.constant 0 : i32
      %scan3A_757 = arith.constant 48 : i32
      %scan3A_758 = arith.addi %scan3A_756, %scan3A_757 : i32
      %scan3A_759 = arith.constant 1 : i32
      scf.for %scan3A_930 = %scan3A_756 to %scan3A_758 step %scan3A_759  : i32 {
        %mul3A_931 = arith.constant 16 : i32
        %mul3A_932 = arith.muli %scan3A_930, %mul3A_931 : i32
        %get3A_933 = arith.constant 1 : i32
        %get3A_934 = arith.constant 0 : i32
        %get3A_935 = arith.index_cast %get3A_933 : i32 to index
        %get3A_936 = arith.index_cast %get3A_934 : i32 to index
        %get3A_937 = arith.index_cast %mul3A_932 : i32 to index
        %get3A_938 = tpu.vector_load %arg10[%get3A_935, %get3A_936, %get3A_937] {strides = array<i32>} : memref<4x16x768xf32, #tpu.memory_space<vmem>>, vector<1x1x16xf32>,
        %get3A_939 = vector.shape_cast %get3A_938 : vector<1x1x16xf32> to vector<16xf32>
        %swap3A_940 = arith.constant 1 : i32
        %swap3A_941 = arith.constant 0 : i32
        %swap3A_942 = arith.index_cast %swap3A_940 : i32 to index
        %swap3A_943 = arith.index_cast %swap3A_941 : i32 to index
        %swap3A_944 = arith.index_cast %mul3A_932 : i32 to index
        %swap3A_945 = tpu.vector_load %arg9[%swap3A_942, %swap3A_943, %swap3A_944] {strides = array<i32>} : memref<4x16x768xf32, #tpu.memory_space<vmem>>, vector<1x1x16xf32>,
        %swap3A_946 = vector.shape_cast %swap3A_945 : vector<1x1x16xf32> to vector<16xf32>
        %swap3A_947 = vector.shape_cast %get3A_939 : vector<16xf32> to vector<1x1x16xf32>
        tpu.vector_store %arg9[%swap3A_942, %swap3A_943, %swap3A_944], %swap3A_947 {add = true, strides = array<i32>} : memref<4x16x768xf32, #tpu.memory_space<vmem>>, vector<1x1x16xf32>,
        %get3A_948 = arith.constant 1 : i32
        %get3A_949 = arith.constant 1 : i32
        %get3A_950 = arith.index_cast %get3A_948 : i32 to index
        %get3A_951 = arith.index_cast %get3A_949 : i32 to index
        %get3A_952 = arith.index_cast %mul3A_932 : i32 to index
        %get3A_953 = tpu.vector_load %arg10[%get3A_950, %get3A_951, %get3A_952] {strides = array<i32>} : memref<4x16x768xf32, #tpu.memory_space<vmem>>, vector<1x1x16xf32>,
        %get3A_954 = vector.shape_cast %get3A_953 : vector<1x1x16xf32> to vector<16xf32>
        %swap3A_955 = arith.constant 1 : i32
        %swap3A_956 = arith.constant 1 : i32
        %swap3A_957 = arith.index_cast %swap3A_955 : i32 to index
        %swap3A_958 = arith.index_cast %swap3A_956 : i32 to index
        %swap3A_959 = arith.index_cast %mul3A_932 : i32 to index
        %swap3A_960 = tpu.vector_load %arg9[%swap3A_957, %swap3A_958, %swap3A_959] {strides = array<i32>} : memref<4x16x768xf32, #tpu.memory_space<vmem>>, vector<1x1x16xf32>,
        %swap3A_961 = vector.shape_cast %swap3A_960 : vector<1x1x16xf32> to vector<16xf32>
        %swap3A_962 = vector.shape_cast %get3A_954 : vector<16xf32> to vector<1x1x16xf32>
        tpu.vector_store %arg9[%swap3A_957, %swap3A_958, %swap3A_959], %swap3A_962 {add = true, strides = array<i32>} : memref<4x16x768xf32, #tpu.memory_space<vmem>>, vector<1x1x16xf32>,
        %get3A_963 = arith.constant 1 : i32
        %get3A_964 = arith.constant 2 : i32
        %get3A_965 = arith.index_cast %get3A_963 : i32 to index
        %get3A_966 = arith.index_cast %get3A_964 : i32 to index
        %get3A_967 = arith.index_cast %mul3A_932 : i32 to index
        %get3A_968 = tpu.vector_load %arg10[%get3A_965, %get3A_966, %get3A_967] {strides = array<i32>} : memref<4x16x768xf32, #tpu.memory_space<vmem>>, vector<1x1x16xf32>,
        %get3A_969 = vector.shape_cast %get3A_968 : vector<1x1x16xf32> to vector<16xf32>
        %swap3A_970 = arith.constant 1 : i32
        %swap3A_971 = arith.constant 2 : i32
        %swap3A_972 = arith.index_cast %swap3A_970 : i32 to index
        %swap3A_973 = arith.index_cast %swap3A_971 : i32 to index
        %swap3A_974 = arith.index_cast %mul3A_932 : i32 to index
        %swap3A_975 = tpu.vector_load %arg9[%swap3A_972, %swap3A_973, %swap3A_974] {strides = array<i32>} : memref<4x16x768xf32, #tpu.memory_space<vmem>>, vector<1x1x16xf32>,
        %swap3A_976 = vector.shape_cast %swap3A_975 : vector<1x1x16xf32> to vector<16xf32>
        %swap3A_977 = vector.shape_cast %get3A_969 : vector<16xf32> to vector<1x1x16xf32>
        tpu.vector_store %arg9[%swap3A_972, %swap3A_973, %swap3A_974], %swap3A_977 {add = true, strides = array<i32>} : memref<4x16x768xf32, #tpu.memory_space<vmem>>, vector<1x1x16xf32>,
        %get3A_978 = arith.constant 1 : i32
        %get3A_979 = arith.constant 3 : i32
        %get3A_980 = arith.index_cast %get3A_978 : i32 to index
        %get3A_981 = arith.index_cast %get3A_979 : i32 to index
        %get3A_982 = arith.index_cast %mul3A_932 : i32 to index
        %get3A_983 = tpu.vector_load %arg10[%get3A_980, %get3A_981, %get3A_982] {strides = array<i32>} : memref<4x16x768xf32, #tpu.memory_space<vmem>>, vector<1x1x16xf32>,
        %get3A_984 = vector.shape_cast %get3A_983 : vector<1x1x16xf32> to vector<16xf32>
        %swap3A_985 = arith.constant 1 : i32
        %swap3A_986 = arith.constant 3 : i32
        %swap3A_987 = arith.index_cast %swap3A_985 : i32 to index
        %swap3A_988 = arith.index_cast %swap3A_986 : i32 to index
        %swap3A_989 = arith.index_cast %mul3A_932 : i32 to index
        %swap3A_990 = tpu.vector_load %arg9[%swap3A_987, %swap3A_988, %swap3A_989] {strides = array<i32>} : memref<4x16x768xf32, #tpu.memory_space<vmem>>, vector<1x1x16xf32>,
        %swap3A_991 = vector.shape_cast %swap3A_990 : vector<1x1x16xf32> to vector<16xf32>
        %swap3A_992 = vector.shape_cast %get3A_984 : vector<16xf32> to vector<1x1x16xf32>
        tpu.vector_store %arg9[%swap3A_987, %swap3A_988, %swap3A_989], %swap3A_992 {add = true, strides = array<i32>} : memref<4x16x768xf32, #tpu.memory_space<vmem>>, vector<1x1x16xf32>,
        %get3A_993 = arith.constant 1 : i32
        %get3A_994 = arith.constant 4 : i32
        %get3A_995 = arith.index_cast %get3A_993 : i32 to index
        %get3A_996 = arith.index_cast %get3A_994 : i32 to index
        %get3A_997 = arith.index_cast %mul3A_932 : i32 to index
        %get3A_998 = tpu.vector_load %arg10[%get3A_995, %get3A_996, %get3A_997] {strides = array<i32>} : memref<4x16x768xf32, #tpu.memory_space<vmem>>, vector<1x1x16xf32>,
        %get3A_999 = vector.shape_cast %get3A_998 : vector<1x1x16xf32> to vector<16xf32>
        %swap3A_1000 = arith.constant 1 : i32
        %swap3A_1001 = arith.constant 4 : i32
        %swap3A_1002 = arith.index_cast %swap3A_1000 : i32 to index
        %swap3A_1003 = arith.index_cast %swap3A_1001 : i32 to index
        %swap3A_1004 = arith.index_cast %mul3A_932 : i32 to index
        %swap3A_1005 = tpu.vector_load %arg9[%swap3A_1002, %swap3A_1003, %swap3A_1004] {strides = array<i32>} : memref<4x16x768xf32, #tpu.memory_space<vmem>>, vector<1x1x16xf32>,
        %swap3A_1006 = vector.shape_cast %swap3A_1005 : vector<1x1x16xf32> to vector<16xf32>
        %swap3A_1007 = vector.shape_cast %get3A_999 : vector<16xf32> to vector<1x1x16xf32>
        tpu.vector_store %arg9[%swap3A_1002, %swap3A_1003, %swap3A_1004], %swap3A_1007 {add = true, strides = array<i32>} : memref<4x16x768xf32, #tpu.memory_space<vmem>>, vector<1x1x16xf32>,
        %get3A_1008 = arith.constant 1 : i32
        %get3A_1009 = arith.constant 5 : i32
        %get3A_1010 = arith.index_cast %get3A_1008 : i32 to index
        %get3A_1011 = arith.index_cast %get3A_1009 : i32 to index
        %get3A_1012 = arith.index_cast %mul3A_932 : i32 to index
        %get3A_1013 = tpu.vector_load %arg10[%get3A_1010, %get3A_1011, %get3A_1012] {strides = array<i32>} : memref<4x16x768xf32, #tpu.memory_space<vmem>>, vector<1x1x16xf32>,
        %get3A_1014 = vector.shape_cast %get3A_1013 : vector<1x1x16xf32> to vector<16xf32>
        %swap3A_1015 = arith.constant 1 : i32
        %swap3A_1016 = arith.constant 5 : i32
        %swap3A_1017 = arith.index_cast %swap3A_1015 : i32 to index
        %swap3A_1018 = arith.index_cast %swap3A_1016 : i32 to index
        %swap3A_1019 = arith.index_cast %mul3A_932 : i32 to index
        %swap3A_1020 = tpu.vector_load %arg9[%swap3A_1017, %swap3A_1018, %swap3A_1019] {strides = array<i32>} : memref<4x16x768xf32, #tpu.memory_space<vmem>>, vector<1x1x16xf32>,
        %swap3A_1021 = vector.shape_cast %swap3A_1020 : vector<1x1x16xf32> to vector<16xf32>
        %swap3A_1022 = vector.shape_cast %get3A_1014 : vector<16xf32> to vector<1x1x16xf32>
        tpu.vector_store %arg9[%swap3A_1017, %swap3A_1018, %swap3A_1019], %swap3A_1022 {add = true, strides = array<i32>} : memref<4x16x768xf32, #tpu.memory_space<vmem>>, vector<1x1x16xf32>,
        %get3A_1023 = arith.constant 1 : i32
        %get3A_1024 = arith.constant 6 : i32
        %get3A_1025 = arith.index_cast %get3A_1023 : i32 to index
        %get3A_1026 = arith.index_cast %get3A_1024 : i32 to index
        %get3A_1027 = arith.index_cast %mul3A_932 : i32 to index
        %get3A_1028 = tpu.vector_load %arg10[%get3A_1025, %get3A_1026, %get3A_1027] {strides = array<i32>} : memref<4x16x768xf32, #tpu.memory_space<vmem>>, vector<1x1x16xf32>,
        %get3A_1029 = vector.shape_cast %get3A_1028 : vector<1x1x16xf32> to vector<16xf32>
        %swap3A_1030 = arith.constant 1 : i32
        %swap3A_1031 = arith.constant 6 : i32
        %swap3A_1032 = arith.index_cast %swap3A_1030 : i32 to index
        %swap3A_1033 = arith.index_cast %swap3A_1031 : i32 to index
        %swap3A_1034 = arith.index_cast %mul3A_932 : i32 to index
        %swap3A_1035 = tpu.vector_load %arg9[%swap3A_1032, %swap3A_1033, %swap3A_1034] {strides = array<i32>} : memref<4x16x768xf32, #tpu.memory_space<vmem>>, vector<1x1x16xf32>,
        %swap3A_1036 = vector.shape_cast %swap3A_1035 : vector<1x1x16xf32> to vector<16xf32>
        %swap3A_1037 = vector.shape_cast %get3A_1029 : vector<16xf32> to vector<1x1x16xf32>
        tpu.vector_store %arg9[%swap3A_1032, %swap3A_1033, %swap3A_1034], %swap3A_1037 {add = true, strides = array<i32>} : memref<4x16x768xf32, #tpu.memory_space<vmem>>, vector<1x1x16xf32>,
        %get3A_1038 = arith.constant 1 : i32
        %get3A_1039 = arith.constant 7 : i32
        %get3A_1040 = arith.index_cast %get3A_1038 : i32 to index
        %get3A_1041 = arith.index_cast %get3A_1039 : i32 to index
        %get3A_1042 = arith.index_cast %mul3A_932 : i32 to index
        %get3A_1043 = tpu.vector_load %arg10[%get3A_1040, %get3A_1041, %get3A_1042] {strides = array<i32>} : memref<4x16x768xf32, #tpu.memory_space<vmem>>, vector<1x1x16xf32>,
        %get3A_1044 = vector.shape_cast %get3A_1043 : vector<1x1x16xf32> to vector<16xf32>
        %swap3A_1045 = arith.constant 1 : i32
        %swap3A_1046 = arith.constant 7 : i32
        %swap3A_1047 = arith.index_cast %swap3A_1045 : i32 to index
        %swap3A_1048 = arith.index_cast %swap3A_1046 : i32 to index
        %swap3A_1049 = arith.index_cast %mul3A_932 : i32 to index
        %swap3A_1050 = tpu.vector_load %arg9[%swap3A_1047, %swap3A_1048, %swap3A_1049] {strides = array<i32>} : memref<4x16x768xf32, #tpu.memory_space<vmem>>, vector<1x1x16xf32>,
        %swap3A_1051 = vector.shape_cast %swap3A_1050 : vector<1x1x16xf32> to vector<16xf32>
        %swap3A_1052 = vector.shape_cast %get3A_1044 : vector<16xf32> to vector<1x1x16xf32>
        tpu.vector_store %arg9[%swap3A_1047, %swap3A_1048, %swap3A_1049], %swap3A_1052 {add = true, strides = array<i32>} : memref<4x16x768xf32, #tpu.memory_space<vmem>>, vector<1x1x16xf32>,
        %get3A_1053 = arith.constant 1 : i32
        %get3A_1054 = arith.constant 8 : i32
        %get3A_1055 = arith.index_cast %get3A_1053 : i32 to index
        %get3A_1056 = arith.index_cast %get3A_1054 : i32 to index
        %get3A_1057 = arith.index_cast %mul3A_932 : i32 to index
        %get3A_1058 = tpu.vector_load %arg10[%get3A_1055, %get3A_1056, %get3A_1057] {strides = array<i32>} : memref<4x16x768xf32, #tpu.memory_space<vmem>>, vector<1x1x16xf32>,
        %get3A_1059 = vector.shape_cast %get3A_1058 : vector<1x1x16xf32> to vector<16xf32>
        %swap3A_1060 = arith.constant 1 : i32
        %swap3A_1061 = arith.constant 8 : i32
        %swap3A_1062 = arith.index_cast %swap3A_1060 : i32 to index
        %swap3A_1063 = arith.index_cast %swap3A_1061 : i32 to index
        %swap3A_1064 = arith.index_cast %mul3A_932 : i32 to index
        %swap3A_1065 = tpu.vector_load %arg9[%swap3A_1062, %swap3A_1063, %swap3A_1064] {strides = array<i32>} : memref<4x16x768xf32, #tpu.memory_space<vmem>>, vector<1x1x16xf32>,
        %swap3A_1066 = vector.shape_cast %swap3A_1065 : vector<1x1x16xf32> to vector<16xf32>
        %swap3A_1067 = vector.shape_cast %get3A_1059 : vector<16xf32> to vector<1x1x16xf32>
        tpu.vector_store %arg9[%swap3A_1062, %swap3A_1063, %swap3A_1064], %swap3A_1067 {add = true, strides = array<i32>} : memref<4x16x768xf32, #tpu.memory_space<vmem>>, vector<1x1x16xf32>,
        %get3A_1068 = arith.constant 1 : i32
        %get3A_1069 = arith.constant 9 : i32
        %get3A_1070 = arith.index_cast %get3A_1068 : i32 to index
        %get3A_1071 = arith.index_cast %get3A_1069 : i32 to index
        %get3A_1072 = arith.index_cast %mul3A_932 : i32 to index
        %get3A_1073 = tpu.vector_load %arg10[%get3A_1070, %get3A_1071, %get3A_1072] {strides = array<i32>} : memref<4x16x768xf32, #tpu.memory_space<vmem>>, vector<1x1x16xf32>,
        %get3A_1074 = vector.shape_cast %get3A_1073 : vector<1x1x16xf32> to vector<16xf32>
        %swap3A_1075 = arith.constant 1 : i32
        %swap3A_1076 = arith.constant 9 : i32
        %swap3A_1077 = arith.index_cast %swap3A_1075 : i32 to index
        %swap3A_1078 = arith.index_cast %swap3A_1076 : i32 to index
        %swap3A_1079 = arith.index_cast %mul3A_932 : i32 to index
        %swap3A_1080 = tpu.vector_load %arg9[%swap3A_1077, %swap3A_1078, %swap3A_1079] {strides = array<i32>} : memref<4x16x768xf32, #tpu.memory_space<vmem>>, vector<1x1x16xf32>,
        %swap3A_1081 = vector.shape_cast %swap3A_1080 : vector<1x1x16xf32> to vector<16xf32>
        %swap3A_1082 = vector.shape_cast %get3A_1074 : vector<16xf32> to vector<1x1x16xf32>
        tpu.vector_store %arg9[%swap3A_1077, %swap3A_1078, %swap3A_1079], %swap3A_1082 {add = true, strides = array<i32>} : memref<4x16x768xf32, #tpu.memory_space<vmem>>, vector<1x1x16xf32>,
        %get3A_1083 = arith.constant 1 : i32
        %get3A_1084 = arith.constant 10 : i32
        %get3A_1085 = arith.index_cast %get3A_1083 : i32 to index
        %get3A_1086 = arith.index_cast %get3A_1084 : i32 to index
        %get3A_1087 = arith.index_cast %mul3A_932 : i32 to index
        %get3A_1088 = tpu.vector_load %arg10[%get3A_1085, %get3A_1086, %get3A_1087] {strides = array<i32>} : memref<4x16x768xf32, #tpu.memory_space<vmem>>, vector<1x1x16xf32>,
        %get3A_1089 = vector.shape_cast %get3A_1088 : vector<1x1x16xf32> to vector<16xf32>
        %swap3A_1090 = arith.constant 1 : i32
        %swap3A_1091 = arith.constant 10 : i32
        %swap3A_1092 = arith.index_cast %swap3A_1090 : i32 to index
        %swap3A_1093 = arith.index_cast %swap3A_1091 : i32 to index
        %swap3A_1094 = arith.index_cast %mul3A_932 : i32 to index
        %swap3A_1095 = tpu.vector_load %arg9[%swap3A_1092, %swap3A_1093, %swap3A_1094] {strides = array<i32>} : memref<4x16x768xf32, #tpu.memory_space<vmem>>, vector<1x1x16xf32>,
        %swap3A_1096 = vector.shape_cast %swap3A_1095 : vector<1x1x16xf32> to vector<16xf32>
        %swap3A_1097 = vector.shape_cast %get3A_1089 : vector<16xf32> to vector<1x1x16xf32>
        tpu.vector_store %arg9[%swap3A_1092, %swap3A_1093, %swap3A_1094], %swap3A_1097 {add = true, strides = array<i32>} : memref<4x16x768xf32, #tpu.memory_space<vmem>>, vector<1x1x16xf32>,
        %get3A_1098 = arith.constant 1 : i32
        %get3A_1099 = arith.constant 11 : i32
        %get3A_1100 = arith.index_cast %get3A_1098 : i32 to index
        %get3A_1101 = arith.index_cast %get3A_1099 : i32 to index
        %get3A_1102 = arith.index_cast %mul3A_932 : i32 to index
        %get3A_1103 = tpu.vector_load %arg10[%get3A_1100, %get3A_1101, %get3A_1102] {strides = array<i32>} : memref<4x16x768xf32, #tpu.memory_space<vmem>>, vector<1x1x16xf32>,
        %get3A_1104 = vector.shape_cast %get3A_1103 : vector<1x1x16xf32> to vector<16xf32>
        %swap3A_1105 = arith.constant 1 : i32
        %swap3A_1106 = arith.constant 11 : i32
        %swap3A_1107 = arith.index_cast %swap3A_1105 : i32 to index
        %swap3A_1108 = arith.index_cast %swap3A_1106 : i32 to index
        %swap3A_1109 = arith.index_cast %mul3A_932 : i32 to index
        %swap3A_1110 = tpu.vector_load %arg9[%swap3A_1107, %swap3A_1108, %swap3A_1109] {strides = array<i32>} : memref<4x16x768xf32, #tpu.memory_space<vmem>>, vector<1x1x16xf32>,
        %swap3A_1111 = vector.shape_cast %swap3A_1110 : vector<1x1x16xf32> to vector<16xf32>
        %swap3A_1112 = vector.shape_cast %get3A_1104 : vector<16xf32> to vector<1x1x16xf32>
        tpu.vector_store %arg9[%swap3A_1107, %swap3A_1108, %swap3A_1109], %swap3A_1112 {add = true, strides = array<i32>} : memref<4x16x768xf32, #tpu.memory_space<vmem>>, vector<1x1x16xf32>,
        %get3A_1113 = arith.constant 1 : i32
        %get3A_1114 = arith.constant 12 : i32
        %get3A_1115 = arith.index_cast %get3A_1113 : i32 to index
        %get3A_1116 = arith.index_cast %get3A_1114 : i32 to index
        %get3A_1117 = arith.index_cast %mul3A_932 : i32 to index
        %get3A_1118 = tpu.vector_load %arg10[%get3A_1115, %get3A_1116, %get3A_1117] {strides = array<i32>} : memref<4x16x768xf32, #tpu.memory_space<vmem>>, vector<1x1x16xf32>,
        %get3A_1119 = vector.shape_cast %get3A_1118 : vector<1x1x16xf32> to vector<16xf32>
        %swap3A_1120 = arith.constant 1 : i32
        %swap3A_1121 = arith.constant 12 : i32
        %swap3A_1122 = arith.index_cast %swap3A_1120 : i32 to index
        %swap3A_1123 = arith.index_cast %swap3A_1121 : i32 to index
        %swap3A_1124 = arith.index_cast %mul3A_932 : i32 to index
        %swap3A_1125 = tpu.vector_load %arg9[%swap3A_1122, %swap3A_1123, %swap3A_1124] {strides = array<i32>} : memref<4x16x768xf32, #tpu.memory_space<vmem>>, vector<1x1x16xf32>,
        %swap3A_1126 = vector.shape_cast %swap3A_1125 : vector<1x1x16xf32> to vector<16xf32>
        %swap3A_1127 = vector.shape_cast %get3A_1119 : vector<16xf32> to vector<1x1x16xf32>
        tpu.vector_store %arg9[%swap3A_1122, %swap3A_1123, %swap3A_1124], %swap3A_1127 {add = true, strides = array<i32>} : memref<4x16x768xf32, #tpu.memory_space<vmem>>, vector<1x1x16xf32>,
        %get3A_1128 = arith.constant 1 : i32
        %get3A_1129 = arith.constant 13 : i32
        %get3A_1130 = arith.index_cast %get3A_1128 : i32 to index
        %get3A_1131 = arith.index_cast %get3A_1129 : i32 to index
        %get3A_1132 = arith.index_cast %mul3A_932 : i32 to index
        %get3A_1133 = tpu.vector_load %arg10[%get3A_1130, %get3A_1131, %get3A_1132] {strides = array<i32>} : memref<4x16x768xf32, #tpu.memory_space<vmem>>, vector<1x1x16xf32>,
        %get3A_1134 = vector.shape_cast %get3A_1133 : vector<1x1x16xf32> to vector<16xf32>
        %swap3A_1135 = arith.constant 1 : i32
        %swap3A_1136 = arith.constant 13 : i32
        %swap3A_1137 = arith.index_cast %swap3A_1135 : i32 to index
        %swap3A_1138 = arith.index_cast %swap3A_1136 : i32 to index
        %swap3A_1139 = arith.index_cast %mul3A_932 : i32 to index
        %swap3A_1140 = tpu.vector_load %arg9[%swap3A_1137, %swap3A_1138, %swap3A_1139] {strides = array<i32>} : memref<4x16x768xf32, #tpu.memory_space<vmem>>, vector<1x1x16xf32>,
        %swap3A_1141 = vector.shape_cast %swap3A_1140 : vector<1x1x16xf32> to vector<16xf32>
        %swap3A_1142 = vector.shape_cast %get3A_1134 : vector<16xf32> to vector<1x1x16xf32>
        tpu.vector_store %arg9[%swap3A_1137, %swap3A_1138, %swap3A_1139], %swap3A_1142 {add = true, strides = array<i32>} : memref<4x16x768xf32, #tpu.memory_space<vmem>>, vector<1x1x16xf32>,
        %get3A_1143 = arith.constant 1 : i32
        %get3A_1144 = arith.constant 14 : i32
        %get3A_1145 = arith.index_cast %get3A_1143 : i32 to index
        %get3A_1146 = arith.index_cast %get3A_1144 : i32 to index
        %get3A_1147 = arith.index_cast %mul3A_932 : i32 to index
        %get3A_1148 = tpu.vector_load %arg10[%get3A_1145, %get3A_1146, %get3A_1147] {strides = array<i32>} : memref<4x16x768xf32, #tpu.memory_space<vmem>>, vector<1x1x16xf32>,
        %get3A_1149 = vector.shape_cast %get3A_1148 : vector<1x1x16xf32> to vector<16xf32>
        %swap3A_1150 = arith.constant 1 : i32
        %swap3A_1151 = arith.constant 14 : i32
        %swap3A_1152 = arith.index_cast %swap3A_1150 : i32 to index
        %swap3A_1153 = arith.index_cast %swap3A_1151 : i32 to index
        %swap3A_1154 = arith.index_cast %mul3A_932 : i32 to index
        %swap3A_1155 = tpu.vector_load %arg9[%swap3A_1152, %swap3A_1153, %swap3A_1154] {strides = array<i32>} : memref<4x16x768xf32, #tpu.memory_space<vmem>>, vector<1x1x16xf32>,
        %swap3A_1156 = vector.shape_cast %swap3A_1155 : vector<1x1x16xf32> to vector<16xf32>
        %swap3A_1157 = vector.shape_cast %get3A_1149 : vector<16xf32> to vector<1x1x16xf32>
        tpu.vector_store %arg9[%swap3A_1152, %swap3A_1153, %swap3A_1154], %swap3A_1157 {add = true, strides = array<i32>} : memref<4x16x768xf32, #tpu.memory_space<vmem>>, vector<1x1x16xf32>,
        %get3A_1158 = arith.constant 1 : i32
        %get3A_1159 = arith.constant 15 : i32
        %get3A_1160 = arith.index_cast %get3A_1158 : i32 to index
        %get3A_1161 = arith.index_cast %get3A_1159 : i32 to index
        %get3A_1162 = arith.index_cast %mul3A_932 : i32 to index
        %get3A_1163 = tpu.vector_load %arg10[%get3A_1160, %get3A_1161, %get3A_1162] {strides = array<i32>} : memref<4x16x768xf32, #tpu.memory_space<vmem>>, vector<1x1x16xf32>,
        %get3A_1164 = vector.shape_cast %get3A_1163 : vector<1x1x16xf32> to vector<16xf32>
        %swap3A_1165 = arith.constant 1 : i32
        %swap3A_1166 = arith.constant 15 : i32
        %swap3A_1167 = arith.index_cast %swap3A_1165 : i32 to index
        %swap3A_1168 = arith.index_cast %swap3A_1166 : i32 to index
        %swap3A_1169 = arith.index_cast %mul3A_932 : i32 to index
        %swap3A_1170 = tpu.vector_load %arg9[%swap3A_1167, %swap3A_1168, %swap3A_1169] {strides = array<i32>} : memref<4x16x768xf32, #tpu.memory_space<vmem>>, vector<1x1x16xf32>,
        %swap3A_1171 = vector.shape_cast %swap3A_1170 : vector<1x1x16xf32> to vector<16xf32>
        %swap3A_1172 = vector.shape_cast %get3A_1164 : vector<16xf32> to vector<1x1x16xf32>
        tpu.vector_store %arg9[%swap3A_1167, %swap3A_1168, %swap3A_1169], %swap3A_1172 {add = true, strides = array<i32>} : memref<4x16x768xf32, #tpu.memory_space<vmem>>, vector<1x1x16xf32>,
      }
      %scan3A_760 = arith.constant 48 : i32
      %mul3A_761 = arith.constant 16 : i32
      %mul3A_762 = arith.muli %add3A_726, %mul3A_761 : i32
      %add3A_763 = arith.addi %mul3A_2, %mul3A_762 : i32
      %dma_start3A_764 = arith.constant 1 : i32
      %dma_start3A_765 = arith.constant 1 : i32
      %dma_start3A_766 = arith.constant 0 : i32
      %dma_start3A_767 = arith.constant 0 : i32
      %dma_start3A_768 = tpu.memref_slice %arg9[%dma_start3A_764, %dma_start3A_766, %dma_start3A_767] : memref<4x16x768xf32, #tpu.memory_space<vmem>> -> memref<1x16x768xf32, #tpu.memory_space<vmem>>
      %dma_start3A_769 = tpu.memref_squeeze %dma_start3A_768 : memref<1x16x768xf32, #tpu.memory_space<vmem>> -> memref<16x768xf32, #tpu.memory_space<vmem>>
      %dma_start3A_770 = arith.constant 0 : i32
      %dma_start3A_771 = tpu.memref_slice %arg6[%add3A_763, %dma_start3A_770] : memref<16384x768xf32, #tpu.memory_space<hbm>> -> memref<16x768xf32, #tpu.memory_space<hbm>>
      %dma_start3A_772 = tpu.memref_slice %arg13[%dma_start3A_765] : memref<4x!tpu.dma_semaphore, #tpu.memory_space<semaphore_mem>> -> memref<1x!tpu.dma_semaphore, #tpu.memory_space<semaphore_mem>>
      %dma_start3A_773 = tpu.memref_squeeze %dma_start3A_772 : memref<1x!tpu.dma_semaphore, #tpu.memory_space<semaphore_mem>> -> memref<!tpu.dma_semaphore, #tpu.memory_space<semaphore_mem>>
      %dma_start3A_774 = arith.constant 0 : i32
      %dma_start3A_775 = tpu.memref_slice %arg6[%add3A_763, %dma_start3A_774] : memref<16384x768xf32, #tpu.memory_space<hbm>> -> memref<16x768xf32, #tpu.memory_space<hbm>>
      %dma_start3A_776 = arith.constant 0 : i32
      %dma_start3A_777 = arith.constant 0 : i32
      %dma_start3A_778 = tpu.memref_slice %arg9[%dma_start3A_764, %dma_start3A_776, %dma_start3A_777] : memref<4x16x768xf32, #tpu.memory_space<vmem>> -> memref<1x16x768xf32, #tpu.memory_space<vmem>>
      %dma_start3A_779 = tpu.memref_squeeze %dma_start3A_778 : memref<1x16x768xf32, #tpu.memory_space<vmem>> -> memref<16x768xf32, #tpu.memory_space<vmem>>
      tpu.enqueue_dma source(%dma_start3A_779 : memref<16x768xf32, #tpu.memory_space<vmem>>) target(%dma_start3A_775 : memref<16x768xf32, #tpu.memory_space<hbm>>) target_semaphore(%dma_start3A_773 : memref<!tpu.dma_semaphore, #tpu.memory_space<semaphore_mem>>)
      %sub3A_780 = arith.constant 1 : i32
      %sub3A_781 = arith.subi %add3A_726, %sub3A_780 : i32
      %ge3A_782 = arith.constant 0 : i32
      %ge3A_783 = arith.cmpi sge, %sub3A_781, %ge3A_782 : i32
      %add3A_784 = arith.constant 4 : i32
      %add3A_785 = arith.addi %sub3A_781, %add3A_784 : i32
      %lt3A_786 = arith.constant 32 : i32
      %lt3A_787 = arith.cmpi slt, %add3A_785, %lt3A_786 : i32
      %and3A_788 = arith.andi %ge3A_783, %lt3A_787 : i1
      %convert_element_type3A_789 = arith.extui %and3A_788 : i1 to i32
      %cond3A_790 = arith.constant 0 : i32
      %cond3A_791 = arith.cmpi ne, %convert_element_type3A_789, %cond3A_790 : i32
      scf.if %cond3A_791 {
        %mul3A_930 = arith.constant 16 : i32
        %mul3A_931 = arith.muli %sub3A_781, %mul3A_930 : i32
        %add3A_932 = arith.addi %mul3A_2, %mul3A_931 : i32
        %dma_wait3A_933 = arith.constant 0 : i32
        %dma_wait3A_934 = arith.constant 0 : i32
        %dma_wait3A_935 = arith.constant 0 : i32
        %dma_wait3A_936 = arith.constant 0 : i32
        %dma_wait3A_937 = tpu.memref_slice %arg9[%dma_wait3A_933, %dma_wait3A_935, %dma_wait3A_936] : memref<4x16x768xf32, #tpu.memory_space<vmem>> -> memref<1x16x768xf32, #tpu.memory_space<vmem>>
        %dma_wait3A_938 = tpu.memref_squeeze %dma_wait3A_937 : memref<1x16x768xf32, #tpu.memory_space<vmem>> -> memref<16x768xf32, #tpu.memory_space<vmem>>
        %dma_wait3A_939 = arith.constant 0 : i32
        %dma_wait3A_940 = tpu.memref_slice %arg6[%add3A_932, %dma_wait3A_939] : memref<16384x768xf32, #tpu.memory_space<hbm>> -> memref<16x768xf32, #tpu.memory_space<hbm>>
        %dma_wait3A_941 = tpu.memref_slice %arg13[%dma_wait3A_934] : memref<4x!tpu.dma_semaphore, #tpu.memory_space<semaphore_mem>> -> memref<1x!tpu.dma_semaphore, #tpu.memory_space<semaphore_mem>>
        %dma_wait3A_942 = tpu.memref_squeeze %dma_wait3A_941 : memref<1x!tpu.dma_semaphore, #tpu.memory_space<semaphore_mem>> -> memref<!tpu.dma_semaphore, #tpu.memory_space<semaphore_mem>>
        %dma_wait3A_943 = arith.constant 0 : i32
        %dma_wait3A_944 = tpu.memref_slice %arg6[%add3A_932, %dma_wait3A_943] : memref<16384x768xf32, #tpu.memory_space<hbm>> -> memref<16x768xf32, #tpu.memory_space<hbm>>
        %dma_wait3A_945 = arith.constant 0 : i32
        %dma_wait3A_946 = arith.constant 0 : i32
        %dma_wait3A_947 = tpu.memref_slice %arg9[%dma_wait3A_933, %dma_wait3A_945, %dma_wait3A_946] : memref<4x16x768xf32, #tpu.memory_space<vmem>> -> memref<1x16x768xf32, #tpu.memory_space<vmem>>
        %dma_wait3A_948 = tpu.memref_squeeze %dma_wait3A_947 : memref<1x16x768xf32, #tpu.memory_space<vmem>> -> memref<16x768xf32, #tpu.memory_space<vmem>>
        tpu.wait_dma2 semaphore(%dma_wait3A_942 : memref<!tpu.dma_semaphore, #tpu.memory_space<semaphore_mem>>) src(%dma_wait3A_948 : memref<16x768xf32, #tpu.memory_space<vmem>>) dst(%dma_wait3A_944 : memref<16x768xf32, #tpu.memory_space<hbm>>)
        %add3A_949 = arith.constant 4 : i32
        %add3A_950 = arith.addi %sub3A_781, %add3A_949 : i32
        %mul3A_951 = arith.constant 16 : i32
        %mul3A_952 = arith.muli %add3A_950, %mul3A_951 : i32
        %mul3A_953 = arith.constant 16 : i32
        %mul3A_954 = arith.muli %add3A_950, %mul3A_953 : i32
        %dma_start3A_955 = arith.constant 0 : i32
        %dma_start3A_956 = arith.constant 0 : i32
        %dma_start3A_957 = arith.constant 0 : i32
        %dma_start3A_958 = arith.constant 0 : i32
        %dma_start3A_959 = tpu.memref_slice %arg9[%dma_start3A_955, %dma_start3A_957, %dma_start3A_958] : memref<4x16x768xf32, #tpu.memory_space<vmem>> -> memref<1x16x768xf32, #tpu.memory_space<vmem>>
        %dma_start3A_960 = tpu.memref_squeeze %dma_start3A_959 : memref<1x16x768xf32, #tpu.memory_space<vmem>> -> memref<16x768xf32, #tpu.memory_space<vmem>>
        %dma_start3A_961 = tpu.memref_slice %arg7[%mul3A_952] : memref<512xi32, #tpu.memory_space<vmem>> -> memref<16xi32, #tpu.memory_space<vmem>>
        %dma_start3A_962 = arith.constant 0 : i32
        %dma_start3A_963 = arith.constant 0 : i32
        %dma_start3A_964 = tpu.memref_slice %arg2[%dma_start3A_962, %dma_start3A_963] : memref<100000x768xf32, #tpu.memory_space<hbm>> -> memref<100000x768xf32, #tpu.memory_space<hbm>>
        %dma_start3A_965 = tpu.memref_slice %arg11[%dma_start3A_956] : memref<4x!tpu.dma_semaphore, #tpu.memory_space<semaphore_mem>> -> memref<1x!tpu.dma_semaphore, #tpu.memory_space<semaphore_mem>>
        %dma_start3A_966 = tpu.memref_squeeze %dma_start3A_965 : memref<1x!tpu.dma_semaphore, #tpu.memory_space<semaphore_mem>> -> memref<!tpu.dma_semaphore, #tpu.memory_space<semaphore_mem>>
        tpu.enqueue_indirect_dma source(%dma_start3A_964 : memref<100000x768xf32, #tpu.memory_space<hbm>>) target(%dma_start3A_960 : memref<16x768xf32, #tpu.memory_space<vmem>>) offsets(%dma_start3A_961 : memref<16xi32, #tpu.memory_space<vmem>>) semaphore(%dma_start3A_966 : memref<!tpu.dma_semaphore, #tpu.memory_space<semaphore_mem>>)
        %dma_start3A_967 = arith.constant 0 : i32
        %dma_start3A_968 = arith.constant 0 : i32
        %dma_start3A_969 = arith.constant 0 : i32
        %dma_start3A_970 = arith.constant 0 : i32
        %dma_start3A_971 = tpu.memref_slice %arg10[%dma_start3A_967, %dma_start3A_969, %dma_start3A_970] : memref<4x16x768xf32, #tpu.memory_space<vmem>> -> memref<1x16x768xf32, #tpu.memory_space<vmem>>
        %dma_start3A_972 = tpu.memref_squeeze %dma_start3A_971 : memref<1x16x768xf32, #tpu.memory_space<vmem>> -> memref<16x768xf32, #tpu.memory_space<vmem>>
        %dma_start3A_973 = tpu.memref_slice %arg8[%mul3A_954] : memref<512xi32, #tpu.memory_space<vmem>> -> memref<16xi32, #tpu.memory_space<vmem>>
        %dma_start3A_974 = arith.constant 0 : i32
        %dma_start3A_975 = arith.constant 0 : i32
        %dma_start3A_976 = tpu.memref_slice %arg3[%dma_start3A_974, %dma_start3A_975] : memref<1536x768xf32, #tpu.memory_space<hbm>> -> memref<1536x768xf32, #tpu.memory_space<hbm>>
        %dma_start3A_977 = tpu.memref_slice %arg12[%dma_start3A_968] : memref<4x!tpu.dma_semaphore, #tpu.memory_space<semaphore_mem>> -> memref<1x!tpu.dma_semaphore, #tpu.memory_space<semaphore_mem>>
        %dma_start3A_978 = tpu.memref_squeeze %dma_start3A_977 : memref<1x!tpu.dma_semaphore, #tpu.memory_space<semaphore_mem>> -> memref<!tpu.dma_semaphore, #tpu.memory_space<semaphore_mem>>
        tpu.enqueue_indirect_dma source(%dma_start3A_976 : memref<1536x768xf32, #tpu.memory_space<hbm>>) target(%dma_start3A_972 : memref<16x768xf32, #tpu.memory_space<vmem>>) offsets(%dma_start3A_973 : memref<16xi32, #tpu.memory_space<vmem>>) semaphore(%dma_start3A_978 : memref<!tpu.dma_semaphore, #tpu.memory_space<semaphore_mem>>)
      } else {
      }
      %mul3A_792 = arith.constant 4 : i32
      %mul3A_793 = arith.muli %scan3A_659, %mul3A_792 : i32
      %add3A_794 = arith.constant 2 : i32
      %add3A_795 = arith.addi %mul3A_793, %add3A_794 : i32
      %mul3A_796 = arith.constant 16 : i32
      %mul3A_797 = arith.muli %add3A_795, %mul3A_796 : i32
      %mul3A_798 = arith.constant 16 : i32
      %mul3A_799 = arith.muli %add3A_795, %mul3A_798 : i32
      %dma_wait3A_800 = arith.constant 2 : i32
      %dma_wait3A_801 = arith.constant 2 : i32
      %dma_wait3A_802 = arith.constant 0 : i32
      %dma_wait3A_803 = arith.constant 0 : i32
      %dma_wait3A_804 = tpu.memref_slice %arg9[%dma_wait3A_800, %dma_wait3A_802, %dma_wait3A_803] : memref<4x16x768xf32, #tpu.memory_space<vmem>> -> memref<1x16x768xf32, #tpu.memory_space<vmem>>
      %dma_wait3A_805 = tpu.memref_squeeze %dma_wait3A_804 : memref<1x16x768xf32, #tpu.memory_space<vmem>> -> memref<16x768xf32, #tpu.memory_space<vmem>>
      %dma_wait3A_806 = tpu.memref_slice %arg7[%mul3A_797] : memref<512xi32, #tpu.memory_space<vmem>> -> memref<16xi32, #tpu.memory_space<vmem>>
      %dma_wait3A_807 = arith.constant 0 : i32
      %dma_wait3A_808 = arith.constant 0 : i32
      %dma_wait3A_809 = tpu.memref_slice %arg2[%dma_wait3A_807, %dma_wait3A_808] : memref<100000x768xf32, #tpu.memory_space<hbm>> -> memref<100000x768xf32, #tpu.memory_space<hbm>>
      %dma_wait3A_810 = tpu.memref_slice %arg11[%dma_wait3A_801] : memref<4x!tpu.dma_semaphore, #tpu.memory_space<semaphore_mem>> -> memref<1x!tpu.dma_semaphore, #tpu.memory_space<semaphore_mem>>
      %dma_wait3A_811 = tpu.memref_squeeze %dma_wait3A_810 : memref<1x!tpu.dma_semaphore, #tpu.memory_space<semaphore_mem>> -> memref<!tpu.dma_semaphore, #tpu.memory_space<semaphore_mem>>
      tpu.wait_indirect_dma semaphore(%dma_wait3A_811 : memref<!tpu.dma_semaphore, #tpu.memory_space<semaphore_mem>>) src(%dma_wait3A_809 : memref<100000x768xf32, #tpu.memory_space<hbm>>) dst(%dma_wait3A_805 : memref<16x768xf32, #tpu.memory_space<vmem>>)
      %dma_wait3A_812 = arith.constant 2 : i32
      %dma_wait3A_813 = arith.constant 2 : i32
      %dma_wait3A_814 = arith.constant 0 : i32
      %dma_wait3A_815 = arith.constant 0 : i32
      %dma_wait3A_816 = tpu.memref_slice %arg10[%dma_wait3A_812, %dma_wait3A_814, %dma_wait3A_815] : memref<4x16x768xf32, #tpu.memory_space<vmem>> -> memref<1x16x768xf32, #tpu.memory_space<vmem>>
      %dma_wait3A_817 = tpu.memref_squeeze %dma_wait3A_816 : memref<1x16x768xf32, #tpu.memory_space<vmem>> -> memref<16x768xf32, #tpu.memory_space<vmem>>
      %dma_wait3A_818 = tpu.memref_slice %arg8[%mul3A_799] : memref<512xi32, #tpu.memory_space<vmem>> -> memref<16xi32, #tpu.memory_space<vmem>>
      %dma_wait3A_819 = arith.constant 0 : i32
      %dma_wait3A_820 = arith.constant 0 : i32
      %dma_wait3A_821 = tpu.memref_slice %arg3[%dma_wait3A_819, %dma_wait3A_820] : memref<1536x768xf32, #tpu.memory_space<hbm>> -> memref<1536x768xf32, #tpu.memory_space<hbm>>
      %dma_wait3A_822 = tpu.memref_slice %arg12[%dma_wait3A_813] : memref<4x!tpu.dma_semaphore, #tpu.memory_space<semaphore_mem>> -> memref<1x!tpu.dma_semaphore, #tpu.memory_space<semaphore_mem>>
      %dma_wait3A_823 = tpu.memref_squeeze %dma_wait3A_822 : memref<1x!tpu.dma_semaphore, #tpu.memory_space<semaphore_mem>> -> memref<!tpu.dma_semaphore, #tpu.memory_space<semaphore_mem>>
      tpu.wait_indirect_dma semaphore(%dma_wait3A_823 : memref<!tpu.dma_semaphore, #tpu.memory_space<semaphore_mem>>) src(%dma_wait3A_821 : memref<1536x768xf32, #tpu.memory_space<hbm>>) dst(%dma_wait3A_817 : memref<16x768xf32, #tpu.memory_space<vmem>>)
      %scan3A_824 = arith.constant 0 : i32
      %scan3A_825 = arith.constant 0 : i32
      %scan3A_826 = arith.constant 48 : i32
      %scan3A_827 = arith.addi %scan3A_825, %scan3A_826 : i32
      %scan3A_828 = arith.constant 1 : i32
      scf.for %scan3A_930 = %scan3A_825 to %scan3A_827 step %scan3A_828  : i32 {
        %mul3A_931 = arith.constant 16 : i32
        %mul3A_932 = arith.muli %scan3A_930, %mul3A_931 : i32
        %get3A_933 = arith.constant 2 : i32
        %get3A_934 = arith.constant 0 : i32
        %get3A_935 = arith.index_cast %get3A_933 : i32 to index
        %get3A_936 = arith.index_cast %get3A_934 : i32 to index
        %get3A_937 = arith.index_cast %mul3A_932 : i32 to index
        %get3A_938 = tpu.vector_load %arg10[%get3A_935, %get3A_936, %get3A_937] {strides = array<i32>} : memref<4x16x768xf32, #tpu.memory_space<vmem>>, vector<1x1x16xf32>,
        %get3A_939 = vector.shape_cast %get3A_938 : vector<1x1x16xf32> to vector<16xf32>
        %swap3A_940 = arith.constant 2 : i32
        %swap3A_941 = arith.constant 0 : i32
        %swap3A_942 = arith.index_cast %swap3A_940 : i32 to index
        %swap3A_943 = arith.index_cast %swap3A_941 : i32 to index
        %swap3A_944 = arith.index_cast %mul3A_932 : i32 to index
        %swap3A_945 = tpu.vector_load %arg9[%swap3A_942, %swap3A_943, %swap3A_944] {strides = array<i32>} : memref<4x16x768xf32, #tpu.memory_space<vmem>>, vector<1x1x16xf32>,
        %swap3A_946 = vector.shape_cast %swap3A_945 : vector<1x1x16xf32> to vector<16xf32>
        %swap3A_947 = vector.shape_cast %get3A_939 : vector<16xf32> to vector<1x1x16xf32>
        tpu.vector_store %arg9[%swap3A_942, %swap3A_943, %swap3A_944], %swap3A_947 {add = true, strides = array<i32>} : memref<4x16x768xf32, #tpu.memory_space<vmem>>, vector<1x1x16xf32>,
        %get3A_948 = arith.constant 2 : i32
        %get3A_949 = arith.constant 1 : i32
        %get3A_950 = arith.index_cast %get3A_948 : i32 to index
        %get3A_951 = arith.index_cast %get3A_949 : i32 to index
        %get3A_952 = arith.index_cast %mul3A_932 : i32 to index
        %get3A_953 = tpu.vector_load %arg10[%get3A_950, %get3A_951, %get3A_952] {strides = array<i32>} : memref<4x16x768xf32, #tpu.memory_space<vmem>>, vector<1x1x16xf32>,
        %get3A_954 = vector.shape_cast %get3A_953 : vector<1x1x16xf32> to vector<16xf32>
        %swap3A_955 = arith.constant 2 : i32
        %swap3A_956 = arith.constant 1 : i32
        %swap3A_957 = arith.index_cast %swap3A_955 : i32 to index
        %swap3A_958 = arith.index_cast %swap3A_956 : i32 to index
        %swap3A_959 = arith.index_cast %mul3A_932 : i32 to index
        %swap3A_960 = tpu.vector_load %arg9[%swap3A_957, %swap3A_958, %swap3A_959] {strides = array<i32>} : memref<4x16x768xf32, #tpu.memory_space<vmem>>, vector<1x1x16xf32>,
        %swap3A_961 = vector.shape_cast %swap3A_960 : vector<1x1x16xf32> to vector<16xf32>
        %swap3A_962 = vector.shape_cast %get3A_954 : vector<16xf32> to vector<1x1x16xf32>
        tpu.vector_store %arg9[%swap3A_957, %swap3A_958, %swap3A_959], %swap3A_962 {add = true, strides = array<i32>} : memref<4x16x768xf32, #tpu.memory_space<vmem>>, vector<1x1x16xf32>,
        %get3A_963 = arith.constant 2 : i32
        %get3A_964 = arith.constant 2 : i32
        %get3A_965 = arith.index_cast %get3A_963 : i32 to index
        %get3A_966 = arith.index_cast %get3A_964 : i32 to index
        %get3A_967 = arith.index_cast %mul3A_932 : i32 to index
        %get3A_968 = tpu.vector_load %arg10[%get3A_965, %get3A_966, %get3A_967] {strides = array<i32>} : memref<4x16x768xf32, #tpu.memory_space<vmem>>, vector<1x1x16xf32>,
        %get3A_969 = vector.shape_cast %get3A_968 : vector<1x1x16xf32> to vector<16xf32>
        %swap3A_970 = arith.constant 2 : i32
        %swap3A_971 = arith.constant 2 : i32
        %swap3A_972 = arith.index_cast %swap3A_970 : i32 to index
        %swap3A_973 = arith.index_cast %swap3A_971 : i32 to index
        %swap3A_974 = arith.index_cast %mul3A_932 : i32 to index
        %swap3A_975 = tpu.vector_load %arg9[%swap3A_972, %swap3A_973, %swap3A_974] {strides = array<i32>} : memref<4x16x768xf32, #tpu.memory_space<vmem>>, vector<1x1x16xf32>,
        %swap3A_976 = vector.shape_cast %swap3A_975 : vector<1x1x16xf32> to vector<16xf32>
        %swap3A_977 = vector.shape_cast %get3A_969 : vector<16xf32> to vector<1x1x16xf32>
        tpu.vector_store %arg9[%swap3A_972, %swap3A_973, %swap3A_974], %swap3A_977 {add = true, strides = array<i32>} : memref<4x16x768xf32, #tpu.memory_space<vmem>>, vector<1x1x16xf32>,
        %get3A_978 = arith.constant 2 : i32
        %get3A_979 = arith.constant 3 : i32
        %get3A_980 = arith.index_cast %get3A_978 : i32 to index
        %get3A_981 = arith.index_cast %get3A_979 : i32 to index
        %get3A_982 = arith.index_cast %mul3A_932 : i32 to index
        %get3A_983 = tpu.vector_load %arg10[%get3A_980, %get3A_981, %get3A_982] {strides = array<i32>} : memref<4x16x768xf32, #tpu.memory_space<vmem>>, vector<1x1x16xf32>,
        %get3A_984 = vector.shape_cast %get3A_983 : vector<1x1x16xf32> to vector<16xf32>
        %swap3A_985 = arith.constant 2 : i32
        %swap3A_986 = arith.constant 3 : i32
        %swap3A_987 = arith.index_cast %swap3A_985 : i32 to index
        %swap3A_988 = arith.index_cast %swap3A_986 : i32 to index
        %swap3A_989 = arith.index_cast %mul3A_932 : i32 to index
        %swap3A_990 = tpu.vector_load %arg9[%swap3A_987, %swap3A_988, %swap3A_989] {strides = array<i32>} : memref<4x16x768xf32, #tpu.memory_space<vmem>>, vector<1x1x16xf32>,
        %swap3A_991 = vector.shape_cast %swap3A_990 : vector<1x1x16xf32> to vector<16xf32>
        %swap3A_992 = vector.shape_cast %get3A_984 : vector<16xf32> to vector<1x1x16xf32>
        tpu.vector_store %arg9[%swap3A_987, %swap3A_988, %swap3A_989], %swap3A_992 {add = true, strides = array<i32>} : memref<4x16x768xf32, #tpu.memory_space<vmem>>, vector<1x1x16xf32>,
        %get3A_993 = arith.constant 2 : i32
        %get3A_994 = arith.constant 4 : i32
        %get3A_995 = arith.index_cast %get3A_993 : i32 to index
        %get3A_996 = arith.index_cast %get3A_994 : i32 to index
        %get3A_997 = arith.index_cast %mul3A_932 : i32 to index
        %get3A_998 = tpu.vector_load %arg10[%get3A_995, %get3A_996, %get3A_997] {strides = array<i32>} : memref<4x16x768xf32, #tpu.memory_space<vmem>>, vector<1x1x16xf32>,
        %get3A_999 = vector.shape_cast %get3A_998 : vector<1x1x16xf32> to vector<16xf32>
        %swap3A_1000 = arith.constant 2 : i32
        %swap3A_1001 = arith.constant 4 : i32
        %swap3A_1002 = arith.index_cast %swap3A_1000 : i32 to index
        %swap3A_1003 = arith.index_cast %swap3A_1001 : i32 to index
        %swap3A_1004 = arith.index_cast %mul3A_932 : i32 to index
        %swap3A_1005 = tpu.vector_load %arg9[%swap3A_1002, %swap3A_1003, %swap3A_1004] {strides = array<i32>} : memref<4x16x768xf32, #tpu.memory_space<vmem>>, vector<1x1x16xf32>,
        %swap3A_1006 = vector.shape_cast %swap3A_1005 : vector<1x1x16xf32> to vector<16xf32>
        %swap3A_1007 = vector.shape_cast %get3A_999 : vector<16xf32> to vector<1x1x16xf32>
        tpu.vector_store %arg9[%swap3A_1002, %swap3A_1003, %swap3A_1004], %swap3A_1007 {add = true, strides = array<i32>} : memref<4x16x768xf32, #tpu.memory_space<vmem>>, vector<1x1x16xf32>,
        %get3A_1008 = arith.constant 2 : i32
        %get3A_1009 = arith.constant 5 : i32
        %get3A_1010 = arith.index_cast %get3A_1008 : i32 to index
        %get3A_1011 = arith.index_cast %get3A_1009 : i32 to index
        %get3A_1012 = arith.index_cast %mul3A_932 : i32 to index
        %get3A_1013 = tpu.vector_load %arg10[%get3A_1010, %get3A_1011, %get3A_1012] {strides = array<i32>} : memref<4x16x768xf32, #tpu.memory_space<vmem>>, vector<1x1x16xf32>,
        %get3A_1014 = vector.shape_cast %get3A_1013 : vector<1x1x16xf32> to vector<16xf32>
        %swap3A_1015 = arith.constant 2 : i32
        %swap3A_1016 = arith.constant 5 : i32
        %swap3A_1017 = arith.index_cast %swap3A_1015 : i32 to index
        %swap3A_1018 = arith.index_cast %swap3A_1016 : i32 to index
        %swap3A_1019 = arith.index_cast %mul3A_932 : i32 to index
        %swap3A_1020 = tpu.vector_load %arg9[%swap3A_1017, %swap3A_1018, %swap3A_1019] {strides = array<i32>} : memref<4x16x768xf32, #tpu.memory_space<vmem>>, vector<1x1x16xf32>,
        %swap3A_1021 = vector.shape_cast %swap3A_1020 : vector<1x1x16xf32> to vector<16xf32>
        %swap3A_1022 = vector.shape_cast %get3A_1014 : vector<16xf32> to vector<1x1x16xf32>
        tpu.vector_store %arg9[%swap3A_1017, %swap3A_1018, %swap3A_1019], %swap3A_1022 {add = true, strides = array<i32>} : memref<4x16x768xf32, #tpu.memory_space<vmem>>, vector<1x1x16xf32>,
        %get3A_1023 = arith.constant 2 : i32
        %get3A_1024 = arith.constant 6 : i32
        %get3A_1025 = arith.index_cast %get3A_1023 : i32 to index
        %get3A_1026 = arith.index_cast %get3A_1024 : i32 to index
        %get3A_1027 = arith.index_cast %mul3A_932 : i32 to index
        %get3A_1028 = tpu.vector_load %arg10[%get3A_1025, %get3A_1026, %get3A_1027] {strides = array<i32>} : memref<4x16x768xf32, #tpu.memory_space<vmem>>, vector<1x1x16xf32>,
        %get3A_1029 = vector.shape_cast %get3A_1028 : vector<1x1x16xf32> to vector<16xf32>
        %swap3A_1030 = arith.constant 2 : i32
        %swap3A_1031 = arith.constant 6 : i32
        %swap3A_1032 = arith.index_cast %swap3A_1030 : i32 to index
        %swap3A_1033 = arith.index_cast %swap3A_1031 : i32 to index
        %swap3A_1034 = arith.index_cast %mul3A_932 : i32 to index
        %swap3A_1035 = tpu.vector_load %arg9[%swap3A_1032, %swap3A_1033, %swap3A_1034] {strides = array<i32>} : memref<4x16x768xf32, #tpu.memory_space<vmem>>, vector<1x1x16xf32>,
        %swap3A_1036 = vector.shape_cast %swap3A_1035 : vector<1x1x16xf32> to vector<16xf32>
        %swap3A_1037 = vector.shape_cast %get3A_1029 : vector<16xf32> to vector<1x1x16xf32>
        tpu.vector_store %arg9[%swap3A_1032, %swap3A_1033, %swap3A_1034], %swap3A_1037 {add = true, strides = array<i32>} : memref<4x16x768xf32, #tpu.memory_space<vmem>>, vector<1x1x16xf32>,
        %get3A_1038 = arith.constant 2 : i32
        %get3A_1039 = arith.constant 7 : i32
        %get3A_1040 = arith.index_cast %get3A_1038 : i32 to index
        %get3A_1041 = arith.index_cast %get3A_1039 : i32 to index
        %get3A_1042 = arith.index_cast %mul3A_932 : i32 to index
        %get3A_1043 = tpu.vector_load %arg10[%get3A_1040, %get3A_1041, %get3A_1042] {strides = array<i32>} : memref<4x16x768xf32, #tpu.memory_space<vmem>>, vector<1x1x16xf32>,
        %get3A_1044 = vector.shape_cast %get3A_1043 : vector<1x1x16xf32> to vector<16xf32>
        %swap3A_1045 = arith.constant 2 : i32
        %swap3A_1046 = arith.constant 7 : i32
        %swap3A_1047 = arith.index_cast %swap3A_1045 : i32 to index
        %swap3A_1048 = arith.index_cast %swap3A_1046 : i32 to index
        %swap3A_1049 = arith.index_cast %mul3A_932 : i32 to index
        %swap3A_1050 = tpu.vector_load %arg9[%swap3A_1047, %swap3A_1048, %swap3A_1049] {strides = array<i32>} : memref<4x16x768xf32, #tpu.memory_space<vmem>>, vector<1x1x16xf32>,
        %swap3A_1051 = vector.shape_cast %swap3A_1050 : vector<1x1x16xf32> to vector<16xf32>
        %swap3A_1052 = vector.shape_cast %get3A_1044 : vector<16xf32> to vector<1x1x16xf32>
        tpu.vector_store %arg9[%swap3A_1047, %swap3A_1048, %swap3A_1049], %swap3A_1052 {add = true, strides = array<i32>} : memref<4x16x768xf32, #tpu.memory_space<vmem>>, vector<1x1x16xf32>,
        %get3A_1053 = arith.constant 2 : i32
        %get3A_1054 = arith.constant 8 : i32
        %get3A_1055 = arith.index_cast %get3A_1053 : i32 to index
        %get3A_1056 = arith.index_cast %get3A_1054 : i32 to index
        %get3A_1057 = arith.index_cast %mul3A_932 : i32 to index
        %get3A_1058 = tpu.vector_load %arg10[%get3A_1055, %get3A_1056, %get3A_1057] {strides = array<i32>} : memref<4x16x768xf32, #tpu.memory_space<vmem>>, vector<1x1x16xf32>,
        %get3A_1059 = vector.shape_cast %get3A_1058 : vector<1x1x16xf32> to vector<16xf32>
        %swap3A_1060 = arith.constant 2 : i32
        %swap3A_1061 = arith.constant 8 : i32
        %swap3A_1062 = arith.index_cast %swap3A_1060 : i32 to index
        %swap3A_1063 = arith.index_cast %swap3A_1061 : i32 to index
        %swap3A_1064 = arith.index_cast %mul3A_932 : i32 to index
        %swap3A_1065 = tpu.vector_load %arg9[%swap3A_1062, %swap3A_1063, %swap3A_1064] {strides = array<i32>} : memref<4x16x768xf32, #tpu.memory_space<vmem>>, vector<1x1x16xf32>,
        %swap3A_1066 = vector.shape_cast %swap3A_1065 : vector<1x1x16xf32> to vector<16xf32>
        %swap3A_1067 = vector.shape_cast %get3A_1059 : vector<16xf32> to vector<1x1x16xf32>
        tpu.vector_store %arg9[%swap3A_1062, %swap3A_1063, %swap3A_1064], %swap3A_1067 {add = true, strides = array<i32>} : memref<4x16x768xf32, #tpu.memory_space<vmem>>, vector<1x1x16xf32>,
        %get3A_1068 = arith.constant 2 : i32
        %get3A_1069 = arith.constant 9 : i32
        %get3A_1070 = arith.index_cast %get3A_1068 : i32 to index
        %get3A_1071 = arith.index_cast %get3A_1069 : i32 to index
        %get3A_1072 = arith.index_cast %mul3A_932 : i32 to index
        %get3A_1073 = tpu.vector_load %arg10[%get3A_1070, %get3A_1071, %get3A_1072] {strides = array<i32>} : memref<4x16x768xf32, #tpu.memory_space<vmem>>, vector<1x1x16xf32>,
        %get3A_1074 = vector.shape_cast %get3A_1073 : vector<1x1x16xf32> to vector<16xf32>
        %swap3A_1075 = arith.constant 2 : i32
        %swap3A_1076 = arith.constant 9 : i32
        %swap3A_1077 = arith.index_cast %swap3A_1075 : i32 to index
        %swap3A_1078 = arith.index_cast %swap3A_1076 : i32 to index
        %swap3A_1079 = arith.index_cast %mul3A_932 : i32 to index
        %swap3A_1080 = tpu.vector_load %arg9[%swap3A_1077, %swap3A_1078, %swap3A_1079] {strides = array<i32>} : memref<4x16x768xf32, #tpu.memory_space<vmem>>, vector<1x1x16xf32>,
        %swap3A_1081 = vector.shape_cast %swap3A_1080 : vector<1x1x16xf32> to vector<16xf32>
        %swap3A_1082 = vector.shape_cast %get3A_1074 : vector<16xf32> to vector<1x1x16xf32>
        tpu.vector_store %arg9[%swap3A_1077, %swap3A_1078, %swap3A_1079], %swap3A_1082 {add = true, strides = array<i32>} : memref<4x16x768xf32, #tpu.memory_space<vmem>>, vector<1x1x16xf32>,
        %get3A_1083 = arith.constant 2 : i32
        %get3A_1084 = arith.constant 10 : i32
        %get3A_1085 = arith.index_cast %get3A_1083 : i32 to index
        %get3A_1086 = arith.index_cast %get3A_1084 : i32 to index
        %get3A_1087 = arith.index_cast %mul3A_932 : i32 to index
        %get3A_1088 = tpu.vector_load %arg10[%get3A_1085, %get3A_1086, %get3A_1087] {strides = array<i32>} : memref<4x16x768xf32, #tpu.memory_space<vmem>>, vector<1x1x16xf32>,
        %get3A_1089 = vector.shape_cast %get3A_1088 : vector<1x1x16xf32> to vector<16xf32>
        %swap3A_1090 = arith.constant 2 : i32
        %swap3A_1091 = arith.constant 10 : i32
        %swap3A_1092 = arith.index_cast %swap3A_1090 : i32 to index
        %swap3A_1093 = arith.index_cast %swap3A_1091 : i32 to index
        %swap3A_1094 = arith.index_cast %mul3A_932 : i32 to index
        %swap3A_1095 = tpu.vector_load %arg9[%swap3A_1092, %swap3A_1093, %swap3A_1094] {strides = array<i32>} : memref<4x16x768xf32, #tpu.memory_space<vmem>>, vector<1x1x16xf32>,
        %swap3A_1096 = vector.shape_cast %swap3A_1095 : vector<1x1x16xf32> to vector<16xf32>
        %swap3A_1097 = vector.shape_cast %get3A_1089 : vector<16xf32> to vector<1x1x16xf32>
        tpu.vector_store %arg9[%swap3A_1092, %swap3A_1093, %swap3A_1094], %swap3A_1097 {add = true, strides = array<i32>} : memref<4x16x768xf32, #tpu.memory_space<vmem>>, vector<1x1x16xf32>,
        %get3A_1098 = arith.constant 2 : i32
        %get3A_1099 = arith.constant 11 : i32
        %get3A_1100 = arith.index_cast %get3A_1098 : i32 to index
        %get3A_1101 = arith.index_cast %get3A_1099 : i32 to index
        %get3A_1102 = arith.index_cast %mul3A_932 : i32 to index
        %get3A_1103 = tpu.vector_load %arg10[%get3A_1100, %get3A_1101, %get3A_1102] {strides = array<i32>} : memref<4x16x768xf32, #tpu.memory_space<vmem>>, vector<1x1x16xf32>,
        %get3A_1104 = vector.shape_cast %get3A_1103 : vector<1x1x16xf32> to vector<16xf32>
        %swap3A_1105 = arith.constant 2 : i32
        %swap3A_1106 = arith.constant 11 : i32
        %swap3A_1107 = arith.index_cast %swap3A_1105 : i32 to index
        %swap3A_1108 = arith.index_cast %swap3A_1106 : i32 to index
        %swap3A_1109 = arith.index_cast %mul3A_932 : i32 to index
        %swap3A_1110 = tpu.vector_load %arg9[%swap3A_1107, %swap3A_1108, %swap3A_1109] {strides = array<i32>} : memref<4x16x768xf32, #tpu.memory_space<vmem>>, vector<1x1x16xf32>,
        %swap3A_1111 = vector.shape_cast %swap3A_1110 : vector<1x1x16xf32> to vector<16xf32>
        %swap3A_1112 = vector.shape_cast %get3A_1104 : vector<16xf32> to vector<1x1x16xf32>
        tpu.vector_store %arg9[%swap3A_1107, %swap3A_1108, %swap3A_1109], %swap3A_1112 {add = true, strides = array<i32>} : memref<4x16x768xf32, #tpu.memory_space<vmem>>, vector<1x1x16xf32>,
        %get3A_1113 = arith.constant 2 : i32
        %get3A_1114 = arith.constant 12 : i32
        %get3A_1115 = arith.index_cast %get3A_1113 : i32 to index
        %get3A_1116 = arith.index_cast %get3A_1114 : i32 to index
        %get3A_1117 = arith.index_cast %mul3A_932 : i32 to index
        %get3A_1118 = tpu.vector_load %arg10[%get3A_1115, %get3A_1116, %get3A_1117] {strides = array<i32>} : memref<4x16x768xf32, #tpu.memory_space<vmem>>, vector<1x1x16xf32>,
        %get3A_1119 = vector.shape_cast %get3A_1118 : vector<1x1x16xf32> to vector<16xf32>
        %swap3A_1120 = arith.constant 2 : i32
        %swap3A_1121 = arith.constant 12 : i32
        %swap3A_1122 = arith.index_cast %swap3A_1120 : i32 to index
        %swap3A_1123 = arith.index_cast %swap3A_1121 : i32 to index
        %swap3A_1124 = arith.index_cast %mul3A_932 : i32 to index
        %swap3A_1125 = tpu.vector_load %arg9[%swap3A_1122, %swap3A_1123, %swap3A_1124] {strides = array<i32>} : memref<4x16x768xf32, #tpu.memory_space<vmem>>, vector<1x1x16xf32>,
        %swap3A_1126 = vector.shape_cast %swap3A_1125 : vector<1x1x16xf32> to vector<16xf32>
        %swap3A_1127 = vector.shape_cast %get3A_1119 : vector<16xf32> to vector<1x1x16xf32>
        tpu.vector_store %arg9[%swap3A_1122, %swap3A_1123, %swap3A_1124], %swap3A_1127 {add = true, strides = array<i32>} : memref<4x16x768xf32, #tpu.memory_space<vmem>>, vector<1x1x16xf32>,
        %get3A_1128 = arith.constant 2 : i32
        %get3A_1129 = arith.constant 13 : i32
        %get3A_1130 = arith.index_cast %get3A_1128 : i32 to index
        %get3A_1131 = arith.index_cast %get3A_1129 : i32 to index
        %get3A_1132 = arith.index_cast %mul3A_932 : i32 to index
        %get3A_1133 = tpu.vector_load %arg10[%get3A_1130, %get3A_1131, %get3A_1132] {strides = array<i32>} : memref<4x16x768xf32, #tpu.memory_space<vmem>>, vector<1x1x16xf32>,
        %get3A_1134 = vector.shape_cast %get3A_1133 : vector<1x1x16xf32> to vector<16xf32>
        %swap3A_1135 = arith.constant 2 : i32
        %swap3A_1136 = arith.constant 13 : i32
        %swap3A_1137 = arith.index_cast %swap3A_1135 : i32 to index
        %swap3A_1138 = arith.index_cast %swap3A_1136 : i32 to index
        %swap3A_1139 = arith.index_cast %mul3A_932 : i32 to index
        %swap3A_1140 = tpu.vector_load %arg9[%swap3A_1137, %swap3A_1138, %swap3A_1139] {strides = array<i32>} : memref<4x16x768xf32, #tpu.memory_space<vmem>>, vector<1x1x16xf32>,
        %swap3A_1141 = vector.shape_cast %swap3A_1140 : vector<1x1x16xf32> to vector<16xf32>
        %swap3A_1142 = vector.shape_cast %get3A_1134 : vector<16xf32> to vector<1x1x16xf32>
        tpu.vector_store %arg9[%swap3A_1137, %swap3A_1138, %swap3A_1139], %swap3A_1142 {add = true, strides = array<i32>} : memref<4x16x768xf32, #tpu.memory_space<vmem>>, vector<1x1x16xf32>,
        %get3A_1143 = arith.constant 2 : i32
        %get3A_1144 = arith.constant 14 : i32
        %get3A_1145 = arith.index_cast %get3A_1143 : i32 to index
        %get3A_1146 = arith.index_cast %get3A_1144 : i32 to index
        %get3A_1147 = arith.index_cast %mul3A_932 : i32 to index
        %get3A_1148 = tpu.vector_load %arg10[%get3A_1145, %get3A_1146, %get3A_1147] {strides = array<i32>} : memref<4x16x768xf32, #tpu.memory_space<vmem>>, vector<1x1x16xf32>,
        %get3A_1149 = vector.shape_cast %get3A_1148 : vector<1x1x16xf32> to vector<16xf32>
        %swap3A_1150 = arith.constant 2 : i32
        %swap3A_1151 = arith.constant 14 : i32
        %swap3A_1152 = arith.index_cast %swap3A_1150 : i32 to index
        %swap3A_1153 = arith.index_cast %swap3A_1151 : i32 to index
        %swap3A_1154 = arith.index_cast %mul3A_932 : i32 to index
        %swap3A_1155 = tpu.vector_load %arg9[%swap3A_1152, %swap3A_1153, %swap3A_1154] {strides = array<i32>} : memref<4x16x768xf32, #tpu.memory_space<vmem>>, vector<1x1x16xf32>,
        %swap3A_1156 = vector.shape_cast %swap3A_1155 : vector<1x1x16xf32> to vector<16xf32>
        %swap3A_1157 = vector.shape_cast %get3A_1149 : vector<16xf32> to vector<1x1x16xf32>
        tpu.vector_store %arg9[%swap3A_1152, %swap3A_1153, %swap3A_1154], %swap3A_1157 {add = true, strides = array<i32>} : memref<4x16x768xf32, #tpu.memory_space<vmem>>, vector<1x1x16xf32>,
        %get3A_1158 = arith.constant 2 : i32
        %get3A_1159 = arith.constant 15 : i32
        %get3A_1160 = arith.index_cast %get3A_1158 : i32 to index
        %get3A_1161 = arith.index_cast %get3A_1159 : i32 to index
        %get3A_1162 = arith.index_cast %mul3A_932 : i32 to index
        %get3A_1163 = tpu.vector_load %arg10[%get3A_1160, %get3A_1161, %get3A_1162] {strides = array<i32>} : memref<4x16x768xf32, #tpu.memory_space<vmem>>, vector<1x1x16xf32>,
        %get3A_1164 = vector.shape_cast %get3A_1163 : vector<1x1x16xf32> to vector<16xf32>
        %swap3A_1165 = arith.constant 2 : i32
        %swap3A_1166 = arith.constant 15 : i32
        %swap3A_1167 = arith.index_cast %swap3A_1165 : i32 to index
        %swap3A_1168 = arith.index_cast %swap3A_1166 : i32 to index
        %swap3A_1169 = arith.index_cast %mul3A_932 : i32 to index
        %swap3A_1170 = tpu.vector_load %arg9[%swap3A_1167, %swap3A_1168, %swap3A_1169] {strides = array<i32>} : memref<4x16x768xf32, #tpu.memory_space<vmem>>, vector<1x1x16xf32>,
        %swap3A_1171 = vector.shape_cast %swap3A_1170 : vector<1x1x16xf32> to vector<16xf32>
        %swap3A_1172 = vector.shape_cast %get3A_1164 : vector<16xf32> to vector<1x1x16xf32>
        tpu.vector_store %arg9[%swap3A_1167, %swap3A_1168, %swap3A_1169], %swap3A_1172 {add = true, strides = array<i32>} : memref<4x16x768xf32, #tpu.memory_space<vmem>>, vector<1x1x16xf32>,
      }
      %scan3A_829 = arith.constant 48 : i32
      %mul3A_830 = arith.constant 16 : i32
      %mul3A_831 = arith.muli %add3A_795, %mul3A_830 : i32
      %add3A_832 = arith.addi %mul3A_2, %mul3A_831 : i32
      %dma_start3A_833 = arith.constant 2 : i32
      %dma_start3A_834 = arith.constant 2 : i32
      %dma_start3A_835 = arith.constant 0 : i32
      %dma_start3A_836 = arith.constant 0 : i32
      %dma_start3A_837 = tpu.memref_slice %arg9[%dma_start3A_833, %dma_start3A_835, %dma_start3A_836] : memref<4x16x768xf32, #tpu.memory_space<vmem>> -> memref<1x16x768xf32, #tpu.memory_space<vmem>>
      %dma_start3A_838 = tpu.memref_squeeze %dma_start3A_837 : memref<1x16x768xf32, #tpu.memory_space<vmem>> -> memref<16x768xf32, #tpu.memory_space<vmem>>
      %dma_start3A_839 = arith.constant 0 : i32
      %dma_start3A_840 = tpu.memref_slice %arg6[%add3A_832, %dma_start3A_839] : memref<16384x768xf32, #tpu.memory_space<hbm>> -> memref<16x768xf32, #tpu.memory_space<hbm>>
      %dma_start3A_841 = tpu.memref_slice %arg13[%dma_start3A_834] : memref<4x!tpu.dma_semaphore, #tpu.memory_space<semaphore_mem>> -> memref<1x!tpu.dma_semaphore, #tpu.memory_space<semaphore_mem>>
      %dma_start3A_842 = tpu.memref_squeeze %dma_start3A_841 : memref<1x!tpu.dma_semaphore, #tpu.memory_space<semaphore_mem>> -> memref<!tpu.dma_semaphore, #tpu.memory_space<semaphore_mem>>
      %dma_start3A_843 = arith.constant 0 : i32
      %dma_start3A_844 = tpu.memref_slice %arg6[%add3A_832, %dma_start3A_843] : memref<16384x768xf32, #tpu.memory_space<hbm>> -> memref<16x768xf32, #tpu.memory_space<hbm>>
      %dma_start3A_845 = arith.constant 0 : i32
      %dma_start3A_846 = arith.constant 0 : i32
      %dma_start3A_847 = tpu.memref_slice %arg9[%dma_start3A_833, %dma_start3A_845, %dma_start3A_846] : memref<4x16x768xf32, #tpu.memory_space<vmem>> -> memref<1x16x768xf32, #tpu.memory_space<vmem>>
      %dma_start3A_848 = tpu.memref_squeeze %dma_start3A_847 : memref<1x16x768xf32, #tpu.memory_space<vmem>> -> memref<16x768xf32, #tpu.memory_space<vmem>>
      tpu.enqueue_dma source(%dma_start3A_848 : memref<16x768xf32, #tpu.memory_space<vmem>>) target(%dma_start3A_844 : memref<16x768xf32, #tpu.memory_space<hbm>>) target_semaphore(%dma_start3A_842 : memref<!tpu.dma_semaphore, #tpu.memory_space<semaphore_mem>>)
      %sub3A_849 = arith.constant 1 : i32
      %sub3A_850 = arith.subi %add3A_795, %sub3A_849 : i32
      %ge3A_851 = arith.constant 0 : i32
      %ge3A_852 = arith.cmpi sge, %sub3A_850, %ge3A_851 : i32
      %add3A_853 = arith.constant 4 : i32
      %add3A_854 = arith.addi %sub3A_850, %add3A_853 : i32
      %lt3A_855 = arith.constant 32 : i32
      %lt3A_856 = arith.cmpi slt, %add3A_854, %lt3A_855 : i32
      %and3A_857 = arith.andi %ge3A_852, %lt3A_856 : i1
      %convert_element_type3A_858 = arith.extui %and3A_857 : i1 to i32
      %cond3A_859 = arith.constant 0 : i32
      %cond3A_860 = arith.cmpi ne, %convert_element_type3A_858, %cond3A_859 : i32
      scf.if %cond3A_860 {
        %mul3A_930 = arith.constant 16 : i32
        %mul3A_931 = arith.muli %sub3A_850, %mul3A_930 : i32
        %add3A_932 = arith.addi %mul3A_2, %mul3A_931 : i32
        %dma_wait3A_933 = arith.constant 1 : i32
        %dma_wait3A_934 = arith.constant 1 : i32
        %dma_wait3A_935 = arith.constant 0 : i32
        %dma_wait3A_936 = arith.constant 0 : i32
        %dma_wait3A_937 = tpu.memref_slice %arg9[%dma_wait3A_933, %dma_wait3A_935, %dma_wait3A_936] : memref<4x16x768xf32, #tpu.memory_space<vmem>> -> memref<1x16x768xf32, #tpu.memory_space<vmem>>
        %dma_wait3A_938 = tpu.memref_squeeze %dma_wait3A_937 : memref<1x16x768xf32, #tpu.memory_space<vmem>> -> memref<16x768xf32, #tpu.memory_space<vmem>>
        %dma_wait3A_939 = arith.constant 0 : i32
        %dma_wait3A_940 = tpu.memref_slice %arg6[%add3A_932, %dma_wait3A_939] : memref<16384x768xf32, #tpu.memory_space<hbm>> -> memref<16x768xf32, #tpu.memory_space<hbm>>
        %dma_wait3A_941 = tpu.memref_slice %arg13[%dma_wait3A_934] : memref<4x!tpu.dma_semaphore, #tpu.memory_space<semaphore_mem>> -> memref<1x!tpu.dma_semaphore, #tpu.memory_space<semaphore_mem>>
        %dma_wait3A_942 = tpu.memref_squeeze %dma_wait3A_941 : memref<1x!tpu.dma_semaphore, #tpu.memory_space<semaphore_mem>> -> memref<!tpu.dma_semaphore, #tpu.memory_space<semaphore_mem>>
        %dma_wait3A_943 = arith.constant 0 : i32
        %dma_wait3A_944 = tpu.memref_slice %arg6[%add3A_932, %dma_wait3A_943] : memref<16384x768xf32, #tpu.memory_space<hbm>> -> memref<16x768xf32, #tpu.memory_space<hbm>>
        %dma_wait3A_945 = arith.constant 0 : i32
        %dma_wait3A_946 = arith.constant 0 : i32
        %dma_wait3A_947 = tpu.memref_slice %arg9[%dma_wait3A_933, %dma_wait3A_945, %dma_wait3A_946] : memref<4x16x768xf32, #tpu.memory_space<vmem>> -> memref<1x16x768xf32, #tpu.memory_space<vmem>>
        %dma_wait3A_948 = tpu.memref_squeeze %dma_wait3A_947 : memref<1x16x768xf32, #tpu.memory_space<vmem>> -> memref<16x768xf32, #tpu.memory_space<vmem>>
        tpu.wait_dma2 semaphore(%dma_wait3A_942 : memref<!tpu.dma_semaphore, #tpu.memory_space<semaphore_mem>>) src(%dma_wait3A_948 : memref<16x768xf32, #tpu.memory_space<vmem>>) dst(%dma_wait3A_944 : memref<16x768xf32, #tpu.memory_space<hbm>>)
        %add3A_949 = arith.constant 4 : i32
        %add3A_950 = arith.addi %sub3A_850, %add3A_949 : i32
        %mul3A_951 = arith.constant 16 : i32
        %mul3A_952 = arith.muli %add3A_950, %mul3A_951 : i32
        %mul3A_953 = arith.constant 16 : i32
        %mul3A_954 = arith.muli %add3A_950, %mul3A_953 : i32
        %dma_start3A_955 = arith.constant 1 : i32
        %dma_start3A_956 = arith.constant 1 : i32
        %dma_start3A_957 = arith.constant 0 : i32
        %dma_start3A_958 = arith.constant 0 : i32
        %dma_start3A_959 = tpu.memref_slice %arg9[%dma_start3A_955, %dma_start3A_957, %dma_start3A_958] : memref<4x16x768xf32, #tpu.memory_space<vmem>> -> memref<1x16x768xf32, #tpu.memory_space<vmem>>
        %dma_start3A_960 = tpu.memref_squeeze %dma_start3A_959 : memref<1x16x768xf32, #tpu.memory_space<vmem>> -> memref<16x768xf32, #tpu.memory_space<vmem>>
        %dma_start3A_961 = tpu.memref_slice %arg7[%mul3A_952] : memref<512xi32, #tpu.memory_space<vmem>> -> memref<16xi32, #tpu.memory_space<vmem>>
        %dma_start3A_962 = arith.constant 0 : i32
        %dma_start3A_963 = arith.constant 0 : i32
        %dma_start3A_964 = tpu.memref_slice %arg2[%dma_start3A_962, %dma_start3A_963] : memref<100000x768xf32, #tpu.memory_space<hbm>> -> memref<100000x768xf32, #tpu.memory_space<hbm>>
        %dma_start3A_965 = tpu.memref_slice %arg11[%dma_start3A_956] : memref<4x!tpu.dma_semaphore, #tpu.memory_space<semaphore_mem>> -> memref<1x!tpu.dma_semaphore, #tpu.memory_space<semaphore_mem>>
        %dma_start3A_966 = tpu.memref_squeeze %dma_start3A_965 : memref<1x!tpu.dma_semaphore, #tpu.memory_space<semaphore_mem>> -> memref<!tpu.dma_semaphore, #tpu.memory_space<semaphore_mem>>
        tpu.enqueue_indirect_dma source(%dma_start3A_964 : memref<100000x768xf32, #tpu.memory_space<hbm>>) target(%dma_start3A_960 : memref<16x768xf32, #tpu.memory_space<vmem>>) offsets(%dma_start3A_961 : memref<16xi32, #tpu.memory_space<vmem>>) semaphore(%dma_start3A_966 : memref<!tpu.dma_semaphore, #tpu.memory_space<semaphore_mem>>)
        %dma_start3A_967 = arith.constant 1 : i32
        %dma_start3A_968 = arith.constant 1 : i32
        %dma_start3A_969 = arith.constant 0 : i32
        %dma_start3A_970 = arith.constant 0 : i32
        %dma_start3A_971 = tpu.memref_slice %arg10[%dma_start3A_967, %dma_start3A_969, %dma_start3A_970] : memref<4x16x768xf32, #tpu.memory_space<vmem>> -> memref<1x16x768xf32, #tpu.memory_space<vmem>>
        %dma_start3A_972 = tpu.memref_squeeze %dma_start3A_971 : memref<1x16x768xf32, #tpu.memory_space<vmem>> -> memref<16x768xf32, #tpu.memory_space<vmem>>
        %dma_start3A_973 = tpu.memref_slice %arg8[%mul3A_954] : memref<512xi32, #tpu.memory_space<vmem>> -> memref<16xi32, #tpu.memory_space<vmem>>
        %dma_start3A_974 = arith.constant 0 : i32
        %dma_start3A_975 = arith.constant 0 : i32
        %dma_start3A_976 = tpu.memref_slice %arg3[%dma_start3A_974, %dma_start3A_975] : memref<1536x768xf32, #tpu.memory_space<hbm>> -> memref<1536x768xf32, #tpu.memory_space<hbm>>
        %dma_start3A_977 = tpu.memref_slice %arg12[%dma_start3A_968] : memref<4x!tpu.dma_semaphore, #tpu.memory_space<semaphore_mem>> -> memref<1x!tpu.dma_semaphore, #tpu.memory_space<semaphore_mem>>
        %dma_start3A_978 = tpu.memref_squeeze %dma_start3A_977 : memref<1x!tpu.dma_semaphore, #tpu.memory_space<semaphore_mem>> -> memref<!tpu.dma_semaphore, #tpu.memory_space<semaphore_mem>>
        tpu.enqueue_indirect_dma source(%dma_start3A_976 : memref<1536x768xf32, #tpu.memory_space<hbm>>) target(%dma_start3A_972 : memref<16x768xf32, #tpu.memory_space<vmem>>) offsets(%dma_start3A_973 : memref<16xi32, #tpu.memory_space<vmem>>) semaphore(%dma_start3A_978 : memref<!tpu.dma_semaphore, #tpu.memory_space<semaphore_mem>>)
      } else {
      }
      %mul3A_861 = arith.constant 4 : i32
      %mul3A_862 = arith.muli %scan3A_659, %mul3A_861 : i32
      %add3A_863 = arith.constant 3 : i32
      %add3A_864 = arith.addi %mul3A_862, %add3A_863 : i32
      %mul3A_865 = arith.constant 16 : i32
      %mul3A_866 = arith.muli %add3A_864, %mul3A_865 : i32
      %mul3A_867 = arith.constant 16 : i32
      %mul3A_868 = arith.muli %add3A_864, %mul3A_867 : i32
      %dma_wait3A_869 = arith.constant 3 : i32
      %dma_wait3A_870 = arith.constant 3 : i32
      %dma_wait3A_871 = arith.constant 0 : i32
      %dma_wait3A_872 = arith.constant 0 : i32
      %dma_wait3A_873 = tpu.memref_slice %arg9[%dma_wait3A_869, %dma_wait3A_871, %dma_wait3A_872] : memref<4x16x768xf32, #tpu.memory_space<vmem>> -> memref<1x16x768xf32, #tpu.memory_space<vmem>>
      %dma_wait3A_874 = tpu.memref_squeeze %dma_wait3A_873 : memref<1x16x768xf32, #tpu.memory_space<vmem>> -> memref<16x768xf32, #tpu.memory_space<vmem>>
      %dma_wait3A_875 = tpu.memref_slice %arg7[%mul3A_866] : memref<512xi32, #tpu.memory_space<vmem>> -> memref<16xi32, #tpu.memory_space<vmem>>
      %dma_wait3A_876 = arith.constant 0 : i32
      %dma_wait3A_877 = arith.constant 0 : i32
      %dma_wait3A_878 = tpu.memref_slice %arg2[%dma_wait3A_876, %dma_wait3A_877] : memref<100000x768xf32, #tpu.memory_space<hbm>> -> memref<100000x768xf32, #tpu.memory_space<hbm>>
      %dma_wait3A_879 = tpu.memref_slice %arg11[%dma_wait3A_870] : memref<4x!tpu.dma_semaphore, #tpu.memory_space<semaphore_mem>> -> memref<1x!tpu.dma_semaphore, #tpu.memory_space<semaphore_mem>>
      %dma_wait3A_880 = tpu.memref_squeeze %dma_wait3A_879 : memref<1x!tpu.dma_semaphore, #tpu.memory_space<semaphore_mem>> -> memref<!tpu.dma_semaphore, #tpu.memory_space<semaphore_mem>>
      tpu.wait_indirect_dma semaphore(%dma_wait3A_880 : memref<!tpu.dma_semaphore, #tpu.memory_space<semaphore_mem>>) src(%dma_wait3A_878 : memref<100000x768xf32, #tpu.memory_space<hbm>>) dst(%dma_wait3A_874 : memref<16x768xf32, #tpu.memory_space<vmem>>)
      %dma_wait3A_881 = arith.constant 3 : i32
      %dma_wait3A_882 = arith.constant 3 : i32
      %dma_wait3A_883 = arith.constant 0 : i32
      %dma_wait3A_884 = arith.constant 0 : i32
      %dma_wait3A_885 = tpu.memref_slice %arg10[%dma_wait3A_881, %dma_wait3A_883, %dma_wait3A_884] : memref<4x16x768xf32, #tpu.memory_space<vmem>> -> memref<1x16x768xf32, #tpu.memory_space<vmem>>
      %dma_wait3A_886 = tpu.memref_squeeze %dma_wait3A_885 : memref<1x16x768xf32, #tpu.memory_space<vmem>> -> memref<16x768xf32, #tpu.memory_space<vmem>>
      %dma_wait3A_887 = tpu.memref_slice %arg8[%mul3A_868] : memref<512xi32, #tpu.memory_space<vmem>> -> memref<16xi32, #tpu.memory_space<vmem>>
      %dma_wait3A_888 = arith.constant 0 : i32
      %dma_wait3A_889 = arith.constant 0 : i32
      %dma_wait3A_890 = tpu.memref_slice %arg3[%dma_wait3A_888, %dma_wait3A_889] : memref<1536x768xf32, #tpu.memory_space<hbm>> -> memref<1536x768xf32, #tpu.memory_space<hbm>>
      %dma_wait3A_891 = tpu.memref_slice %arg12[%dma_wait3A_882] : memref<4x!tpu.dma_semaphore, #tpu.memory_space<semaphore_mem>> -> memref<1x!tpu.dma_semaphore, #tpu.memory_space<semaphore_mem>>
      %dma_wait3A_892 = tpu.memref_squeeze %dma_wait3A_891 : memref<1x!tpu.dma_semaphore, #tpu.memory_space<semaphore_mem>> -> memref<!tpu.dma_semaphore, #tpu.memory_space<semaphore_mem>>
      tpu.wait_indirect_dma semaphore(%dma_wait3A_892 : memref<!tpu.dma_semaphore, #tpu.memory_space<semaphore_mem>>) src(%dma_wait3A_890 : memref<1536x768xf32, #tpu.memory_space<hbm>>) dst(%dma_wait3A_886 : memref<16x768xf32, #tpu.memory_space<vmem>>)
      %scan3A_893 = arith.constant 0 : i32
      %scan3A_894 = arith.constant 0 : i32
      %scan3A_895 = arith.constant 48 : i32
      %scan3A_896 = arith.addi %scan3A_894, %scan3A_895 : i32
      %scan3A_897 = arith.constant 1 : i32
      scf.for %scan3A_930 = %scan3A_894 to %scan3A_896 step %scan3A_897  : i32 {
        %mul3A_931 = arith.constant 16 : i32
        %mul3A_932 = arith.muli %scan3A_930, %mul3A_931 : i32
        %get3A_933 = arith.constant 3 : i32
        %get3A_934 = arith.constant 0 : i32
        %get3A_935 = arith.index_cast %get3A_933 : i32 to index
        %get3A_936 = arith.index_cast %get3A_934 : i32 to index
        %get3A_937 = arith.index_cast %mul3A_932 : i32 to index
        %get3A_938 = tpu.vector_load %arg10[%get3A_935, %get3A_936, %get3A_937] {strides = array<i32>} : memref<4x16x768xf32, #tpu.memory_space<vmem>>, vector<1x1x16xf32>,
        %get3A_939 = vector.shape_cast %get3A_938 : vector<1x1x16xf32> to vector<16xf32>
        %swap3A_940 = arith.constant 3 : i32
        %swap3A_941 = arith.constant 0 : i32
        %swap3A_942 = arith.index_cast %swap3A_940 : i32 to index
        %swap3A_943 = arith.index_cast %swap3A_941 : i32 to index
        %swap3A_944 = arith.index_cast %mul3A_932 : i32 to index
        %swap3A_945 = tpu.vector_load %arg9[%swap3A_942, %swap3A_943, %swap3A_944] {strides = array<i32>} : memref<4x16x768xf32, #tpu.memory_space<vmem>>, vector<1x1x16xf32>,
        %swap3A_946 = vector.shape_cast %swap3A_945 : vector<1x1x16xf32> to vector<16xf32>
        %swap3A_947 = vector.shape_cast %get3A_939 : vector<16xf32> to vector<1x1x16xf32>
        tpu.vector_store %arg9[%swap3A_942, %swap3A_943, %swap3A_944], %swap3A_947 {add = true, strides = array<i32>} : memref<4x16x768xf32, #tpu.memory_space<vmem>>, vector<1x1x16xf32>,
        %get3A_948 = arith.constant 3 : i32
        %get3A_949 = arith.constant 1 : i32
        %get3A_950 = arith.index_cast %get3A_948 : i32 to index
        %get3A_951 = arith.index_cast %get3A_949 : i32 to index
        %get3A_952 = arith.index_cast %mul3A_932 : i32 to index
        %get3A_953 = tpu.vector_load %arg10[%get3A_950, %get3A_951, %get3A_952] {strides = array<i32>} : memref<4x16x768xf32, #tpu.memory_space<vmem>>, vector<1x1x16xf32>,
        %get3A_954 = vector.shape_cast %get3A_953 : vector<1x1x16xf32> to vector<16xf32>
        %swap3A_955 = arith.constant 3 : i32
        %swap3A_956 = arith.constant 1 : i32
        %swap3A_957 = arith.index_cast %swap3A_955 : i32 to index
        %swap3A_958 = arith.index_cast %swap3A_956 : i32 to index
        %swap3A_959 = arith.index_cast %mul3A_932 : i32 to index
        %swap3A_960 = tpu.vector_load %arg9[%swap3A_957, %swap3A_958, %swap3A_959] {strides = array<i32>} : memref<4x16x768xf32, #tpu.memory_space<vmem>>, vector<1x1x16xf32>,
        %swap3A_961 = vector.shape_cast %swap3A_960 : vector<1x1x16xf32> to vector<16xf32>
        %swap3A_962 = vector.shape_cast %get3A_954 : vector<16xf32> to vector<1x1x16xf32>
        tpu.vector_store %arg9[%swap3A_957, %swap3A_958, %swap3A_959], %swap3A_962 {add = true, strides = array<i32>} : memref<4x16x768xf32, #tpu.memory_space<vmem>>, vector<1x1x16xf32>,
        %get3A_963 = arith.constant 3 : i32
        %get3A_964 = arith.constant 2 : i32
        %get3A_965 = arith.index_cast %get3A_963 : i32 to index
        %get3A_966 = arith.index_cast %get3A_964 : i32 to index
        %get3A_967 = arith.index_cast %mul3A_932 : i32 to index
        %get3A_968 = tpu.vector_load %arg10[%get3A_965, %get3A_966, %get3A_967] {strides = array<i32>} : memref<4x16x768xf32, #tpu.memory_space<vmem>>, vector<1x1x16xf32>,
        %get3A_969 = vector.shape_cast %get3A_968 : vector<1x1x16xf32> to vector<16xf32>
        %swap3A_970 = arith.constant 3 : i32
        %swap3A_971 = arith.constant 2 : i32
        %swap3A_972 = arith.index_cast %swap3A_970 : i32 to index
        %swap3A_973 = arith.index_cast %swap3A_971 : i32 to index
        %swap3A_974 = arith.index_cast %mul3A_932 : i32 to index
        %swap3A_975 = tpu.vector_load %arg9[%swap3A_972, %swap3A_973, %swap3A_974] {strides = array<i32>} : memref<4x16x768xf32, #tpu.memory_space<vmem>>, vector<1x1x16xf32>,
        %swap3A_976 = vector.shape_cast %swap3A_975 : vector<1x1x16xf32> to vector<16xf32>
        %swap3A_977 = vector.shape_cast %get3A_969 : vector<16xf32> to vector<1x1x16xf32>
        tpu.vector_store %arg9[%swap3A_972, %swap3A_973, %swap3A_974], %swap3A_977 {add = true, strides = array<i32>} : memref<4x16x768xf32, #tpu.memory_space<vmem>>, vector<1x1x16xf32>,
        %get3A_978 = arith.constant 3 : i32
        %get3A_979 = arith.constant 3 : i32
        %get3A_980 = arith.index_cast %get3A_978 : i32 to index
        %get3A_981 = arith.index_cast %get3A_979 : i32 to index
        %get3A_982 = arith.index_cast %mul3A_932 : i32 to index
        %get3A_983 = tpu.vector_load %arg10[%get3A_980, %get3A_981, %get3A_982] {strides = array<i32>} : memref<4x16x768xf32, #tpu.memory_space<vmem>>, vector<1x1x16xf32>,
        %get3A_984 = vector.shape_cast %get3A_983 : vector<1x1x16xf32> to vector<16xf32>
        %swap3A_985 = arith.constant 3 : i32
        %swap3A_986 = arith.constant 3 : i32
        %swap3A_987 = arith.index_cast %swap3A_985 : i32 to index
        %swap3A_988 = arith.index_cast %swap3A_986 : i32 to index
        %swap3A_989 = arith.index_cast %mul3A_932 : i32 to index
        %swap3A_990 = tpu.vector_load %arg9[%swap3A_987, %swap3A_988, %swap3A_989] {strides = array<i32>} : memref<4x16x768xf32, #tpu.memory_space<vmem>>, vector<1x1x16xf32>,
        %swap3A_991 = vector.shape_cast %swap3A_990 : vector<1x1x16xf32> to vector<16xf32>
        %swap3A_992 = vector.shape_cast %get3A_984 : vector<16xf32> to vector<1x1x16xf32>
        tpu.vector_store %arg9[%swap3A_987, %swap3A_988, %swap3A_989], %swap3A_992 {add = true, strides = array<i32>} : memref<4x16x768xf32, #tpu.memory_space<vmem>>, vector<1x1x16xf32>,
        %get3A_993 = arith.constant 3 : i32
        %get3A_994 = arith.constant 4 : i32
        %get3A_995 = arith.index_cast %get3A_993 : i32 to index
        %get3A_996 = arith.index_cast %get3A_994 : i32 to index
        %get3A_997 = arith.index_cast %mul3A_932 : i32 to index
        %get3A_998 = tpu.vector_load %arg10[%get3A_995, %get3A_996, %get3A_997] {strides = array<i32>} : memref<4x16x768xf32, #tpu.memory_space<vmem>>, vector<1x1x16xf32>,
        %get3A_999 = vector.shape_cast %get3A_998 : vector<1x1x16xf32> to vector<16xf32>
        %swap3A_1000 = arith.constant 3 : i32
        %swap3A_1001 = arith.constant 4 : i32
        %swap3A_1002 = arith.index_cast %swap3A_1000 : i32 to index
        %swap3A_1003 = arith.index_cast %swap3A_1001 : i32 to index
        %swap3A_1004 = arith.index_cast %mul3A_932 : i32 to index
        %swap3A_1005 = tpu.vector_load %arg9[%swap3A_1002, %swap3A_1003, %swap3A_1004] {strides = array<i32>} : memref<4x16x768xf32, #tpu.memory_space<vmem>>, vector<1x1x16xf32>,
        %swap3A_1006 = vector.shape_cast %swap3A_1005 : vector<1x1x16xf32> to vector<16xf32>
        %swap3A_1007 = vector.shape_cast %get3A_999 : vector<16xf32> to vector<1x1x16xf32>
        tpu.vector_store %arg9[%swap3A_1002, %swap3A_1003, %swap3A_1004], %swap3A_1007 {add = true, strides = array<i32>} : memref<4x16x768xf32, #tpu.memory_space<vmem>>, vector<1x1x16xf32>,
        %get3A_1008 = arith.constant 3 : i32
        %get3A_1009 = arith.constant 5 : i32
        %get3A_1010 = arith.index_cast %get3A_1008 : i32 to index
        %get3A_1011 = arith.index_cast %get3A_1009 : i32 to index
        %get3A_1012 = arith.index_cast %mul3A_932 : i32 to index
        %get3A_1013 = tpu.vector_load %arg10[%get3A_1010, %get3A_1011, %get3A_1012] {strides = array<i32>} : memref<4x16x768xf32, #tpu.memory_space<vmem>>, vector<1x1x16xf32>,
        %get3A_1014 = vector.shape_cast %get3A_1013 : vector<1x1x16xf32> to vector<16xf32>
        %swap3A_1015 = arith.constant 3 : i32
        %swap3A_1016 = arith.constant 5 : i32
        %swap3A_1017 = arith.index_cast %swap3A_1015 : i32 to index
        %swap3A_1018 = arith.index_cast %swap3A_1016 : i32 to index
        %swap3A_1019 = arith.index_cast %mul3A_932 : i32 to index
        %swap3A_1020 = tpu.vector_load %arg9[%swap3A_1017, %swap3A_1018, %swap3A_1019] {strides = array<i32>} : memref<4x16x768xf32, #tpu.memory_space<vmem>>, vector<1x1x16xf32>,
        %swap3A_1021 = vector.shape_cast %swap3A_1020 : vector<1x1x16xf32> to vector<16xf32>
        %swap3A_1022 = vector.shape_cast %get3A_1014 : vector<16xf32> to vector<1x1x16xf32>
        tpu.vector_store %arg9[%swap3A_1017, %swap3A_1018, %swap3A_1019], %swap3A_1022 {add = true, strides = array<i32>} : memref<4x16x768xf32, #tpu.memory_space<vmem>>, vector<1x1x16xf32>,
        %get3A_1023 = arith.constant 3 : i32
        %get3A_1024 = arith.constant 6 : i32
        %get3A_1025 = arith.index_cast %get3A_1023 : i32 to index
        %get3A_1026 = arith.index_cast %get3A_1024 : i32 to index
        %get3A_1027 = arith.index_cast %mul3A_932 : i32 to index
        %get3A_1028 = tpu.vector_load %arg10[%get3A_1025, %get3A_1026, %get3A_1027] {strides = array<i32>} : memref<4x16x768xf32, #tpu.memory_space<vmem>>, vector<1x1x16xf32>,
        %get3A_1029 = vector.shape_cast %get3A_1028 : vector<1x1x16xf32> to vector<16xf32>
        %swap3A_1030 = arith.constant 3 : i32
        %swap3A_1031 = arith.constant 6 : i32
        %swap3A_1032 = arith.index_cast %swap3A_1030 : i32 to index
        %swap3A_1033 = arith.index_cast %swap3A_1031 : i32 to index
        %swap3A_1034 = arith.index_cast %mul3A_932 : i32 to index
        %swap3A_1035 = tpu.vector_load %arg9[%swap3A_1032, %swap3A_1033, %swap3A_1034] {strides = array<i32>} : memref<4x16x768xf32, #tpu.memory_space<vmem>>, vector<1x1x16xf32>,
        %swap3A_1036 = vector.shape_cast %swap3A_1035 : vector<1x1x16xf32> to vector<16xf32>
        %swap3A_1037 = vector.shape_cast %get3A_1029 : vector<16xf32> to vector<1x1x16xf32>
        tpu.vector_store %arg9[%swap3A_1032, %swap3A_1033, %swap3A_1034], %swap3A_1037 {add = true, strides = array<i32>} : memref<4x16x768xf32, #tpu.memory_space<vmem>>, vector<1x1x16xf32>,
        %get3A_1038 = arith.constant 3 : i32
        %get3A_1039 = arith.constant 7 : i32
        %get3A_1040 = arith.index_cast %get3A_1038 : i32 to index
        %get3A_1041 = arith.index_cast %get3A_1039 : i32 to index
        %get3A_1042 = arith.index_cast %mul3A_932 : i32 to index
        %get3A_1043 = tpu.vector_load %arg10[%get3A_1040, %get3A_1041, %get3A_1042] {strides = array<i32>} : memref<4x16x768xf32, #tpu.memory_space<vmem>>, vector<1x1x16xf32>,
        %get3A_1044 = vector.shape_cast %get3A_1043 : vector<1x1x16xf32> to vector<16xf32>
        %swap3A_1045 = arith.constant 3 : i32
        %swap3A_1046 = arith.constant 7 : i32
        %swap3A_1047 = arith.index_cast %swap3A_1045 : i32 to index
        %swap3A_1048 = arith.index_cast %swap3A_1046 : i32 to index
        %swap3A_1049 = arith.index_cast %mul3A_932 : i32 to index
        %swap3A_1050 = tpu.vector_load %arg9[%swap3A_1047, %swap3A_1048, %swap3A_1049] {strides = array<i32>} : memref<4x16x768xf32, #tpu.memory_space<vmem>>, vector<1x1x16xf32>,
        %swap3A_1051 = vector.shape_cast %swap3A_1050 : vector<1x1x16xf32> to vector<16xf32>
        %swap3A_1052 = vector.shape_cast %get3A_1044 : vector<16xf32> to vector<1x1x16xf32>
        tpu.vector_store %arg9[%swap3A_1047, %swap3A_1048, %swap3A_1049], %swap3A_1052 {add = true, strides = array<i32>} : memref<4x16x768xf32, #tpu.memory_space<vmem>>, vector<1x1x16xf32>,
        %get3A_1053 = arith.constant 3 : i32
        %get3A_1054 = arith.constant 8 : i32
        %get3A_1055 = arith.index_cast %get3A_1053 : i32 to index
        %get3A_1056 = arith.index_cast %get3A_1054 : i32 to index
        %get3A_1057 = arith.index_cast %mul3A_932 : i32 to index
        %get3A_1058 = tpu.vector_load %arg10[%get3A_1055, %get3A_1056, %get3A_1057] {strides = array<i32>} : memref<4x16x768xf32, #tpu.memory_space<vmem>>, vector<1x1x16xf32>,
        %get3A_1059 = vector.shape_cast %get3A_1058 : vector<1x1x16xf32> to vector<16xf32>
        %swap3A_1060 = arith.constant 3 : i32
        %swap3A_1061 = arith.constant 8 : i32
        %swap3A_1062 = arith.index_cast %swap3A_1060 : i32 to index
        %swap3A_1063 = arith.index_cast %swap3A_1061 : i32 to index
        %swap3A_1064 = arith.index_cast %mul3A_932 : i32 to index
        %swap3A_1065 = tpu.vector_load %arg9[%swap3A_1062, %swap3A_1063, %swap3A_1064] {strides = array<i32>} : memref<4x16x768xf32, #tpu.memory_space<vmem>>, vector<1x1x16xf32>,
        %swap3A_1066 = vector.shape_cast %swap3A_1065 : vector<1x1x16xf32> to vector<16xf32>
        %swap3A_1067 = vector.shape_cast %get3A_1059 : vector<16xf32> to vector<1x1x16xf32>
        tpu.vector_store %arg9[%swap3A_1062, %swap3A_1063, %swap3A_1064], %swap3A_1067 {add = true, strides = array<i32>} : memref<4x16x768xf32, #tpu.memory_space<vmem>>, vector<1x1x16xf32>,
        %get3A_1068 = arith.constant 3 : i32
        %get3A_1069 = arith.constant 9 : i32
        %get3A_1070 = arith.index_cast %get3A_1068 : i32 to index
        %get3A_1071 = arith.index_cast %get3A_1069 : i32 to index
        %get3A_1072 = arith.index_cast %mul3A_932 : i32 to index
        %get3A_1073 = tpu.vector_load %arg10[%get3A_1070, %get3A_1071, %get3A_1072] {strides = array<i32>} : memref<4x16x768xf32, #tpu.memory_space<vmem>>, vector<1x1x16xf32>,
        %get3A_1074 = vector.shape_cast %get3A_1073 : vector<1x1x16xf32> to vector<16xf32>
        %swap3A_1075 = arith.constant 3 : i32
        %swap3A_1076 = arith.constant 9 : i32
        %swap3A_1077 = arith.index_cast %swap3A_1075 : i32 to index
        %swap3A_1078 = arith.index_cast %swap3A_1076 : i32 to index
        %swap3A_1079 = arith.index_cast %mul3A_932 : i32 to index
        %swap3A_1080 = tpu.vector_load %arg9[%swap3A_1077, %swap3A_1078, %swap3A_1079] {strides = array<i32>} : memref<4x16x768xf32, #tpu.memory_space<vmem>>, vector<1x1x16xf32>,
        %swap3A_1081 = vector.shape_cast %swap3A_1080 : vector<1x1x16xf32> to vector<16xf32>
        %swap3A_1082 = vector.shape_cast %get3A_1074 : vector<16xf32> to vector<1x1x16xf32>
        tpu.vector_store %arg9[%swap3A_1077, %swap3A_1078, %swap3A_1079], %swap3A_1082 {add = true, strides = array<i32>} : memref<4x16x768xf32, #tpu.memory_space<vmem>>, vector<1x1x16xf32>,
        %get3A_1083 = arith.constant 3 : i32
        %get3A_1084 = arith.constant 10 : i32
        %get3A_1085 = arith.index_cast %get3A_1083 : i32 to index
        %get3A_1086 = arith.index_cast %get3A_1084 : i32 to index
        %get3A_1087 = arith.index_cast %mul3A_932 : i32 to index
        %get3A_1088 = tpu.vector_load %arg10[%get3A_1085, %get3A_1086, %get3A_1087] {strides = array<i32>} : memref<4x16x768xf32, #tpu.memory_space<vmem>>, vector<1x1x16xf32>,
        %get3A_1089 = vector.shape_cast %get3A_1088 : vector<1x1x16xf32> to vector<16xf32>
        %swap3A_1090 = arith.constant 3 : i32
        %swap3A_1091 = arith.constant 10 : i32
        %swap3A_1092 = arith.index_cast %swap3A_1090 : i32 to index
        %swap3A_1093 = arith.index_cast %swap3A_1091 : i32 to index
        %swap3A_1094 = arith.index_cast %mul3A_932 : i32 to index
        %swap3A_1095 = tpu.vector_load %arg9[%swap3A_1092, %swap3A_1093, %swap3A_1094] {strides = array<i32>} : memref<4x16x768xf32, #tpu.memory_space<vmem>>, vector<1x1x16xf32>,
        %swap3A_1096 = vector.shape_cast %swap3A_1095 : vector<1x1x16xf32> to vector<16xf32>
        %swap3A_1097 = vector.shape_cast %get3A_1089 : vector<16xf32> to vector<1x1x16xf32>
        tpu.vector_store %arg9[%swap3A_1092, %swap3A_1093, %swap3A_1094], %swap3A_1097 {add = true, strides = array<i32>} : memref<4x16x768xf32, #tpu.memory_space<vmem>>, vector<1x1x16xf32>,
        %get3A_1098 = arith.constant 3 : i32
        %get3A_1099 = arith.constant 11 : i32
        %get3A_1100 = arith.index_cast %get3A_1098 : i32 to index
        %get3A_1101 = arith.index_cast %get3A_1099 : i32 to index
        %get3A_1102 = arith.index_cast %mul3A_932 : i32 to index
        %get3A_1103 = tpu.vector_load %arg10[%get3A_1100, %get3A_1101, %get3A_1102] {strides = array<i32>} : memref<4x16x768xf32, #tpu.memory_space<vmem>>, vector<1x1x16xf32>,
        %get3A_1104 = vector.shape_cast %get3A_1103 : vector<1x1x16xf32> to vector<16xf32>
        %swap3A_1105 = arith.constant 3 : i32
        %swap3A_1106 = arith.constant 11 : i32
        %swap3A_1107 = arith.index_cast %swap3A_1105 : i32 to index
        %swap3A_1108 = arith.index_cast %swap3A_1106 : i32 to index
        %swap3A_1109 = arith.index_cast %mul3A_932 : i32 to index
        %swap3A_1110 = tpu.vector_load %arg9[%swap3A_1107, %swap3A_1108, %swap3A_1109] {strides = array<i32>} : memref<4x16x768xf32, #tpu.memory_space<vmem>>, vector<1x1x16xf32>,
        %swap3A_1111 = vector.shape_cast %swap3A_1110 : vector<1x1x16xf32> to vector<16xf32>
        %swap3A_1112 = vector.shape_cast %get3A_1104 : vector<16xf32> to vector<1x1x16xf32>
        tpu.vector_store %arg9[%swap3A_1107, %swap3A_1108, %swap3A_1109], %swap3A_1112 {add = true, strides = array<i32>} : memref<4x16x768xf32, #tpu.memory_space<vmem>>, vector<1x1x16xf32>,
        %get3A_1113 = arith.constant 3 : i32
        %get3A_1114 = arith.constant 12 : i32
        %get3A_1115 = arith.index_cast %get3A_1113 : i32 to index
        %get3A_1116 = arith.index_cast %get3A_1114 : i32 to index
        %get3A_1117 = arith.index_cast %mul3A_932 : i32 to index
        %get3A_1118 = tpu.vector_load %arg10[%get3A_1115, %get3A_1116, %get3A_1117] {strides = array<i32>} : memref<4x16x768xf32, #tpu.memory_space<vmem>>, vector<1x1x16xf32>,
        %get3A_1119 = vector.shape_cast %get3A_1118 : vector<1x1x16xf32> to vector<16xf32>
        %swap3A_1120 = arith.constant 3 : i32
        %swap3A_1121 = arith.constant 12 : i32
        %swap3A_1122 = arith.index_cast %swap3A_1120 : i32 to index
        %swap3A_1123 = arith.index_cast %swap3A_1121 : i32 to index
        %swap3A_1124 = arith.index_cast %mul3A_932 : i32 to index
        %swap3A_1125 = tpu.vector_load %arg9[%swap3A_1122, %swap3A_1123, %swap3A_1124] {strides = array<i32>} : memref<4x16x768xf32, #tpu.memory_space<vmem>>, vector<1x1x16xf32>,
        %swap3A_1126 = vector.shape_cast %swap3A_1125 : vector<1x1x16xf32> to vector<16xf32>
        %swap3A_1127 = vector.shape_cast %get3A_1119 : vector<16xf32> to vector<1x1x16xf32>
        tpu.vector_store %arg9[%swap3A_1122, %swap3A_1123, %swap3A_1124], %swap3A_1127 {add = true, strides = array<i32>} : memref<4x16x768xf32, #tpu.memory_space<vmem>>, vector<1x1x16xf32>,
        %get3A_1128 = arith.constant 3 : i32
        %get3A_1129 = arith.constant 13 : i32
        %get3A_1130 = arith.index_cast %get3A_1128 : i32 to index
        %get3A_1131 = arith.index_cast %get3A_1129 : i32 to index
        %get3A_1132 = arith.index_cast %mul3A_932 : i32 to index
        %get3A_1133 = tpu.vector_load %arg10[%get3A_1130, %get3A_1131, %get3A_1132] {strides = array<i32>} : memref<4x16x768xf32, #tpu.memory_space<vmem>>, vector<1x1x16xf32>,
        %get3A_1134 = vector.shape_cast %get3A_1133 : vector<1x1x16xf32> to vector<16xf32>
        %swap3A_1135 = arith.constant 3 : i32
        %swap3A_1136 = arith.constant 13 : i32
        %swap3A_1137 = arith.index_cast %swap3A_1135 : i32 to index
        %swap3A_1138 = arith.index_cast %swap3A_1136 : i32 to index
        %swap3A_1139 = arith.index_cast %mul3A_932 : i32 to index
        %swap3A_1140 = tpu.vector_load %arg9[%swap3A_1137, %swap3A_1138, %swap3A_1139] {strides = array<i32>} : memref<4x16x768xf32, #tpu.memory_space<vmem>>, vector<1x1x16xf32>,
        %swap3A_1141 = vector.shape_cast %swap3A_1140 : vector<1x1x16xf32> to vector<16xf32>
        %swap3A_1142 = vector.shape_cast %get3A_1134 : vector<16xf32> to vector<1x1x16xf32>
        tpu.vector_store %arg9[%swap3A_1137, %swap3A_1138, %swap3A_1139], %swap3A_1142 {add = true, strides = array<i32>} : memref<4x16x768xf32, #tpu.memory_space<vmem>>, vector<1x1x16xf32>,
        %get3A_1143 = arith.constant 3 : i32
        %get3A_1144 = arith.constant 14 : i32
        %get3A_1145 = arith.index_cast %get3A_1143 : i32 to index
        %get3A_1146 = arith.index_cast %get3A_1144 : i32 to index
        %get3A_1147 = arith.index_cast %mul3A_932 : i32 to index
        %get3A_1148 = tpu.vector_load %arg10[%get3A_1145, %get3A_1146, %get3A_1147] {strides = array<i32>} : memref<4x16x768xf32, #tpu.memory_space<vmem>>, vector<1x1x16xf32>,
        %get3A_1149 = vector.shape_cast %get3A_1148 : vector<1x1x16xf32> to vector<16xf32>
        %swap3A_1150 = arith.constant 3 : i32
        %swap3A_1151 = arith.constant 14 : i32
        %swap3A_1152 = arith.index_cast %swap3A_1150 : i32 to index
        %swap3A_1153 = arith.index_cast %swap3A_1151 : i32 to index
        %swap3A_1154 = arith.index_cast %mul3A_932 : i32 to index
        %swap3A_1155 = tpu.vector_load %arg9[%swap3A_1152, %swap3A_1153, %swap3A_1154] {strides = array<i32>} : memref<4x16x768xf32, #tpu.memory_space<vmem>>, vector<1x1x16xf32>,
        %swap3A_1156 = vector.shape_cast %swap3A_1155 : vector<1x1x16xf32> to vector<16xf32>
        %swap3A_1157 = vector.shape_cast %get3A_1149 : vector<16xf32> to vector<1x1x16xf32>
        tpu.vector_store %arg9[%swap3A_1152, %swap3A_1153, %swap3A_1154], %swap3A_1157 {add = true, strides = array<i32>} : memref<4x16x768xf32, #tpu.memory_space<vmem>>, vector<1x1x16xf32>,
        %get3A_1158 = arith.constant 3 : i32
        %get3A_1159 = arith.constant 15 : i32
        %get3A_1160 = arith.index_cast %get3A_1158 : i32 to index
        %get3A_1161 = arith.index_cast %get3A_1159 : i32 to index
        %get3A_1162 = arith.index_cast %mul3A_932 : i32 to index
        %get3A_1163 = tpu.vector_load %arg10[%get3A_1160, %get3A_1161, %get3A_1162] {strides = array<i32>} : memref<4x16x768xf32, #tpu.memory_space<vmem>>, vector<1x1x16xf32>,
        %get3A_1164 = vector.shape_cast %get3A_1163 : vector<1x1x16xf32> to vector<16xf32>
        %swap3A_1165 = arith.constant 3 : i32
        %swap3A_1166 = arith.constant 15 : i32
        %swap3A_1167 = arith.index_cast %swap3A_1165 : i32 to index
        %swap3A_1168 = arith.index_cast %swap3A_1166 : i32 to index
        %swap3A_1169 = arith.index_cast %mul3A_932 : i32 to index
        %swap3A_1170 = tpu.vector_load %arg9[%swap3A_1167, %swap3A_1168, %swap3A_1169] {strides = array<i32>} : memref<4x16x768xf32, #tpu.memory_space<vmem>>, vector<1x1x16xf32>,
        %swap3A_1171 = vector.shape_cast %swap3A_1170 : vector<1x1x16xf32> to vector<16xf32>
        %swap3A_1172 = vector.shape_cast %get3A_1164 : vector<16xf32> to vector<1x1x16xf32>
        tpu.vector_store %arg9[%swap3A_1167, %swap3A_1168, %swap3A_1169], %swap3A_1172 {add = true, strides = array<i32>} : memref<4x16x768xf32, #tpu.memory_space<vmem>>, vector<1x1x16xf32>,
      }
      %scan3A_898 = arith.constant 48 : i32
      %mul3A_899 = arith.constant 16 : i32
      %mul3A_900 = arith.muli %add3A_864, %mul3A_899 : i32
      %add3A_901 = arith.addi %mul3A_2, %mul3A_900 : i32
      %dma_start3A_902 = arith.constant 3 : i32
      %dma_start3A_903 = arith.constant 3 : i32
      %dma_start3A_904 = arith.constant 0 : i32
      %dma_start3A_905 = arith.constant 0 : i32
      %dma_start3A_906 = tpu.memref_slice %arg9[%dma_start3A_902, %dma_start3A_904, %dma_start3A_905] : memref<4x16x768xf32, #tpu.memory_space<vmem>> -> memref<1x16x768xf32, #tpu.memory_space<vmem>>
      %dma_start3A_907 = tpu.memref_squeeze %dma_start3A_906 : memref<1x16x768xf32, #tpu.memory_space<vmem>> -> memref<16x768xf32, #tpu.memory_space<vmem>>
      %dma_start3A_908 = arith.constant 0 : i32
      %dma_start3A_909 = tpu.memref_slice %arg6[%add3A_901, %dma_start3A_908] : memref<16384x768xf32, #tpu.memory_space<hbm>> -> memref<16x768xf32, #tpu.memory_space<hbm>>
      %dma_start3A_910 = tpu.memref_slice %arg13[%dma_start3A_903] : memref<4x!tpu.dma_semaphore, #tpu.memory_space<semaphore_mem>> -> memref<1x!tpu.dma_semaphore, #tpu.memory_space<semaphore_mem>>
      %dma_start3A_911 = tpu.memref_squeeze %dma_start3A_910 : memref<1x!tpu.dma_semaphore, #tpu.memory_space<semaphore_mem>> -> memref<!tpu.dma_semaphore, #tpu.memory_space<semaphore_mem>>
      %dma_start3A_912 = arith.constant 0 : i32
      %dma_start3A_913 = tpu.memref_slice %arg6[%add3A_901, %dma_start3A_912] : memref<16384x768xf32, #tpu.memory_space<hbm>> -> memref<16x768xf32, #tpu.memory_space<hbm>>
      %dma_start3A_914 = arith.constant 0 : i32
      %dma_start3A_915 = arith.constant 0 : i32
      %dma_start3A_916 = tpu.memref_slice %arg9[%dma_start3A_902, %dma_start3A_914, %dma_start3A_915] : memref<4x16x768xf32, #tpu.memory_space<vmem>> -> memref<1x16x768xf32, #tpu.memory_space<vmem>>
      %dma_start3A_917 = tpu.memref_squeeze %dma_start3A_916 : memref<1x16x768xf32, #tpu.memory_space<vmem>> -> memref<16x768xf32, #tpu.memory_space<vmem>>
      tpu.enqueue_dma source(%dma_start3A_917 : memref<16x768xf32, #tpu.memory_space<vmem>>) target(%dma_start3A_913 : memref<16x768xf32, #tpu.memory_space<hbm>>) target_semaphore(%dma_start3A_911 : memref<!tpu.dma_semaphore, #tpu.memory_space<semaphore_mem>>)
      %sub3A_918 = arith.constant 1 : i32
      %sub3A_919 = arith.subi %add3A_864, %sub3A_918 : i32
      %ge3A_920 = arith.constant 0 : i32
      %ge3A_921 = arith.cmpi sge, %sub3A_919, %ge3A_920 : i32
      %add3A_922 = arith.constant 4 : i32
      %add3A_923 = arith.addi %sub3A_919, %add3A_922 : i32
      %lt3A_924 = arith.constant 32 : i32
      %lt3A_925 = arith.cmpi slt, %add3A_923, %lt3A_924 : i32
      %and3A_926 = arith.andi %ge3A_921, %lt3A_925 : i1
      %convert_element_type3A_927 = arith.extui %and3A_926 : i1 to i32
      %cond3A_928 = arith.constant 0 : i32
      %cond3A_929 = arith.cmpi ne, %convert_element_type3A_927, %cond3A_928 : i32
      scf.if %cond3A_929 {
        %mul3A_930 = arith.constant 16 : i32
        %mul3A_931 = arith.muli %sub3A_919, %mul3A_930 : i32
        %add3A_932 = arith.addi %mul3A_2, %mul3A_931 : i32
        %dma_wait3A_933 = arith.constant 2 : i32
        %dma_wait3A_934 = arith.constant 2 : i32
        %dma_wait3A_935 = arith.constant 0 : i32
        %dma_wait3A_936 = arith.constant 0 : i32
        %dma_wait3A_937 = tpu.memref_slice %arg9[%dma_wait3A_933, %dma_wait3A_935, %dma_wait3A_936] : memref<4x16x768xf32, #tpu.memory_space<vmem>> -> memref<1x16x768xf32, #tpu.memory_space<vmem>>
        %dma_wait3A_938 = tpu.memref_squeeze %dma_wait3A_937 : memref<1x16x768xf32, #tpu.memory_space<vmem>> -> memref<16x768xf32, #tpu.memory_space<vmem>>
        %dma_wait3A_939 = arith.constant 0 : i32
        %dma_wait3A_940 = tpu.memref_slice %arg6[%add3A_932, %dma_wait3A_939] : memref<16384x768xf32, #tpu.memory_space<hbm>> -> memref<16x768xf32, #tpu.memory_space<hbm>>
        %dma_wait3A_941 = tpu.memref_slice %arg13[%dma_wait3A_934] : memref<4x!tpu.dma_semaphore, #tpu.memory_space<semaphore_mem>> -> memref<1x!tpu.dma_semaphore, #tpu.memory_space<semaphore_mem>>
        %dma_wait3A_942 = tpu.memref_squeeze %dma_wait3A_941 : memref<1x!tpu.dma_semaphore, #tpu.memory_space<semaphore_mem>> -> memref<!tpu.dma_semaphore, #tpu.memory_space<semaphore_mem>>
        %dma_wait3A_943 = arith.constant 0 : i32
        %dma_wait3A_944 = tpu.memref_slice %arg6[%add3A_932, %dma_wait3A_943] : memref<16384x768xf32, #tpu.memory_space<hbm>> -> memref<16x768xf32, #tpu.memory_space<hbm>>
        %dma_wait3A_945 = arith.constant 0 : i32
        %dma_wait3A_946 = arith.constant 0 : i32
        %dma_wait3A_947 = tpu.memref_slice %arg9[%dma_wait3A_933, %dma_wait3A_945, %dma_wait3A_946] : memref<4x16x768xf32, #tpu.memory_space<vmem>> -> memref<1x16x768xf32, #tpu.memory_space<vmem>>
        %dma_wait3A_948 = tpu.memref_squeeze %dma_wait3A_947 : memref<1x16x768xf32, #tpu.memory_space<vmem>> -> memref<16x768xf32, #tpu.memory_space<vmem>>
        tpu.wait_dma2 semaphore(%dma_wait3A_942 : memref<!tpu.dma_semaphore, #tpu.memory_space<semaphore_mem>>) src(%dma_wait3A_948 : memref<16x768xf32, #tpu.memory_space<vmem>>) dst(%dma_wait3A_944 : memref<16x768xf32, #tpu.memory_space<hbm>>)
        %add3A_949 = arith.constant 4 : i32
        %add3A_950 = arith.addi %sub3A_919, %add3A_949 : i32
        %mul3A_951 = arith.constant 16 : i32
        %mul3A_952 = arith.muli %add3A_950, %mul3A_951 : i32
        %mul3A_953 = arith.constant 16 : i32
        %mul3A_954 = arith.muli %add3A_950, %mul3A_953 : i32
        %dma_start3A_955 = arith.constant 2 : i32
        %dma_start3A_956 = arith.constant 2 : i32
        %dma_start3A_957 = arith.constant 0 : i32
        %dma_start3A_958 = arith.constant 0 : i32
        %dma_start3A_959 = tpu.memref_slice %arg9[%dma_start3A_955, %dma_start3A_957, %dma_start3A_958] : memref<4x16x768xf32, #tpu.memory_space<vmem>> -> memref<1x16x768xf32, #tpu.memory_space<vmem>>
        %dma_start3A_960 = tpu.memref_squeeze %dma_start3A_959 : memref<1x16x768xf32, #tpu.memory_space<vmem>> -> memref<16x768xf32, #tpu.memory_space<vmem>>
        %dma_start3A_961 = tpu.memref_slice %arg7[%mul3A_952] : memref<512xi32, #tpu.memory_space<vmem>> -> memref<16xi32, #tpu.memory_space<vmem>>
        %dma_start3A_962 = arith.constant 0 : i32
        %dma_start3A_963 = arith.constant 0 : i32
        %dma_start3A_964 = tpu.memref_slice %arg2[%dma_start3A_962, %dma_start3A_963] : memref<100000x768xf32, #tpu.memory_space<hbm>> -> memref<100000x768xf32, #tpu.memory_space<hbm>>
        %dma_start3A_965 = tpu.memref_slice %arg11[%dma_start3A_956] : memref<4x!tpu.dma_semaphore, #tpu.memory_space<semaphore_mem>> -> memref<1x!tpu.dma_semaphore, #tpu.memory_space<semaphore_mem>>
        %dma_start3A_966 = tpu.memref_squeeze %dma_start3A_965 : memref<1x!tpu.dma_semaphore, #tpu.memory_space<semaphore_mem>> -> memref<!tpu.dma_semaphore, #tpu.memory_space<semaphore_mem>>
        tpu.enqueue_indirect_dma source(%dma_start3A_964 : memref<100000x768xf32, #tpu.memory_space<hbm>>) target(%dma_start3A_960 : memref<16x768xf32, #tpu.memory_space<vmem>>) offsets(%dma_start3A_961 : memref<16xi32, #tpu.memory_space<vmem>>) semaphore(%dma_start3A_966 : memref<!tpu.dma_semaphore, #tpu.memory_space<semaphore_mem>>)
        %dma_start3A_967 = arith.constant 2 : i32
        %dma_start3A_968 = arith.constant 2 : i32
        %dma_start3A_969 = arith.constant 0 : i32
        %dma_start3A_970 = arith.constant 0 : i32
        %dma_start3A_971 = tpu.memref_slice %arg10[%dma_start3A_967, %dma_start3A_969, %dma_start3A_970] : memref<4x16x768xf32, #tpu.memory_space<vmem>> -> memref<1x16x768xf32, #tpu.memory_space<vmem>>
        %dma_start3A_972 = tpu.memref_squeeze %dma_start3A_971 : memref<1x16x768xf32, #tpu.memory_space<vmem>> -> memref<16x768xf32, #tpu.memory_space<vmem>>
        %dma_start3A_973 = tpu.memref_slice %arg8[%mul3A_954] : memref<512xi32, #tpu.memory_space<vmem>> -> memref<16xi32, #tpu.memory_space<vmem>>
        %dma_start3A_974 = arith.constant 0 : i32
        %dma_start3A_975 = arith.constant 0 : i32
        %dma_start3A_976 = tpu.memref_slice %arg3[%dma_start3A_974, %dma_start3A_975] : memref<1536x768xf32, #tpu.memory_space<hbm>> -> memref<1536x768xf32, #tpu.memory_space<hbm>>
        %dma_start3A_977 = tpu.memref_slice %arg12[%dma_start3A_968] : memref<4x!tpu.dma_semaphore, #tpu.memory_space<semaphore_mem>> -> memref<1x!tpu.dma_semaphore, #tpu.memory_space<semaphore_mem>>
        %dma_start3A_978 = tpu.memref_squeeze %dma_start3A_977 : memref<1x!tpu.dma_semaphore, #tpu.memory_space<semaphore_mem>> -> memref<!tpu.dma_semaphore, #tpu.memory_space<semaphore_mem>>
        tpu.enqueue_indirect_dma source(%dma_start3A_976 : memref<1536x768xf32, #tpu.memory_space<hbm>>) target(%dma_start3A_972 : memref<16x768xf32, #tpu.memory_space<vmem>>) offsets(%dma_start3A_973 : memref<16xi32, #tpu.memory_space<vmem>>) semaphore(%dma_start3A_978 : memref<!tpu.dma_semaphore, #tpu.memory_space<semaphore_mem>>)
      } else {
      }
    }
    %scan3A_587 = arith.constant 8 : i32
    %add3A_588 = arith.constant 448 : i32
    %add3A_589 = arith.addi %mul3A_2, %add3A_588 : i32
    %dma_wait3A = arith.constant 0 : i32
    %dma_wait3A_590 = arith.constant 0 : i32
    %dma_wait3A_591 = arith.constant 0 : i32
    %dma_wait3A_592 = arith.constant 0 : i32
    %dma_wait3A_593 = tpu.memref_slice %arg9[%dma_wait3A, %dma_wait3A_591, %dma_wait3A_592] : memref<4x16x768xf32, #tpu.memory_space<vmem>> -> memref<1x16x768xf32, #tpu.memory_space<vmem>>
    %dma_wait3A_594 = tpu.memref_squeeze %dma_wait3A_593 : memref<1x16x768xf32, #tpu.memory_space<vmem>> -> memref<16x768xf32, #tpu.memory_space<vmem>>
    %dma_wait3A_595 = arith.constant 0 : i32
    %dma_wait3A_596 = tpu.memref_slice %arg6[%add3A_589, %dma_wait3A_595] : memref<16384x768xf32, #tpu.memory_space<hbm>> -> memref<16x768xf32, #tpu.memory_space<hbm>>
    %dma_wait3A_597 = tpu.memref_slice %arg13[%dma_wait3A_590] : memref<4x!tpu.dma_semaphore, #tpu.memory_space<semaphore_mem>> -> memref<1x!tpu.dma_semaphore, #tpu.memory_space<semaphore_mem>>
    %dma_wait3A_598 = tpu.memref_squeeze %dma_wait3A_597 : memref<1x!tpu.dma_semaphore, #tpu.memory_space<semaphore_mem>> -> memref<!tpu.dma_semaphore, #tpu.memory_space<semaphore_mem>>
    %dma_wait3A_599 = arith.constant 0 : i32
    %dma_wait3A_600 = tpu.memref_slice %arg6[%add3A_589, %dma_wait3A_599] : memref<16384x768xf32, #tpu.memory_space<hbm>> -> memref<16x768xf32, #tpu.memory_space<hbm>>
    %dma_wait3A_601 = arith.constant 0 : i32
    %dma_wait3A_602 = arith.constant 0 : i32
    %dma_wait3A_603 = tpu.memref_slice %arg9[%dma_wait3A, %dma_wait3A_601, %dma_wait3A_602] : memref<4x16x768xf32, #tpu.memory_space<vmem>> -> memref<1x16x768xf32, #tpu.memory_space<vmem>>
    %dma_wait3A_604 = tpu.memref_squeeze %dma_wait3A_603 : memref<1x16x768xf32, #tpu.memory_space<vmem>> -> memref<16x768xf32, #tpu.memory_space<vmem>>
    tpu.wait_dma2 semaphore(%dma_wait3A_598 : memref<!tpu.dma_semaphore, #tpu.memory_space<semaphore_mem>>) src(%dma_wait3A_604 : memref<16x768xf32, #tpu.memory_space<vmem>>) dst(%dma_wait3A_600 : memref<16x768xf32, #tpu.memory_space<hbm>>)
    %add3A_605 = arith.constant 464 : i32
    %add3A_606 = arith.addi %mul3A_2, %add3A_605 : i32
    %dma_wait3A_607 = arith.constant 1 : i32
    %dma_wait3A_608 = arith.constant 1 : i32
    %dma_wait3A_609 = arith.constant 0 : i32
    %dma_wait3A_610 = arith.constant 0 : i32
    %dma_wait3A_611 = tpu.memref_slice %arg9[%dma_wait3A_607, %dma_wait3A_609, %dma_wait3A_610] : memref<4x16x768xf32, #tpu.memory_space<vmem>> -> memref<1x16x768xf32, #tpu.memory_space<vmem>>
    %dma_wait3A_612 = tpu.memref_squeeze %dma_wait3A_611 : memref<1x16x768xf32, #tpu.memory_space<vmem>> -> memref<16x768xf32, #tpu.memory_space<vmem>>
    %dma_wait3A_613 = arith.constant 0 : i32
    %dma_wait3A_614 = tpu.memref_slice %arg6[%add3A_606, %dma_wait3A_613] : memref<16384x768xf32, #tpu.memory_space<hbm>> -> memref<16x768xf32, #tpu.memory_space<hbm>>
    %dma_wait3A_615 = tpu.memref_slice %arg13[%dma_wait3A_608] : memref<4x!tpu.dma_semaphore, #tpu.memory_space<semaphore_mem>> -> memref<1x!tpu.dma_semaphore, #tpu.memory_space<semaphore_mem>>
    %dma_wait3A_616 = tpu.memref_squeeze %dma_wait3A_615 : memref<1x!tpu.dma_semaphore, #tpu.memory_space<semaphore_mem>> -> memref<!tpu.dma_semaphore, #tpu.memory_space<semaphore_mem>>
    %dma_wait3A_617 = arith.constant 0 : i32
    %dma_wait3A_618 = tpu.memref_slice %arg6[%add3A_606, %dma_wait3A_617] : memref<16384x768xf32, #tpu.memory_space<hbm>> -> memref<16x768xf32, #tpu.memory_space<hbm>>
    %dma_wait3A_619 = arith.constant 0 : i32
    %dma_wait3A_620 = arith.constant 0 : i32
    %dma_wait3A_621 = tpu.memref_slice %arg9[%dma_wait3A_607, %dma_wait3A_619, %dma_wait3A_620] : memref<4x16x768xf32, #tpu.memory_space<vmem>> -> memref<1x16x768xf32, #tpu.memory_space<vmem>>
    %dma_wait3A_622 = tpu.memref_squeeze %dma_wait3A_621 : memref<1x16x768xf32, #tpu.memory_space<vmem>> -> memref<16x768xf32, #tpu.memory_space<vmem>>
    tpu.wait_dma2 semaphore(%dma_wait3A_616 : memref<!tpu.dma_semaphore, #tpu.memory_space<semaphore_mem>>) src(%dma_wait3A_622 : memref<16x768xf32, #tpu.memory_space<vmem>>) dst(%dma_wait3A_618 : memref<16x768xf32, #tpu.memory_space<hbm>>)
    %add3A_623 = arith.constant 480 : i32
    %add3A_624 = arith.addi %mul3A_2, %add3A_623 : i32
    %dma_wait3A_625 = arith.constant 2 : i32
    %dma_wait3A_626 = arith.constant 2 : i32
    %dma_wait3A_627 = arith.constant 0 : i32
    %dma_wait3A_628 = arith.constant 0 : i32
    %dma_wait3A_629 = tpu.memref_slice %arg9[%dma_wait3A_625, %dma_wait3A_627, %dma_wait3A_628] : memref<4x16x768xf32, #tpu.memory_space<vmem>> -> memref<1x16x768xf32, #tpu.memory_space<vmem>>
    %dma_wait3A_630 = tpu.memref_squeeze %dma_wait3A_629 : memref<1x16x768xf32, #tpu.memory_space<vmem>> -> memref<16x768xf32, #tpu.memory_space<vmem>>
    %dma_wait3A_631 = arith.constant 0 : i32
    %dma_wait3A_632 = tpu.memref_slice %arg6[%add3A_624, %dma_wait3A_631] : memref<16384x768xf32, #tpu.memory_space<hbm>> -> memref<16x768xf32, #tpu.memory_space<hbm>>
    %dma_wait3A_633 = tpu.memref_slice %arg13[%dma_wait3A_626] : memref<4x!tpu.dma_semaphore, #tpu.memory_space<semaphore_mem>> -> memref<1x!tpu.dma_semaphore, #tpu.memory_space<semaphore_mem>>
    %dma_wait3A_634 = tpu.memref_squeeze %dma_wait3A_633 : memref<1x!tpu.dma_semaphore, #tpu.memory_space<semaphore_mem>> -> memref<!tpu.dma_semaphore, #tpu.memory_space<semaphore_mem>>
    %dma_wait3A_635 = arith.constant 0 : i32
    %dma_wait3A_636 = tpu.memref_slice %arg6[%add3A_624, %dma_wait3A_635] : memref<16384x768xf32, #tpu.memory_space<hbm>> -> memref<16x768xf32, #tpu.memory_space<hbm>>
    %dma_wait3A_637 = arith.constant 0 : i32
    %dma_wait3A_638 = arith.constant 0 : i32
    %dma_wait3A_639 = tpu.memref_slice %arg9[%dma_wait3A_625, %dma_wait3A_637, %dma_wait3A_638] : memref<4x16x768xf32, #tpu.memory_space<vmem>> -> memref<1x16x768xf32, #tpu.memory_space<vmem>>
    %dma_wait3A_640 = tpu.memref_squeeze %dma_wait3A_639 : memref<1x16x768xf32, #tpu.memory_space<vmem>> -> memref<16x768xf32, #tpu.memory_space<vmem>>
    tpu.wait_dma2 semaphore(%dma_wait3A_634 : memref<!tpu.dma_semaphore, #tpu.memory_space<semaphore_mem>>) src(%dma_wait3A_640 : memref<16x768xf32, #tpu.memory_space<vmem>>) dst(%dma_wait3A_636 : memref<16x768xf32, #tpu.memory_space<hbm>>)
    %add3A_641 = arith.constant 496 : i32
    %add3A_642 = arith.addi %mul3A_2, %add3A_641 : i32
    %dma_wait3A_643 = arith.constant 3 : i32
    %dma_wait3A_644 = arith.constant 3 : i32
    %dma_wait3A_645 = arith.constant 0 : i32
    %dma_wait3A_646 = arith.constant 0 : i32
    %dma_wait3A_647 = tpu.memref_slice %arg9[%dma_wait3A_643, %dma_wait3A_645, %dma_wait3A_646] : memref<4x16x768xf32, #tpu.memory_space<vmem>> -> memref<1x16x768xf32, #tpu.memory_space<vmem>>
    %dma_wait3A_648 = tpu.memref_squeeze %dma_wait3A_647 : memref<1x16x768xf32, #tpu.memory_space<vmem>> -> memref<16x768xf32, #tpu.memory_space<vmem>>
    %dma_wait3A_649 = arith.constant 0 : i32
    %dma_wait3A_650 = tpu.memref_slice %arg6[%add3A_642, %dma_wait3A_649] : memref<16384x768xf32, #tpu.memory_space<hbm>> -> memref<16x768xf32, #tpu.memory_space<hbm>>
    %dma_wait3A_651 = tpu.memref_slice %arg13[%dma_wait3A_644] : memref<4x!tpu.dma_semaphore, #tpu.memory_space<semaphore_mem>> -> memref<1x!tpu.dma_semaphore, #tpu.memory_space<semaphore_mem>>
    %dma_wait3A_652 = tpu.memref_squeeze %dma_wait3A_651 : memref<1x!tpu.dma_semaphore, #tpu.memory_space<semaphore_mem>> -> memref<!tpu.dma_semaphore, #tpu.memory_space<semaphore_mem>>
    %dma_wait3A_653 = arith.constant 0 : i32
    %dma_wait3A_654 = tpu.memref_slice %arg6[%add3A_642, %dma_wait3A_653] : memref<16384x768xf32, #tpu.memory_space<hbm>> -> memref<16x768xf32, #tpu.memory_space<hbm>>
    %dma_wait3A_655 = arith.constant 0 : i32
    %dma_wait3A_656 = arith.constant 0 : i32
    %dma_wait3A_657 = tpu.memref_slice %arg9[%dma_wait3A_643, %dma_wait3A_655, %dma_wait3A_656] : memref<4x16x768xf32, #tpu.memory_space<vmem>> -> memref<1x16x768xf32, #tpu.memory_space<vmem>>
    %dma_wait3A_658 = tpu.memref_squeeze %dma_wait3A_657 : memref<1x16x768xf32, #tpu.memory_space<vmem>> -> memref<16x768xf32, #tpu.memory_space<vmem>>
    tpu.wait_dma2 semaphore(%dma_wait3A_652 : memref<!tpu.dma_semaphore, #tpu.memory_space<semaphore_mem>>) src(%dma_wait3A_658 : memref<16x768xf32, #tpu.memory_space<vmem>>) dst(%dma_wait3A_654 : memref<16x768xf32, #tpu.memory_space<hbm>>)
    return
  }
}

module attributes {stable_mosaic.version = 14 : i64} {
  func.func @_comb_body(%arg0: memref<512x768xf32, #tpu.memory_space<vmem>>, %arg1: memref<3x768xf32, #tpu.memory_space<vmem>>, %arg2: memref<3x512x768xf32, #tpu.memory_space<vmem>>) attributes {dimension_semantics = [], scalar_prefetch = 0 : i64, scratch_operands = 0 : i64, tpu.core_type = #tpu.core_type<tc>} {
    %get3A = arith.constant 0 : index
    %get3A_0 = arith.constant 0 : index
    %get3A_1 = vector.load %arg1[%get3A, %get3A_0] : memref<3x768xf32, #tpu.memory_space<vmem>>, vector<3x768xf32>
    %broadcast_in_dim3A = vector.shape_cast %get3A_1 : vector<3x768xf32> to vector<3x1x768xf32>
    %get3A_2 = arith.constant 0 : index
    %get3A_3 = arith.constant 0 : index
    %get3A_4 = vector.load %arg0[%get3A_2, %get3A_3] : memref<512x768xf32, #tpu.memory_space<vmem>>, vector<512x768xf32>
    %broadcast_in_dim3A_5 = vector.shape_cast %get3A_4 : vector<512x768xf32> to vector<1x512x768xf32>
    %add3A = vector.broadcast %broadcast_in_dim3A : vector<3x1x768xf32> to vector<3x512x768xf32>
    %add3A_6 = vector.broadcast %broadcast_in_dim3A_5 : vector<1x512x768xf32> to vector<3x512x768xf32>
    %add3A_7 = arith.addf %add3A, %add3A_6 : vector<3x512x768xf32>
    %swap3A = arith.constant 0 : index
    %swap3A_8 = arith.constant 0 : index
    %swap3A_9 = arith.constant 0 : index
    %swap3A_10 = vector.load %arg2[%swap3A, %swap3A_8, %swap3A_9] : memref<3x512x768xf32, #tpu.memory_space<vmem>>, vector<3x512x768xf32>
    tpu.vector_store %arg2[%swap3A, %swap3A_8, %swap3A_9], %add3A_7 {strides = array<i32>} : memref<3x512x768xf32, #tpu.memory_space<vmem>>, vector<3x512x768xf32>,
    return
  }
}

</mosaic_0001>

<sc_bundles>
// kernel: kernel.4.cloned.1.call-start
scs
__scs_entry_jumppad:
0x0: {  	(pc) =	sbr.rel $0x88, $3  }
0x1: {  	(tag) =	ssettag $0x0;
	lr =	simm.s32 $0x1  }
0x2: {  	[smem:$0x3F9D] =	sst lr;
	_ =	strace $0xD0000000  }
0x3: {  	_ = 	snop  }
0x4: {  	_ = 	snop  }
0x5: {  	_ = 	snop  }
0x6: {  	_ = 	snop  }
0x7: {  	_ = 	snop  }
__scs_overlays_trampoline_lowered:
0x8: {  	[smem:$0x3FAC] =	sst s0  }
0x9: {  	[smem:$0x3FAD] =	sst s1  }
0xa: {  	[smem:$0x3FAE] =	sst s2  }
0xb: {  	[smem:$0x3FAF] =	sst s3  }
0xc: {  	[smem:$0x3FB0] =	sst s4  }
0xd: {  	[smem:$0x3FB1] =	sst s5  }
0xe: {  	[smem:$0x3FB2] =	sst s6  }
0xf: {  	[smem:$0x3FB3] =	sst s7  }
0x10: {  	[smem:$0x3FB4] =	sst s8  }
0x11: {  	[smem:$0x3FB5] =	sst s9;
	s0 =	simm.s32 @!p0 $0x0  }
0x12: {  	s1 =	sld [smem:$0x3F9B];
	s0 =	simm.s32 @p0 $0x1  }
0x13: {  	[smem:$0x3FB6] =	sst s0;
	s0 =	simm.s32 @!p1 $0x0  }
0x14: {  	s2 =	sld [smem:$0x3F9A];
	s0 =	simm.s32 @p1 $0x1  }
0x15: {  	[smem:$0x3FB7] =	sst s0;
	s0 =	simm.s32 @!p2 $0x0  }
0x16: {  	s3 =	sld [smem:$0x3FDB];
	s0 =	simm.s32 @p2 $0x1  }
0x17: {  	s4 =	simm.s32 $0x1BF5;
	[smem:$0x3FB9] =	sst s0  }
0x18: {  	s0 =	sld [smem:$0x3F9C];
	_ =	swait.ge [sflag:s4], $0x0  }
0x19: {  	s7 =	sld [smem:$0x3F9D]  }
0x1a: {  	s8 =	sadd.s32 $0xFFFFE003, lr  }
0x1b: {  	s9 =	sadd.s32 $0xFFFFFEF7, lr;
	s5 =	simm.s32 $0xFFFFFFFF;
	p2 =	slt.u32 s8, $0xFFFFF086  }
0x1c: {  	p1 =	slt.u32 s9, $0xF7A;
	s5 =	simm.s32 @!p2 $0x0  }
0x1d: {  	s5 =	simm.s32 @p1 $0x1;
	p0 =	seq.s32 s7, s2  }
0x1e: {  	s7 =	smul.u32 @!p0 $0xF7A, s2;
	p2 =	seq.s32 @!p0 s5, $0x0  }
0x1f: {  	s9 =	smul.u32 $0xF7A, s1;
	s8 =	simm.s32 @!p0 $0x1BF5;
	p2 =	por !p2, p0  }
0x20: {  	[sflag:s8] =	ssyncset.s32 @!p0 $0xFFFFF086;
	s6 =	sadd.s32 @!p0 s3, s7;
	s7 =	simm.s32 @!p0 $0x108  }
0x21: {  	s3 =	sadd.s32 s3, s9;
	s6 =	sadd.s32 @!p0 $0x88, s6;
	s7 =	simm.s32 @p2 $0x1082  }
0x22: {  	[simem:s7], [sflag:s8] =	dma.local @!p0 [hbm:s6], $0xF7A  }
0x23: {  	s9 =	sor.u32 $0xD0000000, s2;
	s6 =	simm.s32 $0x108;
	_ =	swait.ge @!p0 [sflag:s8], $0x0  }
0x24: {  	s3 =	sadd.s32 $0x88, s3;
	s6 =	simm.s32 @!p1 $0x1082;
	[sflag:s4] =	ssyncset.s32 $0xFFFFF086  }
0x25: {  	[simem:s6], [sflag:s4] =	dma.local [hbm:s3], $0xF7A  }
0x26: {  	[smem:$0x3F9D] =	sst s1;
	(tag) =	ssettag s2;
	_ =	strace s9  }
0x27: {  	s1 =	sld [smem:$0x3FAD]  }
0x28: {  	s2 =	sld [smem:$0x3FAE]  }
0x29: {  	s4 =	sld [smem:$0x3FB0]  }
0x2a: {  	p0 =	seq.s32 s5, $0x0;
	s5 =	sld [smem:$0x3FB1]  }
0x2b: {  	s6 =	sld [smem:$0x3FB2]  }
0x2c: {  	s7 =	sld [smem:$0x3FB3]  }
0x2d: {  	s3 =	simm.s32 $0x108;
	s8 =	sld [smem:$0x3FB4]  }
0x2e: {  	s3 =	simm.s32 @!p0 $0x1082;
	s9 =	sld [smem:$0x3FB5]  }
0x2f: {  	lr =	sadd.s32 s0, s3;
	s0 =	sld [smem:$0x3FAC]  }
0x30: {  	s3 =	sld [smem:$0x3FAF]  }
0x31: {  	[smem:$0x3FB8] =	sst s10  }
0x32: {  	s10 =	sld [smem:$0x3FB6];
	_ =	sdelay $0x3  }
0x33: {  	p0 =	seq.s32 s10, $0x1;
	s10 =	sld [smem:$0x3FB8];
	_ =	sdelay $0x3  }
0x34: {  	[smem:$0x3FB8] =	sst s10  }
0x35: {  	s10 =	sld [smem:$0x3FB7];
	_ =	sdelay $0x3  }
0x36: {  	p1 =	seq.s32 s10, $0x1;
	s10 =	sld [smem:$0x3FB8];
	_ =	sdelay $0x3  }
0x37: {  	[smem:$0x3FB8] =	sst s10  }
0x38: {  	s10 =	sld [smem:$0x3FB9]  }
0x39: {  	_ = 	snop;
	(pc) =	sbr.ind lr, $3  }
0x3a: {  	_ = 	snop  }
0x3b: {  	_ = 	snop  }
0x3c: {  	p2 =	seq.s32 s10, $0x1;
	s10 =	sld [smem:$0x3FB8]  }
0x3d: {  	_ =	shalt  }
0x3e: {  	_ =	shalt  }
0x3f: {  	_ =	shalt  }
0x40: {  	_ =	shalt  }
0x41: {  	_ =	shalt  }
0x42: {  	_ =	shalt  }
0x43: {  	_ =	shalt  }
0x44: {  	_ =	shalt  }
0x45: {  	_ =	shalt  }
0x46: {  	_ =	shalt  }
0x47: {  	_ =	shalt  }
0x48: {  	_ =	shalt  }
0x49: {  	_ =	shalt  }
0x4a: {  	_ =	shalt  }
0x4b: {  	_ =	shalt  }
0x4c: {  	_ =	shalt  }
0x4d: {  	_ =	shalt  }
0x4e: {  	_ =	shalt  }
0x4f: {  	_ =	shalt  }
0x50: {  	_ =	shalt  }
0x51: {  	_ =	shalt  }
0x52: {  	_ =	shalt  }
0x53: {  	_ =	shalt  }
0x54: {  	_ =	shalt  }
0x55: {  	_ =	shalt  }
0x56: {  	_ =	shalt  }
0x57: {  	_ =	shalt  }
0x58: {  	_ =	shalt  }
0x59: {  	_ =	shalt  }
0x5a: {  	_ =	shalt  }
0x5b: {  	_ =	shalt  }
0x5c: {  	_ =	shalt  }
0x5d: {  	_ =	shalt  }
0x5e: {  	_ =	shalt  }
0x5f: {  	_ =	shalt  }
0x60: {  	_ =	shalt  }
0x61: {  	_ =	shalt  }
0x62: {  	_ =	shalt  }
0x63: {  	_ =	shalt  }
0x64: {  	_ =	shalt  }
0x65: {  	_ =	shalt  }
0x66: {  	_ =	shalt  }
0x67: {  	_ =	shalt  }
0x68: {  	_ =	shalt  }
0x69: {  	_ =	shalt  }
0x6a: {  	_ =	shalt  }
0x6b: {  	_ =	shalt  }
0x6c: {  	_ =	shalt  }
0x6d: {  	_ =	shalt  }
0x6e: {  	_ =	shalt  }
0x6f: {  	_ =	shalt  }
0x70: {  	_ =	shalt  }
0x71: {  	_ =	shalt  }
0x72: {  	_ =	shalt  }
0x73: {  	_ =	shalt  }
0x74: {  	_ =	shalt  }
0x75: {  	_ =	shalt  }
0x76: {  	_ =	shalt  }
0x77: {  	_ =	shalt  }
0x78: {  	_ =	shalt  }
0x79: {  	_ =	shalt  }
0x7a: {  	_ =	shalt  }
0x7b: {  	_ =	shalt  }
0x7c: {  	_ =	shalt  }
0x7d: {  	_ =	shalt  }
0x7e: {  	_ =	shalt  }
0x7f: {  	_ =	shalt  }
0x80: {  	_ =	shalt  }
0x81: {  	_ =	shalt  }
0x82: {  	_ =	shalt  }
0x83: {  	_ =	shalt  }
0x84: {  	_ =	shalt  }
0x85: {  	_ =	shalt  }
0x86: {  	_ =	shalt  }
0x87: {  	_ =	shalt  }
.Lfunc_end0:
.L_simem_size_0:
called_computation_lowered:
.L_overlay_start_0:
0x88: {  	s2 =	sld [smem:$0x3FD9]  }
0x89: {  	s3 =	sld [smem:$0x3FFE];
	_ =	sdelay $0x1  }
0x8a: {  	s1 =	srdreg.scid  }
0x8b: {  	s0 =	sand.u32 $0x1, s1  }
0x8c: {  	s17 =	sshll.u32 s0, $0xA;
	s2 =	sadd.s32 s3, s2  }
0x8d: {  	s2 =	sadd.s32 s2, s17  }
0x8e: {  	[smem:$0x3FC4] =	sst s2  }
0x8f: {  	_ = 	snop  }
0x90: {  	s2 =	sld [smem:$0x3FC9]  }
0x91: {  	s18 =	sld [smem:$0x3FC8]  }
0x92: {  	s4 =	sld [smem:$0x3FC7]  }
0x93: {  	s5 =	sld [smem:$0x3FD0];
	(tm) =	ssettm $0x1  }
0x94: {  	s6 =	sld [smem:$0x3FFB];
	_ =	sdelay $0x3  }
0x95: {  	_ =	strace s6  }
0x96: {  	s6 =	sld [smem:$0x3FFC];
	_ =	sdelay $0x3  }
0x97: {  	_ =	strace s6  }
0x98: {  	s6 =	sld [smem:$0x3FFD];
	_ =	sdelay $0x3  }
0x99: {  	_ =	strace s6  }
0x9a: {  	_ =	strace $0x8FFFFFFF  }
0x9b: {  	s19 =	sld [smem:$0x3FDB];
	_ =	sdelay $0x1  }
0x9c: {  	s7 =	simm.s32 $_scs_section_size  }
0x9d: {  	s8 =	simm.s32 $_size__tile_overlayer_lowered;
	s9 =	simm.s32 $_tile_overlayer_lowered  }
0x9e: {  	s22 =	simm.s32 $0x1BFF;
	s21 =	sshll.u32 s9, $0x1;
	s6 =	sadd.s32 s7, s19  }
0x9f: {  	s10 =	simm.s32 $0x0;
	s20 =	sshll.u32 s8, $0x1;
	s8 =	sadd.s32 s21, s6  }
0xa0: {  	[timem:s10], [sflag:s22] =	dma.local [hbm:s8], s20  }
0xa1: {  	_ =	swait.ge [sflag:s22], s20  }
0xa2: {  	s7 =	ssub.s32 $0x0, s20;
	[sflag:s22] =	ssyncset.done $0x0  }
0xa3: {  	[sflag:s22] =	ssyncadd.s32 s7;
	_ =	sdelay $0x1  }
0xa4: {  	s23 =	simm.s32 $0x1B8B  }
0xa5: {  	_ =	swait.ge [sflag:s23], $0x1  }
0xa6: {  	[sflag:s23] =	ssyncset.done $0x0  }
0xa7: {  	s25 =	simm.s32 $0x1B8E;
	s24 =	sld [smem:$0x3FFE];
	[sflag:s23] =	ssyncadd.s32 $0xFFFFFFFF  }
0xa8: {  	s26 =	simm.s32 $execute0_lowered;
	[smem:$0x3FD2] =	sst s25  }
0xa9: {  	s8 =	sshll.u32 s26, $0x1;
	_ =	strace $0x80000046;
	[dreg:$0x1] =	wrdreg $0xFFFFFFFF  }
0xaa: {  	s28 =	simm.s32 $_size_execute0_lowered;
	s6 =	sadd.s32 s6, s8;
	[dreg:$0x0] =	wrdreg $0x0  }
0xab: {  	s8 =	sshll.u32 s28, $0x1;
	[dreg:$0x2] =	wrdreg s6  }
0xac: {  	[dreg:$0x3] =	wrdreg s8  }
0xad: {  	[dreg:$0x4] =	wrdreg $0xC0  }
0xae: {  	_ =	task [dreg:s10], $0x5FFFF  }
0xaf: {  	[dreg:$0x1] =	wrdreg $0xFFFFFFFF  }
0xb0: {  	[dreg:$0x0] =	wrdreg $0x60  }
0xb1: {  	[dreg:$0x2] =	wrdreg s4  }
0xb2: {  	[dreg:$0x3] =	wrdreg s24  }
0xb3: {  	[dreg:$0x4] =	wrdreg s2  }
0xb4: {  	[dreg:$0x5] =	wrdreg s18  }
0xb5: {  	[dreg:$0x6] =	wrdreg s5  }
0xb6: {  	[dreg:$0x7] =	wrdreg $0x9  }
0xb7: {  	_ =	task.clear_ibuf [dreg:s10], $0x8FFFF;
	_ =	strace $0x90000046  }
0xb8: {  	s29 =	simm.s32 $0x9;
	_ =	strace $0x80000048  }
0xb9: {  	_ =	swait.ge [sflag:s29], $0x1  }
0xba: {  	[sflag:s29] =	ssyncadd.s32 $0xFFFFFFFF  }
0xbb: {  	_ =	strace $0x90000048  }
0xbc: {  	_ =	sfence  }
0xbd: {  	s30 =	sld [smem:$0x0];
	_ =	sdelay $0x2  }
0xbe: {  	s31 =	sshll.u32 s1, $0xD;
	s1 =	sshrl.u32 s1, $0x2  }
0xbf: {  	s3 =	sand.u32 $0x4000, s31;
	s1 =	sadd.s32 s1, s30  }
0xc0: {  	s0 =	sor.u32 s3, s0;
	s1 =	sshll.u32 s1, $0x11  }
0xc1: {  	s0 =	sor.u32 s1, s0  }
0xc2: {  	s0 =	sadd.s32 $0x8F2B, s0  }
0xc3: {  	[sflag:s0] =	ssyncadd.remote.s32 $0x1  }
0xc4: {  	_ =	sfence.sel $0xFFFF  }
0xc5: {  	[dreg:$0x0] =	wrdreg $0xFFFFFFFF;
	(pc) =	sbr.abs _section_cstart, $3  }
0xc6: {  	[dreg:$0x1] =	wrdreg $0xFFFFFFFF  }
0xc7: {  	_ =	task.clear_ibuf [dreg:s10], $0x2FFFF;
	_ =	strace $0x9FFFFFFF  }
0xc8: {  	(tm) =	ssettm $0x7FFFFFFF  }
0xc9: {  	_ =	shalt  }
tec
execute0_lowered:
.L_overlay_start_1:
0x0: {  	(tag) =	ssettag $0x1  }
0x1: {  	s0 =	rddreg [dreg:$0x0]  }
0x2: {  	s1 =	rddreg [dreg:$0x1]  }
0x3: {  	s2 =	rddreg [dreg:$0x2]  }
0x4: {  	s7 =	rddreg [dreg:$0x3];
	s4 =	srdreg.scid  }
0x5: {  	s5 =	stileid.u32;
	s3 =	rddreg [dreg:$0x4];
	s16 =	simm.s32 $0x400  }
0x6: {  	v0 =	vlaneseq.u32;
	s28 =	simm.s32 $0x6400;
	s15 =	simm.s32 $0x5;
	s17 =	simm.s32 $0x7  }
0x7: {  	s29 =	simm.s32 $0x4;
	s30 =	simm.s32 $0x8;
	vm0 =	vmmov $0xffff;
	s19 =	simm.s32 $0x0;
	v1 =	vor.u32 $0x10, v0;
	v2 =	vor.u32 $0x20, v0  }
0x8: {  	s6 =	sand.u32 $0x1, s4;
	s5 =	sshll.u32 s5, $0x1;
	s4 =	simm.s32 $0x0;
	v3 =	vor.u32 $0x30, v0;
	v4 =	vor.u32 $0x40, v0;
	v5 =	vor.u32 $0x50, v0  }
0x9: {  	s11 =	sadd.s32 $0xB00, s1;
	s12 =	sadd.s32 $0xC00, s1;
	s14 =	sadd.s32 $0xC00, s3;
	v6 =	vor.u32 $0x60, v0;
	v7 =	vor.u32 $0x70, v0;
	v8 =	vor.u32 $0x80, v0  }
0xa: {  	v9 =	vor.u32 $0x90, v0;
	v10 =	vor.u32 $0xA0, v0;
	v11 =	vor.u32 $0xB0, v0;
	s8 =	sor.u32 s6, s5;
	[smem:$0x7FF] =	sst s4;
	s9 =	ssub.s32 $0x2, s6  }
0xb: {  	v12 =	vor.u32 $0xC0, v0;
	v13 =	vor.u32 $0xD0, v0;
	v14 =	vor.u32 $0xE0, v0;
	s6 =	sadd.s32 $0xA00, s1;
	s5 =	sshll.u32 s8, $0x9;
	s8 =	sshll.u32 s8, $0x7  }
0xc: {  	v15 =	vor.u32 $0xF0, v0;
	v16 =	vor.u32 $0x100, v0;
	v17 =	vor.u32 $0x110, v0;
	_ =	strace $0x80000047;
	s10 =	sshrl.u32 s9, $0x1;
	s25 =	sand.u32 $0x3000, s5  }
0xd: {  	v18 =	vor.u32 $0x120, v0;
	v19 =	vor.u32 $0x130, v0;
	v20 =	vor.u32 $0x140, v0;
	s8 =	sand.u32 $0x380, s8;
	s13 =	ssub.s32 s9, s10;
	s9 =	sadd.s32 $0x100, s0  }
.Ltmp0:
0xe: {  	v21 =	vor.u32 $0x150, v0;
	v22 =	vor.u32 $0x160, v0;
	v23 =	vor.u32 $0x170, v0;
	s10 =	sadd.s32 $0x200, s0;
	s8 =	sor.u32 s8, s25;
	(pc) =	sbr.rel .LBB2_1-.Ltmp0, $4  }
0xf: {  	v24 =	vor.u32 $0x180, v0;
	v25 =	vor.u32 $0x190, v0;
	v26 =	vor.u32 $0x1A0, v0;
	s31 =	smax.u32 s13, $0x1;
	s13 =	simm.s32 $0x3;
	s8 =	sshrl.u32 s8, $0x3  }
0x10: {  	v27 =	vor.u32 $0x1B0, v0;
	v28 =	vor.u32 $0x1C0, v0;
	v29 =	vor.u32 $0x1D0, v0;
	[dreg:$0x8] =	wrdreg s31;
	s2 =	sadd.s32 s2, s8;
	s26 =	sadd.s32 s7, s8  }
0x11: {  	v30 =	vor.u32 $0x1E0, v0;
	v31 =	vor.u32 $0x1F0, v0;
	v33 =	vshrl.u32 v0, $0x3;
	s7 =	simm.s32 $0x2;
	s8 =	simm.s32 $0x6;
	[dreg:$0x6] =	wrdreg s2  }
0x12: {  	v32 =	vand.u32 $0x7, v0;
	v34 =	vor.u32 $0x8, v0;
	v33 =	vmul.u32 $0x8, v33;
	[dreg:$0x7] =	wrdreg s26;
	s26 =	simm.s32 $0x1;
	s2 =	simm.s32 $0xB  }
.LBB2_12:
0x13: {  	s1 =	simm.s32 $0x9  }
0x14: {  	_ =	swait.ge [sflag:s1], $0x3000  }
0x15: {  	[sflag:s1] =	ssyncset.done $0x0  }
0x16: {  	s25 =	simm.s32 $0xA;
	[sflag:s1] =	ssyncadd.s32 $0xFFFFD000  }
0x17: {  	_ =	swait.ge [sflag:s25], $0x3000  }
0x18: {  	[sflag:s25] =	ssyncset.done $0x0  }
0x19: {  	[sflag:s25] =	ssyncadd.s32 $0xFFFFD000  }
0x1a: {  	_ =	swait.ge [sflag:s2], $0x3000  }
0x1b: {  	[sflag:s2] =	ssyncset.done $0x0  }
0x1c: {  	s18 =	simm.s32 $0xC;
	[sflag:s2] =	ssyncadd.s32 $0xFFFFD000  }
0x1d: {  	_ =	swait.ge [sflag:s18], $0x3000  }
0x1e: {  	s19 =	rddreg [dreg:$0x9]  }
0x1f: {  	s31 =	rddreg [dreg:$0x8];
	s19 =	sadd.s32 $0x1, s19  }
0x20: {  	p0 =	sne.s32 s19, s31  }
.Ltmp1:
0x21: {  	_ = 	snop;
	(pc) =	sbr.rel @!p0 .LBB2_13-.Ltmp1, $3  }
0x22: {  	_ =	sdelay $0x1  }
0x23: {  	[sflag:s18] =	ssyncset.done $0x0  }
0x24: {  	[sflag:s18] =	ssyncadd.s32 $0xFFFFD000  }
.LBB2_1:
0x25: {  	[dreg:$0x9] =	wrdreg s19  }
0x26: {  	s1 =	rddreg [dreg:$0x6];
	s18 =	simm.s32 $0x80;
	s24 =	simm.s32 $0xD  }
0x27: {  	[tilespmem:s4], [sflag:$0xD] =	stream.strided.gather [hbm4b:s1+s18], $0x200, s16, s18, $0x38;
	[tilespmem:$0x18400] =	vst v63  }
0x28: {  	_ =	swait.ge [sflag:s24], $0x200  }
0x29: {  	[sflag:s24] =	ssyncset.done $0x0  }
0x2a: {  	s20 =	simm.s32 $0x200;
	s25 =	rddreg [dreg:$0x7];
	[sflag:s24] =	ssyncadd.s32 $0xFFFFFE00  }
0x2b: {  	[tilespmem:s20], [sflag:$0xD] =	stream.strided.gather [hbm4b:s25+s18], $0x200, s16, s18, $0x38;
	[tilespmem:$0x18400] =	vst v63  }
0x2c: {  	_ =	swait.ge [sflag:s24], $0x200  }
0x2d: {  	[sflag:s24] =	ssyncset.done $0x0  }
0x2e: {  	[sflag:s24] =	ssyncadd.s32 $0xFFFFFE00  }
0x2f: {  	v35 =	vld [tilespmem:$0x200]  }
0x30: {  	v36 =	vld [tilespmem:$0x210]  }
0x31: {  	v37 =	vld [tilespmem:$0x220]  }
0x32: {  	v38 =	vld [tilespmem:$0x230]  }
0x33: {  	v39 =	vld [tilespmem:$0x240]  }
0x34: {  	v40 =	vld [tilespmem:$0x250]  }
0x35: {  	v41 =	vld [tilespmem:$0x260]  }
0x36: {  	v42 =	vld [tilespmem:$0x270];
	v35 =	vshll.u32 v35, $0x9  }
0x37: {  	v49 =	vld [tilespmem:$0x280];
	v36 =	vshll.u32 v36, $0x9;
	v35 =	vor.u32 v0, v35  }
0x38: {  	v52 =	vld [tilespmem:$0x290];
	v48 =	vshll.u32 v37, $0x9;
	v47 =	vor.u32 v1, v36;
	[tilespmem:$0x200] =	vst v35  }
0x39: {  	v55 =	vld [tilespmem:$0x2A0];
	v51 =	vshll.u32 v38, $0x9;
	v50 =	vor.u32 v2, v48;
	[tilespmem:$0x210] =	vst v47  }
0x3a: {  	v58 =	vld [tilespmem:$0x2B0];
	v54 =	vshll.u32 v39, $0x9;
	v53 =	vor.u32 v3, v51;
	[tilespmem:$0x220] =	vst v50  }
0x3b: {  	v61 =	vld [tilespmem:$0x2C0];
	v57 =	vshll.u32 v40, $0x9;
	v56 =	vor.u32 v4, v54;
	[tilespmem:$0x230] =	vst v53  }
0x3c: {  	v45 =	vld [tilespmem:$0x2D0];
	v60 =	vshll.u32 v41, $0x9;
	v59 =	vor.u32 v5, v57;
	[tilespmem:$0x240] =	vst v56  }
0x3d: {  	v63 =	vshll.u32 v42, $0x9;
	v41 =	vld [tilespmem:$0x0];
	v62 =	vor.u32 v6, v60;
	[tilespmem:$0x250] =	vst v59  }
0x3e: {  	v46 =	vor.u32 v7, v63;
	v48 =	vld [tilespmem:$0x2E0];
	[tilespmem:$0x260] =	vst v62;
	v47 =	vshll.u32 v49, $0x9  }
0x3f: {  	v51 =	vld [tilespmem:$0x2F0];
	[tilespmem:$0x270] =	vst v46;
	v50 =	vshll.u32 v52, $0x9;
	v49 =	vor.u32 v8, v47  }
0x40: {  	v54 =	vld [tilespmem:$0x300];
	v53 =	vshll.u32 v55, $0x9;
	v52 =	vor.u32 v9, v50;
	[tilespmem:$0x280] =	vst v49  }
0x41: {  	v57 =	vld [tilespmem:$0x310];
	v56 =	vshll.u32 v58, $0x9;
	v55 =	vor.u32 v10, v53;
	[tilespmem:$0x290] =	vst v52  }
0x42: {  	v60 =	vld [tilespmem:$0x320];
	v59 =	vshll.u32 v61, $0x9;
	v58 =	vor.u32 v11, v56;
	[tilespmem:$0x2A0] =	vst v55  }
0x43: {  	v63 =	vld [tilespmem:$0x330];
	v62 =	vshll.u32 v45, $0x9;
	v61 =	vor.u32 v12, v59;
	[tilespmem:$0x2B0] =	vst v58  }
0x44: {  	v46 =	vld [tilespmem:$0x340];
	v44 =	vor.u32 v13, v62;
	[tilespmem:$0x2C0] =	vst v61;
	v45 =	vshll.u32 v48, $0x9  }
0x45: {  	[tilespmem:$0x2D0] =	vst v44;
	v49 =	vld [tilespmem:$0x350];
	v48 =	vshll.u32 v51, $0x9;
	v47 =	vor.u32 v14, v45  }
0x46: {  	v52 =	vld [tilespmem:$0x360];
	v51 =	vshll.u32 v54, $0x9;
	v50 =	vor.u32 v15, v48;
	[tilespmem:$0x2E0] =	vst v47  }
0x47: {  	v55 =	vld [tilespmem:$0x370];
	v54 =	vshll.u32 v57, $0x9;
	v53 =	vor.u32 v16, v51;
	[tilespmem:$0x2F0] =	vst v50  }
0x48: {  	v57 =	vshll.u32 v60, $0x9;
	v60 =	vld [tilespmem:$0x380];
	v56 =	vor.u32 v17, v54;
	[tilespmem:$0x300] =	vst v53  }
0x49: {  	v59 =	vshll.u32 v63, $0x9;
	v63 =	vld [tilespmem:$0x390];
	v58 =	vor.u32 v18, v57;
	[tilespmem:$0x310] =	vst v56  }
0x4a: {  	v61 =	vor.u32 v19, v59;
	v62 =	vshll.u32 v46, $0x9;
	v59 =	vld [tilespmem:$0x3E0];
	[tilespmem:$0x320] =	vst v58  }
0x4b: {  	[tilespmem:$0x330] =	vst v61;
	v45 =	vor.u32 v20, v62;
	v47 =	vld [tilespmem:$0x3A0];
	v46 =	vshll.u32 v49, $0x9  }
0x4c: {  	v43 =	vshrl.u32 v41, $0x3;
	v53 =	vld [tilespmem:$0x3C0];
	[tilespmem:$0x340] =	vst v45;
	v49 =	vshll.u32 v52, $0x9;
	v48 =	vor.u32 v21, v46  }
0x4d: {  	v43 =	vmul.u32 $0x30, v43;
	v50 =	vld [tilespmem:$0x3B0];
	v52 =	vshll.u32 v55, $0x9;
	v51 =	vor.u32 v22, v49;
	[tilespmem:$0x350] =	vst v48  }
0x4e: {  	v41 =	vand.u32 $0x7, v41;
	v54 =	vor.u32 v23, v52;
	[tilespmem:$0x360] =	vst v51;
	v55 =	vshll.u32 v60, $0x9  }
0x4f: {  	v56 =	vld [tilespmem:$0x3D0];
	v62 =	vor.u32 v41, v43;
	[tilespmem:$0x370] =	vst v54;
	v58 =	vshll.u32 v63, $0x9;
	v57 =	vor.u32 v24, v55  }
0x50: {  	v46 =	vperm.xlane v62, v32;
	v63 =	vld [tilespmem:$0x3F0];
	v60 =	vor.u32 v25, v58;
	v52 =	vshll.u32 v59, $0x9;
	[tilespmem:$0x380] =	vst v57  }
0x51: {  	v61 =	vshll.u32 v47, $0x9;
	[tilespmem:$0x390] =	vst v60;
	v48 =	vshll.u32 v53, $0x9;
	v53 =	vor.u32 v30, v52  }
0x52: {  	v45 =	vshll.u32 v50, $0x9;
	v44 =	vor.u32 v26, v61;
	[tilespmem:$0x3E0] =	vst v53  }
0x53: {  	v39 =	vadd.s32 v33, v46;
	v47 =	vor.u32 v27, v45;
	[tilespmem:$0x3A0] =	vst v44  }
0x54: {  	v50 =	vshll.u32 v56, $0x9;
	v49 =	vor.u32 v28, v48;
	[tilespmem:$0x3B0] =	vst v47  }
0x55: {  	v51 =	vor.u32 v29, v50;
	[tilespmem:$0x3C0] =	vst v49;
	v54 =	vshll.u32 v63, $0x9  }
0x56: {  	[tilespmem:$0x3D0] =	vst v51;
	v55 =	vor.u32 v31, v54  }
0x57: {  	v56 =	vperm.xlane v62, v34;
	[tilespmem:$0x3F0] =	vst v55  }
0x58: {  	[tilespmem:s16], [sflag:$0x1] =	stream.indirect_vreg.gather [hbm4b:s0+s4], $0x80, v39, vm0, $0xb8;
	[tilespmem:$0x18400] =	vst v63  }
0x59: {  	s31 =	simm.s32 $0xC00;
	v35 =	vadd.s32 v33, v56  }
0x5a: {  	[tilespmem:s31], [sflag:$0x1] =	stream.indirect_vreg.gather [hbm4b:s9+s4], $0x80, v39, vm0, $0xb8;
	[tilespmem:$0x18400] =	vst v63  }
0x5b: {  	s18 =	simm.s32 $0x1400  }
0x5c: {  	[tilespmem:s18], [sflag:$0x1] =	stream.indirect_vreg.gather [hbm4b:s10+s4], $0x80, v39, vm0, $0xb8;
	[tilespmem:$0x18400] =	vst v63  }
0x5d: {  	s19 =	simm.s32 $0x1C00  }
0x5e: {  	[tilespmem:s19], [sflag:$0x1] =	stream.indirect_vreg.gather [hbm4b:s0+s4], $0x80, v35, vm0, $0xb8;
	[tilespmem:$0x18400] =	vst v63  }
0x5f: {  	s20 =	simm.s32 $0x2400  }
0x60: {  	[tilespmem:s20], [sflag:$0x1] =	stream.indirect_vreg.gather [hbm4b:s9+s4], $0x80, v35, vm0, $0xb8;
	[tilespmem:$0x18400] =	vst v63  }
0x61: {  	s21 =	simm.s32 $0x2C00  }
0x62: {  	[tilespmem:s21], [sflag:$0x1] =	stream.indirect_vreg.gather [hbm4b:s10+s4], $0x80, v35, vm0, $0xb8;
	[tilespmem:$0x18400] =	vst v63  }
0x63: {  	v35 =	vld [tilespmem:$0x200];
	_ =	sdelay $0x4  }
0x64: {  	v57 =	vshrl.u32 v35, $0x3  }
0x65: {  	v36 =	vmul.u32 $0x30, v57  }
0x66: {  	v35 =	vand.u32 $0x7, v35  }
0x67: {  	v35 =	vor.u32 v35, v36  }
0x68: {  	v36 =	vperm.xlane v35, v32;
	_ =	sdelay $0x1  }
0x69: {  	v36 =	vadd.s32 v33, v36;
	_ =	sdelay $0x3  }
0x6a: {  	s22 =	simm.s32 $0xC400;
	v35 =	vperm.xlane v35, v34  }
0x6b: {  	[tilespmem:s22], [sflag:$0x5] =	stream.indirect_vreg.gather [hbm4b:s6+s4], $0x80, v36, vm0, $0xb8;
	[tilespmem:$0x18400] =	vst v63  }
0x6c: {  	s23 =	simm.s32 $0xCC00;
	v35 =	vadd.s32 v33, v35  }
0x6d: {  	[tilespmem:s23], [sflag:$0x5] =	stream.indirect_vreg.gather [hbm4b:s11+s4], $0x80, v36, vm0, $0xb8;
	[tilespmem:$0x18400] =	vst v63  }
0x6e: {  	s24 =	simm.s32 $0xD400  }
0x6f: {  	[tilespmem:s24], [sflag:$0x5] =	stream.indirect_vreg.gather [hbm4b:s12+s4], $0x80, v36, vm0, $0xb8;
	[tilespmem:$0x18400] =	vst v63  }
0x70: {  	s25 =	simm.s32 $0xDC00  }
0x71: {  	[tilespmem:s25], [sflag:$0x5] =	stream.indirect_vreg.gather [hbm4b:s6+s4], $0x80, v35, vm0, $0xb8;
	[tilespmem:$0x18400] =	vst v63  }
0x72: {  	s31 =	simm.s32 $0xE400  }
0x73: {  	[tilespmem:s31], [sflag:$0x5] =	stream.indirect_vreg.gather [hbm4b:s11+s4], $0x80, v35, vm0, $0xb8;
	[tilespmem:$0x18400] =	vst v63  }
0x74: {  	s18 =	simm.s32 $0xEC00  }
0x75: {  	[tilespmem:s18], [sflag:$0x5] =	stream.indirect_vreg.gather [hbm4b:s12+s4], $0x80, v35, vm0, $0xb8;
	[tilespmem:$0x18400] =	vst v63  }
0x76: {  	v35 =	vld [tilespmem:$0x10];
	_ =	sdelay $0x4  }
0x77: {  	v58 =	vshrl.u32 v35, $0x3  }
0x78: {  	v36 =	vmul.u32 $0x30, v58  }
0x79: {  	v35 =	vand.u32 $0x7, v35  }
0x7a: {  	v35 =	vor.u32 v35, v36  }
0x7b: {  	v36 =	vperm.xlane v35, v32;
	_ =	sdelay $0x1  }
0x7c: {  	v36 =	vadd.s32 v33, v36;
	_ =	sdelay $0x3  }
0x7d: {  	s19 =	simm.s32 $0x3400;
	v35 =	vperm.xlane v35, v34  }
0x7e: {  	[tilespmem:s19], [sflag:$0x2] =	stream.indirect_vreg.gather [hbm4b:s0+s4], $0x80, v36, vm0, $0xb8;
	[tilespmem:$0x18400] =	vst v63  }
0x7f: {  	s20 =	simm.s32 $0x3C00;
	v35 =	vadd.s32 v33, v35  }
0x80: {  	[tilespmem:s20], [sflag:$0x2] =	stream.indirect_vreg.gather [hbm4b:s9+s4], $0x80, v36, vm0, $0xb8;
	[tilespmem:$0x18400] =	vst v63  }
0x81: {  	s21 =	simm.s32 $0x4400  }
0x82: {  	[tilespmem:s21], [sflag:$0x2] =	stream.indirect_vreg.gather [hbm4b:s10+s4], $0x80, v36, vm0, $0xb8;
	[tilespmem:$0x18400] =	vst v63  }
0x83: {  	s22 =	simm.s32 $0x4C00  }
0x84: {  	[tilespmem:s22], [sflag:$0x2] =	stream.indirect_vreg.gather [hbm4b:s0+s4], $0x80, v35, vm0, $0xb8;
	[tilespmem:$0x18400] =	vst v63  }
0x85: {  	s23 =	simm.s32 $0x5400  }
0x86: {  	[tilespmem:s23], [sflag:$0x2] =	stream.indirect_vreg.gather [hbm4b:s9+s4], $0x80, v35, vm0, $0xb8;
	[tilespmem:$0x18400] =	vst v63  }
0x87: {  	s24 =	simm.s32 $0x5C00  }
0x88: {  	[tilespmem:s24], [sflag:$0x2] =	stream.indirect_vreg.gather [hbm4b:s10+s4], $0x80, v35, vm0, $0xb8;
	[tilespmem:$0x18400] =	vst v63  }
0x89: {  	v35 =	vld [tilespmem:$0x210];
	_ =	sdelay $0x4  }
0x8a: {  	v59 =	vshrl.u32 v35, $0x3  }
0x8b: {  	v36 =	vmul.u32 $0x30, v59  }
0x8c: {  	v35 =	vand.u32 $0x7, v35  }
0x8d: {  	v35 =	vor.u32 v35, v36  }
0x8e: {  	v36 =	vperm.xlane v35, v32;
	_ =	sdelay $0x1  }
0x8f: {  	v36 =	vadd.s32 v33, v36;
	_ =	sdelay $0x3  }
0x90: {  	s25 =	simm.s32 $0xF400;
	v35 =	vperm.xlane v35, v34  }
0x91: {  	[tilespmem:s25], [sflag:$0x6] =	stream.indirect_vreg.gather [hbm4b:s6+s4], $0x80, v36, vm0, $0xb8;
	[tilespmem:$0x18400] =	vst v63  }
0x92: {  	s31 =	simm.s32 $0xFC00;
	v35 =	vadd.s32 v33, v35  }
0x93: {  	[tilespmem:s31], [sflag:$0x6] =	stream.indirect_vreg.gather [hbm4b:s11+s4], $0x80, v36, vm0, $0xb8;
	[tilespmem:$0x18400] =	vst v63  }
0x94: {  	s18 =	simm.s32 $0x10400  }
0x95: {  	[tilespmem:s18], [sflag:$0x6] =	stream.indirect_vreg.gather [hbm4b:s12+s4], $0x80, v36, vm0, $0xb8;
	[tilespmem:$0x18400] =	vst v63  }
0x96: {  	s19 =	simm.s32 $0x10C00  }
0x97: {  	[tilespmem:s19], [sflag:$0x6] =	stream.indirect_vreg.gather [hbm4b:s6+s4], $0x80, v35, vm0, $0xb8;
	[tilespmem:$0x18400] =	vst v63  }
0x98: {  	s20 =	simm.s32 $0x11400  }
0x99: {  	[tilespmem:s20], [sflag:$0x6] =	stream.indirect_vreg.gather [hbm4b:s11+s4], $0x80, v35, vm0, $0xb8;
	[tilespmem:$0x18400] =	vst v63  }
0x9a: {  	s21 =	simm.s32 $0x11C00  }
0x9b: {  	[tilespmem:s21], [sflag:$0x6] =	stream.indirect_vreg.gather [hbm4b:s12+s4], $0x80, v35, vm0, $0xb8;
	[tilespmem:$0x18400] =	vst v63  }
0x9c: {  	v35 =	vld [tilespmem:$0x20];
	_ =	sdelay $0x4  }
0x9d: {  	v60 =	vshrl.u32 v35, $0x3  }
0x9e: {  	v36 =	vmul.u32 $0x30, v60  }
0x9f: {  	v35 =	vand.u32 $0x7, v35  }
0xa0: {  	v35 =	vor.u32 v35, v36  }
0xa1: {  	v36 =	vperm.xlane v35, v32;
	_ =	sdelay $0x1  }
0xa2: {  	v36 =	vadd.s32 v33, v36;
	_ =	sdelay $0x3  }
0xa3: {  	v35 =	vperm.xlane v35, v34  }
0xa4: {  	[tilespmem:s28], [sflag:$0x3] =	stream.indirect_vreg.gather [hbm4b:s0+s4], $0x80, v36, vm0, $0xb8;
	[tilespmem:$0x18400] =	vst v63  }
0xa5: {  	s22 =	simm.s32 $0x6C00;
	v35 =	vadd.s32 v33, v35  }
0xa6: {  	[tilespmem:s22], [sflag:$0x3] =	stream.indirect_vreg.gather [hbm4b:s9+s4], $0x80, v36, vm0, $0xb8;
	[tilespmem:$0x18400] =	vst v63  }
0xa7: {  	s23 =	simm.s32 $0x7400  }
0xa8: {  	[tilespmem:s23], [sflag:$0x3] =	stream.indirect_vreg.gather [hbm4b:s10+s4], $0x80, v36, vm0, $0xb8;
	[tilespmem:$0x18400] =	vst v63  }
0xa9: {  	s24 =	simm.s32 $0x7C00  }
0xaa: {  	[tilespmem:s24], [sflag:$0x3] =	stream.indirect_vreg.gather [hbm4b:s0+s4], $0x80, v35, vm0, $0xb8;
	[tilespmem:$0x18400] =	vst v63  }
0xab: {  	s25 =	simm.s32 $0x8400  }
0xac: {  	[tilespmem:s25], [sflag:$0x3] =	stream.indirect_vreg.gather [hbm4b:s9+s4], $0x80, v35, vm0, $0xb8;
	[tilespmem:$0x18400] =	vst v63  }
0xad: {  	s31 =	simm.s32 $0x8C00  }
0xae: {  	[tilespmem:s31], [sflag:$0x3] =	stream.indirect_vreg.gather [hbm4b:s10+s4], $0x80, v35, vm0, $0xb8;
	[tilespmem:$0x18400] =	vst v63  }
0xaf: {  	v35 =	vld [tilespmem:$0x220];
	_ =	sdelay $0x4  }
0xb0: {  	v61 =	vshrl.u32 v35, $0x3  }
0xb1: {  	v36 =	vmul.u32 $0x30, v61  }
0xb2: {  	v35 =	vand.u32 $0x7, v35  }
0xb3: {  	v35 =	vor.u32 v35, v36  }
0xb4: {  	v36 =	vperm.xlane v35, v32;
	_ =	sdelay $0x1  }
0xb5: {  	v36 =	vadd.s32 v33, v36;
	_ =	sdelay $0x3  }
0xb6: {  	s18 =	simm.s32 $0x12400;
	v35 =	vperm.xlane v35, v34  }
0xb7: {  	[tilespmem:s18], [sflag:$0x7] =	stream.indirect_vreg.gather [hbm4b:s6+s4], $0x80, v36, vm0, $0xb8;
	[tilespmem:$0x18400] =	vst v63  }
0xb8: {  	s19 =	simm.s32 $0x12C00;
	v35 =	vadd.s32 v33, v35  }
0xb9: {  	[tilespmem:s19], [sflag:$0x7] =	stream.indirect_vreg.gather [hbm4b:s11+s4], $0x80, v36, vm0, $0xb8;
	[tilespmem:$0x18400] =	vst v63  }
0xba: {  	s20 =	simm.s32 $0x13400  }
0xbb: {  	[tilespmem:s20], [sflag:$0x7] =	stream.indirect_vreg.gather [hbm4b:s12+s4], $0x80, v36, vm0, $0xb8;
	[tilespmem:$0x18400] =	vst v63  }
0xbc: {  	s21 =	simm.s32 $0x13C00  }
0xbd: {  	[tilespmem:s21], [sflag:$0x7] =	stream.indirect_vreg.gather [hbm4b:s6+s4], $0x80, v35, vm0, $0xb8;
	[tilespmem:$0x18400] =	vst v63  }
0xbe: {  	s22 =	simm.s32 $0x14400  }
0xbf: {  	[tilespmem:s22], [sflag:$0x7] =	stream.indirect_vreg.gather [hbm4b:s11+s4], $0x80, v35, vm0, $0xb8;
	[tilespmem:$0x18400] =	vst v63  }
0xc0: {  	s23 =	simm.s32 $0x14C00  }
0xc1: {  	[tilespmem:s23], [sflag:$0x7] =	stream.indirect_vreg.gather [hbm4b:s12+s4], $0x80, v35, vm0, $0xb8;
	[tilespmem:$0x18400] =	vst v63  }
0xc2: {  	v35 =	vld [tilespmem:$0x30];
	_ =	sdelay $0x4  }
0xc3: {  	v62 =	vshrl.u32 v35, $0x3  }
0xc4: {  	v36 =	vmul.u32 $0x30, v62  }
0xc5: {  	v35 =	vand.u32 $0x7, v35  }
0xc6: {  	v35 =	vor.u32 v35, v36  }
0xc7: {  	v36 =	vperm.xlane v35, v32;
	_ =	sdelay $0x1  }
0xc8: {  	v36 =	vadd.s32 v33, v36;
	_ =	sdelay $0x3  }
0xc9: {  	s24 =	simm.s32 $0x9400;
	v35 =	vperm.xlane v35, v34  }
0xca: {  	[tilespmem:s24], [sflag:$0x4] =	stream.indirect_vreg.gather [hbm4b:s0+s4], $0x80, v36, vm0, $0xb8;
	[tilespmem:$0x18400] =	vst v63  }
0xcb: {  	s25 =	simm.s32 $0x9C00;
	v35 =	vadd.s32 v33, v35  }
0xcc: {  	[tilespmem:s25], [sflag:$0x4] =	stream.indirect_vreg.gather [hbm4b:s9+s4], $0x80, v36, vm0, $0xb8;
	[tilespmem:$0x18400] =	vst v63  }
0xcd: {  	s31 =	simm.s32 $0xA400  }
0xce: {  	[tilespmem:s31], [sflag:$0x4] =	stream.indirect_vreg.gather [hbm4b:s10+s4], $0x80, v36, vm0, $0xb8;
	[tilespmem:$0x18400] =	vst v63  }
0xcf: {  	s18 =	simm.s32 $0xAC00  }
0xd0: {  	[tilespmem:s18], [sflag:$0x4] =	stream.indirect_vreg.gather [hbm4b:s0+s4], $0x80, v35, vm0, $0xb8;
	[tilespmem:$0x18400] =	vst v63  }
0xd1: {  	s19 =	simm.s32 $0xB400  }
0xd2: {  	[tilespmem:s19], [sflag:$0x4] =	stream.indirect_vreg.gather [hbm4b:s9+s4], $0x80, v35, vm0, $0xb8;
	[tilespmem:$0x18400] =	vst v63  }
0xd3: {  	s20 =	simm.s32 $0xBC00  }
0xd4: {  	[tilespmem:s20], [sflag:$0x4] =	stream.indirect_vreg.gather [hbm4b:s10+s4], $0x80, v35, vm0, $0xb8;
	[tilespmem:$0x18400] =	vst v63  }
0xd5: {  	v35 =	vld [tilespmem:$0x230];
	_ =	sdelay $0x4  }
0xd6: {  	v63 =	vshrl.u32 v35, $0x3  }
0xd7: {  	v36 =	vmul.u32 $0x30, v63  }
0xd8: {  	v35 =	vand.u32 $0x7, v35  }
0xd9: {  	v35 =	vor.u32 v35, v36  }
0xda: {  	v36 =	vperm.xlane v35, v32;
	_ =	sdelay $0x1  }
0xdb: {  	v36 =	vadd.s32 v33, v36;
	_ =	sdelay $0x3  }
0xdc: {  	s21 =	simm.s32 $0x15400;
	v35 =	vperm.xlane v35, v34  }
0xdd: {  	[tilespmem:s21], [sflag:$0x8] =	stream.indirect_vreg.gather [hbm4b:s6+s4], $0x80, v36, vm0, $0xb8;
	[tilespmem:$0x18400] =	vst v63  }
0xde: {  	s22 =	simm.s32 $0x15C00;
	v35 =	vadd.s32 v33, v35  }
0xdf: {  	[tilespmem:s22], [sflag:$0x8] =	stream.indirect_vreg.gather [hbm4b:s11+s4], $0x80, v36, vm0, $0xb8;
	[tilespmem:$0x18400] =	vst v63  }
0xe0: {  	s23 =	simm.s32 $0x16400  }
0xe1: {  	[tilespmem:s23], [sflag:$0x8] =	stream.indirect_vreg.gather [hbm4b:s12+s4], $0x80, v36, vm0, $0xb8;
	[tilespmem:$0x18400] =	vst v63  }
0xe2: {  	s24 =	simm.s32 $0x16C00  }
0xe3: {  	[tilespmem:s24], [sflag:$0x8] =	stream.indirect_vreg.gather [hbm4b:s6+s4], $0x80, v35, vm0, $0xb8;
	[tilespmem:$0x18400] =	vst v63  }
0xe4: {  	s25 =	simm.s32 $0x17400  }
0xe5: {  	[tilespmem:s25], [sflag:$0x8] =	stream.indirect_vreg.gather [hbm4b:s11+s4], $0x80, v35, vm0, $0xb8;
	[tilespmem:$0x18400] =	vst v63  }
0xe6: {  	s1 =	simm.s32 $0x0;
	s31 =	simm.s32 $0x17C00  }
0xe7: {  	[tilespmem:s31], [sflag:$0x8] =	stream.indirect_vreg.gather [hbm4b:s12+s4], $0x80, v35, vm0, $0xb8;
	[tilespmem:$0x18400] =	vst v63  }
.LBB2_2:
0xe8: {  	_ =	swait.ge [sflag:s26], $0x3000  }
0xe9: {  	[sflag:s26] =	ssyncset.done $0x0  }
0xea: {  	[sflag:s26] =	ssyncadd.s32 $0xFFFFD000  }
0xeb: {  	s18 =	simm.s32 $0x0;
	_ =	swait.ge [sflag:s15], $0x3000  }
0xec: {  	s19 =	sand.u32 $0x70, s18;
	s20 =	sand.u32 $0x1C00, s18;
	[sflag:s15] =	ssyncset.done $0x0  }
0xed: {  	s19 =	sor.u32 s19, s20;
	[sflag:s15] =	ssyncadd.s32 $0xFFFFD000  }
0xee: {  	v35 =	vld [tilespmem:s19+$0xC400]  }
0xef: {  	v36 =	vld [tilespmem:s19+$0xC480];
	_ =	sdelay $0x3  }
0xf0: {  	[tilespmem:s19+$0x400] =	vst.add.f32.msk $0xffff, v35  }
0xf1: {  	[tilespmem:s19+$0x480] =	vst.add.f32.msk $0xffff, v36  }
0xf2: {  	v35 =	vld [tilespmem:s19+$0xC500]  }
0xf3: {  	v36 =	vld [tilespmem:s19+$0xC580]  }
0xf4: {  	s21 =	simm.s32 $0x10;
	s20 =	simm.s32 $0x0;
	v37 =	vld [tilespmem:s19+$0xC600]  }
.LBB2_3:
0xf5: {  	p0 =	sne.s32 s21, $0x2F0;
	v38 =	vld [tilespmem:s19+$0xC680]  }
0xf6: {  	v39 =	vld [tilespmem:s19+$0xC700]  }
0xf7: {  	[tilespmem:s19+$0x500] =	vst.add.f32.msk $0xffff, v35  }
0xf8: {  	[tilespmem:s19+$0x580] =	vst.add.f32.msk $0xffff, v36  }
0xf9: {  	[tilespmem:s19+$0x600] =	vst.add.f32.msk $0xffff, v37  }
0xfa: {  	s22 =	sor.u32 s20, s18;
	s18 =	smov.u32 s21;
	[tilespmem:s19+$0x680] =	vst.add.f32.msk $0xffff, v38  }
0xfb: {  	s22 =	sor.u32 $0x380, s22;
	[tilespmem:s19+$0x700] =	vst.add.f32.msk $0xffff, v39  }
0xfc: {  	v35 =	vld [tilespmem:s22+$0xC400];
	_ =	sdelay $0x4  }
0xfd: {  	[tilespmem:s22+$0x400] =	vst.add.f32.msk $0xffff, v35  }
0xfe: {  	v35 =	vld [tilespmem:s19+$0xDC00]  }
0xff: {  	v36 =	vld [tilespmem:s19+$0xDC80]  }
0x100: {  	v37 =	vld [tilespmem:s19+$0xDD00]  }
0x101: {  	v38 =	vld [tilespmem:s19+$0xDD80]  }
0x102: {  	v39 =	vld [tilespmem:s19+$0xDE00]  }
0x103: {  	[tilespmem:s19+$0x1C00] =	vst.add.f32.msk $0xffff, v35  }
0x104: {  	[tilespmem:s19+$0x1C80] =	vst.add.f32.msk $0xffff, v36  }
0x105: {  	[tilespmem:s19+$0x1D00] =	vst.add.f32.msk $0xffff, v37  }
0x106: {  	[tilespmem:s19+$0x1D80] =	vst.add.f32.msk $0xffff, v38  }
0x107: {  	[tilespmem:s19+$0x1E00] =	vst.add.f32.msk $0xffff, v39  }
0x108: {  	s20 =	sadd.s32 $0x80, s20;
	v35 =	vld [tilespmem:s19+$0xDE80]  }
0x109: {  	s23 =	sand.u32 $0x1C00, s20;
	s22 =	sand.u32 $0x70, s21;
	v36 =	vld [tilespmem:s19+$0xDF00]  }
0x10a: {  	s22 =	sor.u32 s22, s23;
	v37 =	vld [tilespmem:s19+$0xDF80]  }
0x10b: {  	v38 =	vld [tilespmem:s22+$0xC400]  }
0x10c: {  	v39 =	vld [tilespmem:s22+$0xC480]  }
0x10d: {  	[tilespmem:s19+$0x1E80] =	vst.add.f32.msk $0xffff, v35  }
0x10e: {  	[tilespmem:s19+$0x1F00] =	vst.add.f32.msk $0xffff, v36  }
0x10f: {  	[tilespmem:s19+$0x1F80] =	vst.add.f32.msk $0xffff, v37;
	s19 =	smov.u32 s22  }
.Ltmp2:
0x110: {  	[tilespmem:s19+$0x400] =	vst.add.f32.msk $0xffff, v38;
	(pc) =	sbr.rel @p0 .LBB2_3-.Ltmp2, $4  }
0x111: {  	[tilespmem:s19+$0x480] =	vst.add.f32.msk $0xffff, v39  }
0x112: {  	v35 =	vld [tilespmem:s19+$0xC500]  }
0x113: {  	v36 =	vld [tilespmem:s19+$0xC580]  }
0x114: {  	s21 =	sadd.s32 $0x10, s21;
	v37 =	vld [tilespmem:s19+$0xC600]  }
0x115: {  	v38 =	vld [tilespmem:s19+$0xC680]  }
0x116: {  	v39 =	vld [tilespmem:s19+$0xC700]  }
0x117: {  	[tilespmem:s19+$0x500] =	vst.add.f32.msk $0xffff, v35  }
0x118: {  	[tilespmem:s19+$0x580] =	vst.add.f32.msk $0xffff, v36  }
0x119: {  	[tilespmem:s19+$0x600] =	vst.add.f32.msk $0xffff, v37  }
0x11a: {  	s18 =	sor.u32 s20, s18;
	[tilespmem:s19+$0x680] =	vst.add.f32.msk $0xffff, v38  }
0x11b: {  	s18 =	sor.u32 $0x380, s18;
	[tilespmem:s19+$0x700] =	vst.add.f32.msk $0xffff, v39  }
0x11c: {  	v35 =	vld [tilespmem:s18+$0xC400];
	_ =	sdelay $0x4  }
0x11d: {  	[tilespmem:s18+$0x400] =	vst.add.f32.msk $0xffff, v35  }
0x11e: {  	v35 =	vld [tilespmem:s19+$0xDC00]  }
0x11f: {  	v52 =	vld [tilespmem:s19+$0xDC80]  }
0x120: {  	v53 =	vld [tilespmem:s19+$0xDD00]  }
0x121: {  	v54 =	vld [tilespmem:s19+$0xDD80]  }
0x122: {  	v55 =	vld [tilespmem:s19+$0xDE00]  }
0x123: {  	v56 =	vld [tilespmem:s19+$0xDE80]  }
0x124: {  	v57 =	vld [tilespmem:s19+$0xDF00]  }
0x125: {  	v58 =	vld [tilespmem:s19+$0xDF80]  }
0x126: {  	[tilespmem:s19+$0x1C00] =	vst.add.f32.msk $0xffff, v35  }
0x127: {  	[tilespmem:s19+$0x1C80] =	vst.add.f32.msk $0xffff, v52  }
0x128: {  	s18 =	sshll.u32 s1, $0x6;
	[tilespmem:s19+$0x1D00] =	vst.add.f32.msk $0xffff, v53  }
0x129: {  	s21 =	sor.u32 s5, s18;
	[tilespmem:s19+$0x1D80] =	vst.add.f32.msk $0xffff, v54  }
0x12a: {  	s20 =	sshrl.u32 s21, $0x3;
	[tilespmem:s19+$0x1E00] =	vst.add.f32.msk $0xffff, v55  }
0x12b: {  	s20 =	smul.u32 $0x300, s20;
	[tilespmem:s19+$0x1E80] =	vst.add.f32.msk $0xffff, v56  }
0x12c: {  	p0 =	seq.s32 s1, $0x0;
	[tilespmem:s19+$0x1F00] =	vst.add.f32.msk $0xffff, v57  }
0x12d: {  	s21 =	simm.s32 @!p0 $0xC;
	s22 =	sadd.s32 s3, s20;
	[tilespmem:s19+$0x1F80] =	vst.add.f32.msk $0xffff, v58  }
0x12e: {  	[hbm4b:s22+s4] =	stream.linear.scatter [tilespmem:s16], [sflag:$0x9], $0x3000, $0x38;
	[tilespmem:$0x18400] =	vst v63  }
0x12f: {  	_ =	swait.ge @!p0 [sflag:s21], $0x3000  }
0x130: {  	s19 =	sshllo.u32 s1, $0x2;
	[sflag:s21] =	ssyncset.done @!p0 $0x0  }
0x131: {  	[sflag:s21] =	ssyncadd.s32 @!p0 $0xFFFFD000;
	s21 =	sshll.u32 @!p0 s19, $0x4  }
0x132: {  	v35 =	vld @!p0 [tilespmem:s21+$0x0];
	_ =	sdelay $0x4  }
0x133: {  	v36 =	vshrl.u32 @!p0 v35, $0x3  }
0x134: {  	v36 =	vmul.u32 @!p0 $0x30, v36  }
0x135: {  	v37 =	vlaneseq.u32 @!p0;
	v35 =	vand.u32 @!p0 $0x7, v35  }
0x136: {  	v38 =	vshrl.u32 @!p0 v37, $0x3;
	v35 =	vor.u32 @!p0 v35, v36;
	v36 =	vand.u32 @!p0 $0x7, v37  }
0x137: {  	v38 =	vmul.u32 @!p0 $0x8, v38;
	v39 =	vperm.xlane @!p0 v35, v36;
	_ =	sdelay $0x1  }
0x138: {  	v39 =	vadd.s32 @!p0 v38, v39;
	_ =	sdelay $0x2  }
0x139: {  	v37 =	vor.u32 @!p0 $0x8, v37  }
0x13a: {  	vm1 =	vmmov @!p0 $0xffff;
	s23 =	simm.s32 @!p0 $0x9400;
	s22 =	simm.s32 @!p0 $0x0;
	v35 =	vperm.xlane @!p0 v35, v37  }
0x13b: {  	[tilespmem:s23], [sflag:$0x4] =	stream.indirect_vreg.gather @!p0 [hbm4b:s0+s22], $0x80, v39, vm1, $0xb8;
	[tilespmem:$0x18400] =	vst v63  }
0x13c: {  	v35 =	vadd.s32 @!p0 v38, v35;
	s23 =	simm.s32 @!p0 $0x9C00  }
0x13d: {  	[tilespmem:s23], [sflag:$0x4] =	stream.indirect_vreg.gather @!p0 [hbm4b:s9+s22], $0x80, v39, vm1, $0xb8;
	[tilespmem:$0x18400] =	vst v63  }
0x13e: {  	s23 =	simm.s32 @!p0 $0xA400  }
0x13f: {  	[tilespmem:s23], [sflag:$0x4] =	stream.indirect_vreg.gather @!p0 [hbm4b:s10+s22], $0x80, v39, vm1, $0xb8;
	[tilespmem:$0x18400] =	vst v63  }
0x140: {  	s23 =	simm.s32 @!p0 $0xAC00  }
0x141: {  	[tilespmem:s23], [sflag:$0x4] =	stream.indirect_vreg.gather @!p0 [hbm4b:s0+s22], $0x80, v35, vm1, $0xb8;
	[tilespmem:$0x18400] =	vst v63  }
0x142: {  	s23 =	simm.s32 @!p0 $0xB400  }
0x143: {  	[tilespmem:s23], [sflag:$0x4] =	stream.indirect_vreg.gather @!p0 [hbm4b:s9+s22], $0x80, v35, vm1, $0xb8;
	[tilespmem:$0x18400] =	vst v63  }
0x144: {  	s23 =	simm.s32 @!p0 $0xBC00  }
0x145: {  	[tilespmem:s23], [sflag:$0x4] =	stream.indirect_vreg.gather @!p0 [hbm4b:s10+s22], $0x80, v35, vm1, $0xb8;
	[tilespmem:$0x18400] =	vst v63  }
0x146: {  	v35 =	vld @!p0 [tilespmem:s21+$0x200];
	_ =	sdelay $0x4  }
0x147: {  	v39 =	vshrl.u32 @!p0 v35, $0x3  }
0x148: {  	v39 =	vmul.u32 @!p0 $0x30, v39  }
0x149: {  	v35 =	vand.u32 @!p0 $0x7, v35  }
0x14a: {  	v35 =	vor.u32 @!p0 v35, v39  }
0x14b: {  	v36 =	vperm.xlane @!p0 v35, v36;
	_ =	sdelay $0x1  }
0x14c: {  	v36 =	vadd.s32 @!p0 v38, v36;
	_ =	sdelay $0x3  }
0x14d: {  	s21 =	simm.s32 @!p0 $0x15400;
	v35 =	vperm.xlane @!p0 v35, v37  }
0x14e: {  	[tilespmem:s21], [sflag:$0x8] =	stream.indirect_vreg.gather @!p0 [hbm4b:s6+s22], $0x80, v36, vm1, $0xb8;
	[tilespmem:$0x18400] =	vst v63  }
0x14f: {  	v35 =	vadd.s32 @!p0 v38, v35;
	s21 =	simm.s32 @!p0 $0x15C00  }
0x150: {  	[tilespmem:s21], [sflag:$0x8] =	stream.indirect_vreg.gather @!p0 [hbm4b:s11+s22], $0x80, v36, vm1, $0xb8;
	[tilespmem:$0x18400] =	vst v63  }
0x151: {  	s21 =	simm.s32 @!p0 $0x16400  }
0x152: {  	[tilespmem:s21], [sflag:$0x8] =	stream.indirect_vreg.gather @!p0 [hbm4b:s12+s22], $0x80, v36, vm1, $0xb8;
	[tilespmem:$0x18400] =	vst v63  }
0x153: {  	s21 =	simm.s32 @!p0 $0x16C00  }
0x154: {  	[tilespmem:s21], [sflag:$0x8] =	stream.indirect_vreg.gather @!p0 [hbm4b:s6+s22], $0x80, v35, vm1, $0xb8;
	[tilespmem:$0x18400] =	vst v63  }
0x155: {  	s21 =	simm.s32 @!p0 $0x17400  }
0x156: {  	[tilespmem:s21], [sflag:$0x8] =	stream.indirect_vreg.gather @!p0 [hbm4b:s11+s22], $0x80, v35, vm1, $0xb8;
	[tilespmem:$0x18400] =	vst v63  }
0x157: {  	s21 =	simm.s32 @!p0 $0x17C00  }
0x158: {  	[tilespmem:s21], [sflag:$0x8] =	stream.indirect_vreg.gather @!p0 [hbm4b:s12+s22], $0x80, v35, vm1, $0xb8;
	[tilespmem:$0x18400] =	vst v63  }
0x159: {  	_ =	swait.ge [sflag:s7], $0x3000  }
0x15a: {  	[sflag:s7] =	ssyncset.done $0x0  }
0x15b: {  	[sflag:s7] =	ssyncadd.s32 $0xFFFFD000  }
0x15c: {  	s23 =	simm.s32 $0x0;
	_ =	swait.ge [sflag:s8], $0x3000  }
0x15d: {  	s24 =	sand.u32 $0x70, s23;
	s21 =	sand.u32 $0x1C00, s23;
	[sflag:s8] =	ssyncset.done $0x0  }
0x15e: {  	s21 =	sor.u32 s24, s21;
	[sflag:s8] =	ssyncadd.s32 $0xFFFFD000  }
0x15f: {  	v59 =	vld [tilespmem:s21+$0x10F80]  }
0x160: {  	v60 =	vld [tilespmem:s21+$0xF400]  }
0x161: {  	v61 =	vld [tilespmem:s21+$0xF480]  }
0x162: {  	v62 =	vld [tilespmem:s21+$0xF500]  }
0x163: {  	v63 =	vld [tilespmem:s21+$0xF580]  }
0x164: {  	v40 =	vld [tilespmem:s21+$0xF600]  }
0x165: {  	v41 =	vld [tilespmem:s21+$0xF680]  }
0x166: {  	v42 =	vld [tilespmem:s21+$0xF700]  }
0x167: {  	v43 =	vld [tilespmem:s21+$0xF780]  }
0x168: {  	v44 =	vld [tilespmem:s21+$0x10C00]  }
0x169: {  	v45 =	vld [tilespmem:s21+$0x10C80]  }
0x16a: {  	v46 =	vld [tilespmem:s21+$0x10D00]  }
0x16b: {  	v47 =	vld [tilespmem:s21+$0x10D80]  }
0x16c: {  	v48 =	vld [tilespmem:s21+$0x10E00]  }
0x16d: {  	v49 =	vld [tilespmem:s21+$0x10E80]  }
0x16e: {  	v35 =	vld [tilespmem:s21+$0x10F00]  }
0x16f: {  	[tilespmem:s21+$0x4F80] =	vst.add.f32.msk $0xffff, v59  }
0x170: {  	[tilespmem:s21+$0x3400] =	vst.add.f32.msk $0xffff, v60  }
0x171: {  	[tilespmem:s21+$0x3480] =	vst.add.f32.msk $0xffff, v61  }
0x172: {  	[tilespmem:s21+$0x3500] =	vst.add.f32.msk $0xffff, v62  }
0x173: {  	[tilespmem:s21+$0x3580] =	vst.add.f32.msk $0xffff, v63  }
0x174: {  	[tilespmem:s21+$0x3600] =	vst.add.f32.msk $0xffff, v40  }
0x175: {  	[tilespmem:s21+$0x3680] =	vst.add.f32.msk $0xffff, v41  }
0x176: {  	[tilespmem:s21+$0x3700] =	vst.add.f32.msk $0xffff, v42  }
0x177: {  	[tilespmem:s21+$0x3780] =	vst.add.f32.msk $0xffff, v43  }
0x178: {  	[tilespmem:s21+$0x4C00] =	vst.add.f32.msk $0xffff, v44  }
0x179: {  	[tilespmem:s21+$0x4C80] =	vst.add.f32.msk $0xffff, v45  }
0x17a: {  	[tilespmem:s21+$0x4D00] =	vst.add.f32.msk $0xffff, v46  }
0x17b: {  	[tilespmem:s21+$0x4D80] =	vst.add.f32.msk $0xffff, v47  }
0x17c: {  	s25 =	simm.s32 $0x10;
	s22 =	simm.s32 $0x80;
	[tilespmem:s21+$0x4E00] =	vst.add.f32.msk $0xffff, v48  }
0x17d: {  	s31 =	sand.u32 $0x70, s25;
	s23 =	simm.s32 $0x20;
	s24 =	sand.u32 $0x1C00, s22;
	[tilespmem:s21+$0x4E80] =	vst.add.f32.msk $0xffff, v49  }
.LBB2_5:
0x17e: {  	p0 =	sne.s32 s23, $0x2F0;
	[tilespmem:s21+$0x4F00] =	vst.add.f32.msk $0xffff, v35;
	s21 =	sor.u32 s31, s24  }
0x17f: {  	v35 =	vld [tilespmem:s21+$0x10F80]  }
0x180: {  	v36 =	vld [tilespmem:s21+$0xF400]  }
0x181: {  	v37 =	vld [tilespmem:s21+$0xF480]  }
0x182: {  	v38 =	vld [tilespmem:s21+$0xF500]  }
0x183: {  	v39 =	vld [tilespmem:s21+$0xF580]  }
0x184: {  	[tilespmem:s21+$0x4F80] =	vst.add.f32.msk $0xffff, v35  }
0x185: {  	v40 =	vld [tilespmem:s21+$0xF600]  }
0x186: {  	v41 =	vld [tilespmem:s21+$0xF680]  }
0x187: {  	v42 =	vld [tilespmem:s21+$0xF700]  }
0x188: {  	v43 =	vld [tilespmem:s21+$0xF780]  }
0x189: {  	v44 =	vld [tilespmem:s21+$0x10C00]  }
0x18a: {  	v45 =	vld [tilespmem:s21+$0x10C80]  }
0x18b: {  	v46 =	vld [tilespmem:s21+$0x10D00]  }
0x18c: {  	v47 =	vld [tilespmem:s21+$0x10D80]  }
0x18d: {  	v48 =	vld [tilespmem:s21+$0x10E00]  }
0x18e: {  	v49 =	vld [tilespmem:s21+$0x10E80]  }
0x18f: {  	v35 =	vld [tilespmem:s21+$0x10F00]  }
0x190: {  	[tilespmem:s21+$0x3400] =	vst.add.f32.msk $0xffff, v36  }
0x191: {  	[tilespmem:s21+$0x3480] =	vst.add.f32.msk $0xffff, v37  }
0x192: {  	[tilespmem:s21+$0x3500] =	vst.add.f32.msk $0xffff, v38  }
0x193: {  	[tilespmem:s21+$0x3580] =	vst.add.f32.msk $0xffff, v39  }
0x194: {  	[tilespmem:s21+$0x3600] =	vst.add.f32.msk $0xffff, v40  }
0x195: {  	[tilespmem:s21+$0x3680] =	vst.add.f32.msk $0xffff, v41  }
0x196: {  	[tilespmem:s21+$0x3700] =	vst.add.f32.msk $0xffff, v42  }
0x197: {  	[tilespmem:s21+$0x3780] =	vst.add.f32.msk $0xffff, v43  }
0x198: {  	[tilespmem:s21+$0x4C00] =	vst.add.f32.msk $0xffff, v44  }
.Ltmp3:
0x199: {  	[tilespmem:s21+$0x4C80] =	vst.add.f32.msk $0xffff, v45;
	(pc) =	sbr.rel @p0 .LBB2_5-.Ltmp3, $4  }
0x19a: {  	[tilespmem:s21+$0x4D00] =	vst.add.f32.msk $0xffff, v46  }
0x19b: {  	[tilespmem:s21+$0x4D80] =	vst.add.f32.msk $0xffff, v47  }
0x19c: {  	s22 =	sadd.s32 $0x80, s22;
	[tilespmem:s21+$0x4E00] =	vst.add.f32.msk $0xffff, v48  }
0x19d: {  	s31 =	sand.u32 $0x70, s23;
	s23 =	sadd.s32 $0x10, s23;
	s24 =	sand.u32 $0x1C00, s22;
	[tilespmem:s21+$0x4E80] =	vst.add.f32.msk $0xffff, v49  }
0x19e: {  	s22 =	sor.u32 s31, s24;
	[tilespmem:s21+$0x4F00] =	vst.add.f32.msk $0xffff, v35  }
0x19f: {  	v35 =	vld [tilespmem:s22+$0x10F80]  }
0x1a0: {  	v36 =	vld [tilespmem:s22+$0xF400]  }
0x1a1: {  	v37 =	vld [tilespmem:s22+$0xF480]  }
0x1a2: {  	v38 =	vld [tilespmem:s22+$0xF500]  }
0x1a3: {  	v39 =	vld [tilespmem:s22+$0xF580]  }
0x1a4: {  	v61 =	vld [tilespmem:s22+$0xF600]  }
0x1a5: {  	v40 =	vld [tilespmem:s22+$0xF680]  }
0x1a6: {  	v41 =	vld [tilespmem:s22+$0xF700]  }
0x1a7: {  	v42 =	vld [tilespmem:s22+$0xF780]  }
0x1a8: {  	v43 =	vld [tilespmem:s22+$0x10C00]  }
0x1a9: {  	v44 =	vld [tilespmem:s22+$0x10C80]  }
0x1aa: {  	v45 =	vld [tilespmem:s22+$0x10D00]  }
0x1ab: {  	v46 =	vld [tilespmem:s22+$0x10D80]  }
0x1ac: {  	v47 =	vld [tilespmem:s22+$0x10E00]  }
0x1ad: {  	v48 =	vld [tilespmem:s22+$0x10E80]  }
0x1ae: {  	v49 =	vld [tilespmem:s22+$0x10F00]  }
0x1af: {  	[tilespmem:s22+$0x4F80] =	vst.add.f32.msk $0xffff, v35  }
0x1b0: {  	[tilespmem:s22+$0x3400] =	vst.add.f32.msk $0xffff, v36  }
0x1b1: {  	[tilespmem:s22+$0x3480] =	vst.add.f32.msk $0xffff, v37  }
0x1b2: {  	[tilespmem:s22+$0x3500] =	vst.add.f32.msk $0xffff, v38  }
0x1b3: {  	[tilespmem:s22+$0x3580] =	vst.add.f32.msk $0xffff, v39  }
0x1b4: {  	[tilespmem:s22+$0x3600] =	vst.add.f32.msk $0xffff, v61  }
0x1b5: {  	[tilespmem:s22+$0x3680] =	vst.add.f32.msk $0xffff, v40  }
0x1b6: {  	[tilespmem:s22+$0x3700] =	vst.add.f32.msk $0xffff, v41  }
0x1b7: {  	[tilespmem:s22+$0x3780] =	vst.add.f32.msk $0xffff, v42  }
0x1b8: {  	[tilespmem:s22+$0x4C00] =	vst.add.f32.msk $0xffff, v43  }
0x1b9: {  	[tilespmem:s22+$0x4C80] =	vst.add.f32.msk $0xffff, v44  }
0x1ba: {  	[tilespmem:s22+$0x4D00] =	vst.add.f32.msk $0xffff, v45  }
0x1bb: {  	[tilespmem:s22+$0x4D80] =	vst.add.f32.msk $0xffff, v46  }
0x1bc: {  	[tilespmem:s22+$0x4E00] =	vst.add.f32.msk $0xffff, v47  }
0x1bd: {  	s23 =	sadd.s32 s20, s3;
	[tilespmem:s22+$0x4E80] =	vst.add.f32.msk $0xffff, v48  }
0x1be: {  	s24 =	simm.s32 $0x3400;
	p0 =	seq.s32 s1, $0x7;
	s21 =	sadd.s32 $0x600, s23;
	[tilespmem:s22+$0x4F00] =	vst.add.f32.msk $0xffff, v49  }
0x1bf: {  	[hbm4b:s21+s4] =	stream.linear.scatter [tilespmem:s24], [sflag:$0xA], $0x3000, $0x38;
	[tilespmem:$0x18400] =	vst v63  }
0x1c0: {  	s21 =	simm.s32 @!p0 $0x9  }
0x1c1: {  	_ =	swait.ge @!p0 [sflag:s21], $0x3000  }
0x1c2: {  	[sflag:s21] =	ssyncset.done @!p0 $0x0  }
0x1c3: {  	[sflag:s21] =	ssyncadd.s32 @!p0 $0xFFFFD000  }
0x1c4: {  	v35 =	vld @!p0 [tilespmem:s18+$0x40];
	_ =	sdelay $0x4  }
0x1c5: {  	v36 =	vshrl.u32 @!p0 v35, $0x3  }
0x1c6: {  	v36 =	vmul.u32 @!p0 $0x30, v36  }
0x1c7: {  	v37 =	vlaneseq.u32 @!p0;
	v35 =	vand.u32 @!p0 $0x7, v35  }
0x1c8: {  	v38 =	vshrl.u32 @!p0 v37, $0x3;
	v35 =	vor.u32 @!p0 v35, v36;
	v36 =	vand.u32 @!p0 $0x7, v37  }
0x1c9: {  	v38 =	vmul.u32 @!p0 $0x8, v38;
	v39 =	vperm.xlane @!p0 v35, v36;
	_ =	sdelay $0x1  }
0x1ca: {  	v39 =	vadd.s32 @!p0 v38, v39;
	_ =	sdelay $0x2  }
0x1cb: {  	v37 =	vor.u32 @!p0 $0x8, v37  }
0x1cc: {  	vm1 =	vmmov @!p0 $0xffff;
	s22 =	simm.s32 @!p0 $0x400;
	s21 =	simm.s32 @!p0 $0x0;
	v35 =	vperm.xlane @!p0 v35, v37  }
0x1cd: {  	[tilespmem:s22], [sflag:$0x1] =	stream.indirect_vreg.gather @!p0 [hbm4b:s0+s21], $0x80, v39, vm1, $0xb8;
	[tilespmem:$0x18400] =	vst v63  }
0x1ce: {  	v35 =	vadd.s32 @!p0 v38, v35;
	s22 =	simm.s32 @!p0 $0xC00  }
0x1cf: {  	[tilespmem:s22], [sflag:$0x1] =	stream.indirect_vreg.gather @!p0 [hbm4b:s9+s21], $0x80, v39, vm1, $0xb8;
	[tilespmem:$0x18400] =	vst v63  }
0x1d0: {  	s22 =	simm.s32 @!p0 $0x1400  }
0x1d1: {  	[tilespmem:s22], [sflag:$0x1] =	stream.indirect_vreg.gather @!p0 [hbm4b:s10+s21], $0x80, v39, vm1, $0xb8;
	[tilespmem:$0x18400] =	vst v63  }
0x1d2: {  	s22 =	simm.s32 @!p0 $0x1C00  }
0x1d3: {  	[tilespmem:s22], [sflag:$0x1] =	stream.indirect_vreg.gather @!p0 [hbm4b:s0+s21], $0x80, v35, vm1, $0xb8;
	[tilespmem:$0x18400] =	vst v63  }
0x1d4: {  	s22 =	simm.s32 @!p0 $0x2400  }
0x1d5: {  	[tilespmem:s22], [sflag:$0x1] =	stream.indirect_vreg.gather @!p0 [hbm4b:s9+s21], $0x80, v35, vm1, $0xb8;
	[tilespmem:$0x18400] =	vst v63  }
0x1d6: {  	s22 =	simm.s32 @!p0 $0x2C00  }
0x1d7: {  	[tilespmem:s22], [sflag:$0x1] =	stream.indirect_vreg.gather @!p0 [hbm4b:s10+s21], $0x80, v35, vm1, $0xb8;
	[tilespmem:$0x18400] =	vst v63  }
0x1d8: {  	v35 =	vld @!p0 [tilespmem:s18+$0x240];
	_ =	sdelay $0x4  }
0x1d9: {  	v39 =	vshrl.u32 @!p0 v35, $0x3  }
0x1da: {  	v39 =	vmul.u32 @!p0 $0x30, v39  }
0x1db: {  	v35 =	vand.u32 @!p0 $0x7, v35  }
0x1dc: {  	v35 =	vor.u32 @!p0 v35, v39  }
0x1dd: {  	v36 =	vperm.xlane @!p0 v35, v36;
	_ =	sdelay $0x1  }
0x1de: {  	v36 =	vadd.s32 @!p0 v38, v36;
	_ =	sdelay $0x3  }
0x1df: {  	s22 =	simm.s32 @!p0 $0xC400;
	v35 =	vperm.xlane @!p0 v35, v37  }
0x1e0: {  	[tilespmem:s22], [sflag:$0x5] =	stream.indirect_vreg.gather @!p0 [hbm4b:s6+s21], $0x80, v36, vm1, $0xb8;
	[tilespmem:$0x18400] =	vst v63  }
0x1e1: {  	v35 =	vadd.s32 @!p0 v38, v35;
	s22 =	simm.s32 @!p0 $0xCC00  }
0x1e2: {  	[tilespmem:s22], [sflag:$0x5] =	stream.indirect_vreg.gather @!p0 [hbm4b:s11+s21], $0x80, v36, vm1, $0xb8;
	[tilespmem:$0x18400] =	vst v63  }
0x1e3: {  	s22 =	simm.s32 @!p0 $0xD400  }
0x1e4: {  	[tilespmem:s22], [sflag:$0x5] =	stream.indirect_vreg.gather @!p0 [hbm4b:s12+s21], $0x80, v36, vm1, $0xb8;
	[tilespmem:$0x18400] =	vst v63  }
0x1e5: {  	s22 =	simm.s32 @!p0 $0xDC00  }
0x1e6: {  	[tilespmem:s22], [sflag:$0x5] =	stream.indirect_vreg.gather @!p0 [hbm4b:s6+s21], $0x80, v35, vm1, $0xb8;
	[tilespmem:$0x18400] =	vst v63  }
0x1e7: {  	s22 =	simm.s32 @!p0 $0xE400  }
0x1e8: {  	[tilespmem:s22], [sflag:$0x5] =	stream.indirect_vreg.gather @!p0 [hbm4b:s11+s21], $0x80, v35, vm1, $0xb8;
	[tilespmem:$0x18400] =	vst v63  }
0x1e9: {  	s22 =	simm.s32 @!p0 $0xEC00  }
0x1ea: {  	[tilespmem:s22], [sflag:$0x5] =	stream.indirect_vreg.gather @!p0 [hbm4b:s12+s21], $0x80, v35, vm1, $0xb8;
	[tilespmem:$0x18400] =	vst v63  }
0x1eb: {  	_ =	swait.ge [sflag:s13], $0x3000  }
0x1ec: {  	[sflag:s13] =	ssyncset.done $0x0  }
0x1ed: {  	[sflag:s13] =	ssyncadd.s32 $0xFFFFD000  }
0x1ee: {  	s22 =	simm.s32 $0x0;
	_ =	swait.ge [sflag:s17], $0x3000  }
0x1ef: {  	s25 =	sand.u32 $0x70, s22;
	s23 =	sand.u32 $0x1C00, s22;
	[sflag:s17] =	ssyncset.done $0x0  }
0x1f0: {  	s21 =	sor.u32 s25, s23;
	[sflag:s17] =	ssyncadd.s32 $0xFFFFD000  }
0x1f1: {  	v62 =	vld [tilespmem:s21+$0x12400]  }
0x1f2: {  	v63 =	vld [tilespmem:s21+$0x12480]  }
0x1f3: {  	v35 =	vld [tilespmem:s21+$0x12500]  }
0x1f4: {  	v36 =	vld [tilespmem:s21+$0x12580]  }
0x1f5: {  	v37 =	vld [tilespmem:s21+$0x12600]  }
0x1f6: {  	[tilespmem:s21+$0x6400] =	vst.add.f32.msk $0xffff, v62  }
0x1f7: {  	s31 =	simm.s32 $0x10;
	s23 =	simm.s32 $0x0;
	[tilespmem:s21+$0x6480] =	vst.add.f32.msk $0xffff, v63  }
.LBB2_7:
0x1f8: {  	p1 =	sne.s32 s31, $0x2F0;
	v38 =	vld [tilespmem:s21+$0x12680]  }
0x1f9: {  	v39 =	vld [tilespmem:s21+$0x12700]  }
0x1fa: {  	[tilespmem:s21+$0x6500] =	vst.add.f32.msk $0xffff, v35  }
0x1fb: {  	[tilespmem:s21+$0x6580] =	vst.add.f32.msk $0xffff, v36  }
0x1fc: {  	[tilespmem:s21+$0x6600] =	vst.add.f32.msk $0xffff, v37  }
0x1fd: {  	s24 =	sor.u32 s23, s22;
	s22 =	smov.u32 s31;
	[tilespmem:s21+$0x6680] =	vst.add.f32.msk $0xffff, v38  }
0x1fe: {  	s24 =	sor.u32 $0x6380, s24;
	[tilespmem:s21+$0x6700] =	vst.add.f32.msk $0xffff, v39  }
0x1ff: {  	v35 =	vld [tilespmem:s24+$0xC400];
	_ =	sdelay $0x4  }
0x200: {  	[tilespmem:s24+$0x400] =	vst.add.f32.msk $0xffff, v35  }
0x201: {  	v35 =	vld [tilespmem:s21+$0x13C00]  }
0x202: {  	v36 =	vld [tilespmem:s21+$0x13C80]  }
0x203: {  	v37 =	vld [tilespmem:s21+$0x13D00]  }
0x204: {  	v38 =	vld [tilespmem:s21+$0x13D80]  }
0x205: {  	v39 =	vld [tilespmem:s21+$0x13E00]  }
0x206: {  	[tilespmem:s21+$0x7C00] =	vst.add.f32.msk $0xffff, v35  }
0x207: {  	[tilespmem:s21+$0x7C80] =	vst.add.f32.msk $0xffff, v36  }
0x208: {  	[tilespmem:s21+$0x7D00] =	vst.add.f32.msk $0xffff, v37  }
0x209: {  	[tilespmem:s21+$0x7D80] =	vst.add.f32.msk $0xffff, v38  }
0x20a: {  	[tilespmem:s21+$0x7E00] =	vst.add.f32.msk $0xffff, v39  }
0x20b: {  	s23 =	sadd.s32 $0x80, s23;
	v35 =	vld [tilespmem:s21+$0x13E80]  }
0x20c: {  	s25 =	sand.u32 $0x1C00, s23;
	s24 =	sand.u32 $0x70, s31;
	v36 =	vld [tilespmem:s21+$0x13F00]  }
0x20d: {  	s24 =	sor.u32 s24, s25;
	v37 =	vld [tilespmem:s21+$0x13F80]  }
0x20e: {  	v38 =	vld [tilespmem:s24+$0x12400]  }
0x20f: {  	v39 =	vld [tilespmem:s24+$0x12480]  }
0x210: {  	[tilespmem:s21+$0x7E80] =	vst.add.f32.msk $0xffff, v35  }
0x211: {  	[tilespmem:s21+$0x7F00] =	vst.add.f32.msk $0xffff, v36  }
0x212: {  	[tilespmem:s21+$0x7F80] =	vst.add.f32.msk $0xffff, v37;
	s21 =	smov.u32 s24  }
.Ltmp4:
0x213: {  	[tilespmem:s21+$0x6400] =	vst.add.f32.msk $0xffff, v38;
	(pc) =	sbr.rel @p1 .LBB2_7-.Ltmp4, $4  }
0x214: {  	[tilespmem:s21+$0x6480] =	vst.add.f32.msk $0xffff, v39  }
0x215: {  	v35 =	vld [tilespmem:s21+$0x12500]  }
0x216: {  	v36 =	vld [tilespmem:s21+$0x12580]  }
0x217: {  	s31 =	sadd.s32 $0x10, s31;
	v37 =	vld [tilespmem:s21+$0x12600]  }
0x218: {  	v38 =	vld [tilespmem:s21+$0x12680]  }
0x219: {  	v39 =	vld [tilespmem:s21+$0x12700]  }
0x21a: {  	[tilespmem:s21+$0x6500] =	vst.add.f32.msk $0xffff, v35  }
0x21b: {  	[tilespmem:s21+$0x6580] =	vst.add.f32.msk $0xffff, v36  }
0x21c: {  	[tilespmem:s21+$0x6600] =	vst.add.f32.msk $0xffff, v37  }
0x21d: {  	s22 =	sor.u32 s23, s22;
	[tilespmem:s21+$0x6680] =	vst.add.f32.msk $0xffff, v38  }
0x21e: {  	s22 =	sor.u32 $0x6380, s22;
	[tilespmem:s21+$0x6700] =	vst.add.f32.msk $0xffff, v39  }
0x21f: {  	v35 =	vld [tilespmem:s22+$0xC400];
	_ =	sdelay $0x4  }
0x220: {  	[tilespmem:s22+$0x400] =	vst.add.f32.msk $0xffff, v35  }
0x221: {  	v35 =	vld [tilespmem:s21+$0x13C00]  }
0x222: {  	v52 =	vld [tilespmem:s21+$0x13C80]  }
0x223: {  	v53 =	vld [tilespmem:s21+$0x13D00]  }
0x224: {  	v54 =	vld [tilespmem:s21+$0x13D80]  }
0x225: {  	v55 =	vld [tilespmem:s21+$0x13E00]  }
0x226: {  	v56 =	vld [tilespmem:s21+$0x13E80]  }
0x227: {  	v57 =	vld [tilespmem:s21+$0x13F00]  }
0x228: {  	v58 =	vld [tilespmem:s21+$0x13F80]  }
0x229: {  	[tilespmem:s21+$0x7C00] =	vst.add.f32.msk $0xffff, v35  }
0x22a: {  	[tilespmem:s21+$0x7C80] =	vst.add.f32.msk $0xffff, v52  }
0x22b: {  	[tilespmem:s21+$0x7D00] =	vst.add.f32.msk $0xffff, v53  }
0x22c: {  	[tilespmem:s21+$0x7D80] =	vst.add.f32.msk $0xffff, v54  }
0x22d: {  	[tilespmem:s21+$0x7E00] =	vst.add.f32.msk $0xffff, v55  }
0x22e: {  	[tilespmem:s21+$0x7E80] =	vst.add.f32.msk $0xffff, v56  }
0x22f: {  	[tilespmem:s21+$0x7F00] =	vst.add.f32.msk $0xffff, v57  }
0x230: {  	s20 =	sadd.s32 s14, s20;
	[tilespmem:s21+$0x7F80] =	vst.add.f32.msk $0xffff, v58  }
0x231: {  	[hbm4b:s20+s4] =	stream.linear.scatter [tilespmem:s28], [sflag:$0xB], $0x3000, $0x38;
	[tilespmem:$0x18400] =	vst v63  }
0x232: {  	s20 =	simm.s32 @!p0 $0xA  }
0x233: {  	_ =	swait.ge @!p0 [sflag:s20], $0x3000  }
0x234: {  	[sflag:s20] =	ssyncset.done @!p0 $0x0  }
0x235: {  	[sflag:s20] =	ssyncadd.s32 @!p0 $0xFFFFD000  }
0x236: {  	v35 =	vld @!p0 [tilespmem:s18+$0x50];
	_ =	sdelay $0x4  }
0x237: {  	v36 =	vshrl.u32 @!p0 v35, $0x3  }
0x238: {  	v36 =	vmul.u32 @!p0 $0x30, v36  }
0x239: {  	v37 =	vlaneseq.u32 @!p0;
	v35 =	vand.u32 @!p0 $0x7, v35  }
0x23a: {  	v38 =	vshrl.u32 @!p0 v37, $0x3;
	v35 =	vor.u32 @!p0 v35, v36;
	v36 =	vand.u32 @!p0 $0x7, v37  }
0x23b: {  	v38 =	vmul.u32 @!p0 $0x8, v38;
	v39 =	vperm.xlane @!p0 v35, v36;
	_ =	sdelay $0x1  }
0x23c: {  	v39 =	vadd.s32 @!p0 v38, v39;
	_ =	sdelay $0x2  }
0x23d: {  	v37 =	vor.u32 @!p0 $0x8, v37  }
0x23e: {  	s21 =	simm.s32 @!p0 $0x3400;
	s20 =	simm.s32 @!p0 $0x0;
	v35 =	vperm.xlane @!p0 v35, v37  }
0x23f: {  	[tilespmem:s21], [sflag:$0x2] =	stream.indirect_vreg.gather @!p0 [hbm4b:s0+s20], $0x80, v39, vm1, $0xb8;
	[tilespmem:$0x18400] =	vst v63  }
0x240: {  	v35 =	vadd.s32 @!p0 v38, v35;
	s21 =	simm.s32 @!p0 $0x3C00  }
0x241: {  	[tilespmem:s21], [sflag:$0x2] =	stream.indirect_vreg.gather @!p0 [hbm4b:s9+s20], $0x80, v39, vm1, $0xb8;
	[tilespmem:$0x18400] =	vst v63  }
0x242: {  	s21 =	simm.s32 @!p0 $0x4400  }
0x243: {  	[tilespmem:s21], [sflag:$0x2] =	stream.indirect_vreg.gather @!p0 [hbm4b:s10+s20], $0x80, v39, vm1, $0xb8;
	[tilespmem:$0x18400] =	vst v63  }
0x244: {  	s21 =	simm.s32 @!p0 $0x4C00  }
0x245: {  	[tilespmem:s21], [sflag:$0x2] =	stream.indirect_vreg.gather @!p0 [hbm4b:s0+s20], $0x80, v35, vm1, $0xb8;
	[tilespmem:$0x18400] =	vst v63  }
0x246: {  	s21 =	simm.s32 @!p0 $0x5400  }
0x247: {  	[tilespmem:s21], [sflag:$0x2] =	stream.indirect_vreg.gather @!p0 [hbm4b:s9+s20], $0x80, v35, vm1, $0xb8;
	[tilespmem:$0x18400] =	vst v63  }
0x248: {  	s21 =	simm.s32 @!p0 $0x5C00  }
0x249: {  	[tilespmem:s21], [sflag:$0x2] =	stream.indirect_vreg.gather @!p0 [hbm4b:s10+s20], $0x80, v35, vm1, $0xb8;
	[tilespmem:$0x18400] =	vst v63  }
0x24a: {  	v35 =	vld @!p0 [tilespmem:s18+$0x250];
	_ =	sdelay $0x4  }
0x24b: {  	v39 =	vshrl.u32 @!p0 v35, $0x3  }
0x24c: {  	v39 =	vmul.u32 @!p0 $0x30, v39  }
0x24d: {  	v35 =	vand.u32 @!p0 $0x7, v35  }
0x24e: {  	v35 =	vor.u32 @!p0 v35, v39  }
0x24f: {  	v36 =	vperm.xlane @!p0 v35, v36;
	_ =	sdelay $0x1  }
0x250: {  	v36 =	vadd.s32 @!p0 v38, v36;
	_ =	sdelay $0x3  }
0x251: {  	s21 =	simm.s32 @!p0 $0xF400;
	v35 =	vperm.xlane @!p0 v35, v37  }
0x252: {  	[tilespmem:s21], [sflag:$0x6] =	stream.indirect_vreg.gather @!p0 [hbm4b:s6+s20], $0x80, v36, vm1, $0xb8;
	[tilespmem:$0x18400] =	vst v63  }
0x253: {  	v35 =	vadd.s32 @!p0 v38, v35;
	s21 =	simm.s32 @!p0 $0xFC00  }
0x254: {  	[tilespmem:s21], [sflag:$0x6] =	stream.indirect_vreg.gather @!p0 [hbm4b:s11+s20], $0x80, v36, vm1, $0xb8;
	[tilespmem:$0x18400] =	vst v63  }
0x255: {  	s21 =	simm.s32 @!p0 $0x10400  }
0x256: {  	[tilespmem:s21], [sflag:$0x6] =	stream.indirect_vreg.gather @!p0 [hbm4b:s12+s20], $0x80, v36, vm1, $0xb8;
	[tilespmem:$0x18400] =	vst v63  }
0x257: {  	s21 =	simm.s32 @!p0 $0x10C00  }
0x258: {  	[tilespmem:s21], [sflag:$0x6] =	stream.indirect_vreg.gather @!p0 [hbm4b:s6+s20], $0x80, v35, vm1, $0xb8;
	[tilespmem:$0x18400] =	vst v63  }
0x259: {  	s21 =	simm.s32 @!p0 $0x11400  }
0x25a: {  	[tilespmem:s21], [sflag:$0x6] =	stream.indirect_vreg.gather @!p0 [hbm4b:s11+s20], $0x80, v35, vm1, $0xb8;
	[tilespmem:$0x18400] =	vst v63  }
0x25b: {  	s21 =	simm.s32 @!p0 $0x11C00  }
0x25c: {  	[tilespmem:s21], [sflag:$0x6] =	stream.indirect_vreg.gather @!p0 [hbm4b:s12+s20], $0x80, v35, vm1, $0xb8;
	[tilespmem:$0x18400] =	vst v63  }
0x25d: {  	_ =	swait.ge [sflag:s29], $0x3000  }
0x25e: {  	[sflag:s29] =	ssyncset.done $0x0  }
0x25f: {  	[sflag:s29] =	ssyncadd.s32 $0xFFFFD000  }
0x260: {  	s24 =	simm.s32 $0x0;
	_ =	swait.ge [sflag:s30], $0x3000  }
0x261: {  	s25 =	sand.u32 $0x70, s24;
	s20 =	sand.u32 $0x1C00, s24;
	[sflag:s30] =	ssyncset.done $0x0  }
0x262: {  	s20 =	sor.u32 s25, s20;
	[sflag:s30] =	ssyncadd.s32 $0xFFFFD000  }
0x263: {  	v59 =	vld [tilespmem:s20+$0x16F80]  }
0x264: {  	v60 =	vld [tilespmem:s20+$0x15400]  }
0x265: {  	v61 =	vld [tilespmem:s20+$0x15480]  }
0x266: {  	v62 =	vld [tilespmem:s20+$0x15500]  }
0x267: {  	v63 =	vld [tilespmem:s20+$0x15580]  }
0x268: {  	v40 =	vld [tilespmem:s20+$0x15600]  }
0x269: {  	v41 =	vld [tilespmem:s20+$0x15680]  }
0x26a: {  	v42 =	vld [tilespmem:s20+$0x15700]  }
0x26b: {  	v43 =	vld [tilespmem:s20+$0x15780]  }
0x26c: {  	v44 =	vld [tilespmem:s20+$0x16C00]  }
0x26d: {  	v45 =	vld [tilespmem:s20+$0x16C80]  }
0x26e: {  	v46 =	vld [tilespmem:s20+$0x16D00]  }
0x26f: {  	v47 =	vld [tilespmem:s20+$0x16D80]  }
0x270: {  	v48 =	vld [tilespmem:s20+$0x16E00]  }
0x271: {  	v49 =	vld [tilespmem:s20+$0x16E80]  }
0x272: {  	v35 =	vld [tilespmem:s20+$0x16F00]  }
0x273: {  	[tilespmem:s20+$0xAF80] =	vst.add.f32.msk $0xffff, v59  }
0x274: {  	[tilespmem:s20+$0x9400] =	vst.add.f32.msk $0xffff, v60  }
0x275: {  	[tilespmem:s20+$0x9480] =	vst.add.f32.msk $0xffff, v61  }
0x276: {  	[tilespmem:s20+$0x9500] =	vst.add.f32.msk $0xffff, v62  }
0x277: {  	[tilespmem:s20+$0x9580] =	vst.add.f32.msk $0xffff, v63  }
0x278: {  	[tilespmem:s20+$0x9600] =	vst.add.f32.msk $0xffff, v40  }
0x279: {  	[tilespmem:s20+$0x9680] =	vst.add.f32.msk $0xffff, v41  }
0x27a: {  	[tilespmem:s20+$0x9700] =	vst.add.f32.msk $0xffff, v42  }
0x27b: {  	[tilespmem:s20+$0x9780] =	vst.add.f32.msk $0xffff, v43  }
0x27c: {  	[tilespmem:s20+$0xAC00] =	vst.add.f32.msk $0xffff, v44  }
0x27d: {  	[tilespmem:s20+$0xAC80] =	vst.add.f32.msk $0xffff, v45  }
0x27e: {  	[tilespmem:s20+$0xAD00] =	vst.add.f32.msk $0xffff, v46  }
0x27f: {  	[tilespmem:s20+$0xAD80] =	vst.add.f32.msk $0xffff, v47  }
0x280: {  	s31 =	simm.s32 $0x10;
	s21 =	simm.s32 $0x80;
	[tilespmem:s20+$0xAE00] =	vst.add.f32.msk $0xffff, v48  }
0x281: {  	s23 =	sand.u32 $0x70, s31;
	s22 =	simm.s32 $0x20;
	s24 =	sand.u32 $0x1C00, s21;
	[tilespmem:s20+$0xAE80] =	vst.add.f32.msk $0xffff, v49  }
.LBB2_9:
0x282: {  	p1 =	sne.s32 s22, $0x2F0;
	[tilespmem:s20+$0xAF00] =	vst.add.f32.msk $0xffff, v35;
	s20 =	sor.u32 s23, s24  }
0x283: {  	v35 =	vld [tilespmem:s20+$0x16F80]  }
0x284: {  	v36 =	vld [tilespmem:s20+$0x15400]  }
0x285: {  	v37 =	vld [tilespmem:s20+$0x15480]  }
0x286: {  	v38 =	vld [tilespmem:s20+$0x15500]  }
0x287: {  	v39 =	vld [tilespmem:s20+$0x15580]  }
0x288: {  	[tilespmem:s20+$0xAF80] =	vst.add.f32.msk $0xffff, v35  }
0x289: {  	v40 =	vld [tilespmem:s20+$0x15600]  }
0x28a: {  	v41 =	vld [tilespmem:s20+$0x15680]  }
0x28b: {  	v42 =	vld [tilespmem:s20+$0x15700]  }
0x28c: {  	v43 =	vld [tilespmem:s20+$0x15780]  }
0x28d: {  	v44 =	vld [tilespmem:s20+$0x16C00]  }
0x28e: {  	v45 =	vld [tilespmem:s20+$0x16C80]  }
0x28f: {  	v46 =	vld [tilespmem:s20+$0x16D00]  }
0x290: {  	v47 =	vld [tilespmem:s20+$0x16D80]  }
0x291: {  	v48 =	vld [tilespmem:s20+$0x16E00]  }
0x292: {  	v49 =	vld [tilespmem:s20+$0x16E80]  }
0x293: {  	v35 =	vld [tilespmem:s20+$0x16F00]  }
0x294: {  	[tilespmem:s20+$0x9400] =	vst.add.f32.msk $0xffff, v36  }
0x295: {  	[tilespmem:s20+$0x9480] =	vst.add.f32.msk $0xffff, v37  }
0x296: {  	[tilespmem:s20+$0x9500] =	vst.add.f32.msk $0xffff, v38  }
0x297: {  	[tilespmem:s20+$0x9580] =	vst.add.f32.msk $0xffff, v39  }
0x298: {  	[tilespmem:s20+$0x9600] =	vst.add.f32.msk $0xffff, v40  }
0x299: {  	[tilespmem:s20+$0x9680] =	vst.add.f32.msk $0xffff, v41  }
0x29a: {  	[tilespmem:s20+$0x9700] =	vst.add.f32.msk $0xffff, v42  }
0x29b: {  	[tilespmem:s20+$0x9780] =	vst.add.f32.msk $0xffff, v43  }
0x29c: {  	[tilespmem:s20+$0xAC00] =	vst.add.f32.msk $0xffff, v44  }
.Ltmp5:
0x29d: {  	[tilespmem:s20+$0xAC80] =	vst.add.f32.msk $0xffff, v45;
	(pc) =	sbr.rel @p1 .LBB2_9-.Ltmp5, $4  }
0x29e: {  	[tilespmem:s20+$0xAD00] =	vst.add.f32.msk $0xffff, v46  }
0x29f: {  	[tilespmem:s20+$0xAD80] =	vst.add.f32.msk $0xffff, v47  }
0x2a0: {  	s21 =	sadd.s32 $0x80, s21;
	[tilespmem:s20+$0xAE00] =	vst.add.f32.msk $0xffff, v48  }
0x2a1: {  	s23 =	sand.u32 $0x70, s22;
	s22 =	sadd.s32 $0x10, s22;
	s24 =	sand.u32 $0x1C00, s21;
	[tilespmem:s20+$0xAE80] =	vst.add.f32.msk $0xffff, v49  }
0x2a2: {  	s21 =	sor.u32 s23, s24;
	[tilespmem:s20+$0xAF00] =	vst.add.f32.msk $0xffff, v35  }
0x2a3: {  	v35 =	vld [tilespmem:s21+$0x16F80]  }
0x2a4: {  	v36 =	vld [tilespmem:s21+$0x15400]  }
0x2a5: {  	v37 =	vld [tilespmem:s21+$0x15480]  }
0x2a6: {  	v38 =	vld [tilespmem:s21+$0x15500]  }
0x2a7: {  	v39 =	vld [tilespmem:s21+$0x15580]  }
0x2a8: {  	v63 =	vld [tilespmem:s21+$0x15600]  }
0x2a9: {  	v40 =	vld [tilespmem:s21+$0x15680]  }
0x2aa: {  	v41 =	vld [tilespmem:s21+$0x15700]  }
0x2ab: {  	v42 =	vld [tilespmem:s21+$0x15780]  }
0x2ac: {  	v43 =	vld [tilespmem:s21+$0x16C00]  }
0x2ad: {  	v44 =	vld [tilespmem:s21+$0x16C80]  }
0x2ae: {  	v45 =	vld [tilespmem:s21+$0x16D00]  }
0x2af: {  	v46 =	vld [tilespmem:s21+$0x16D80]  }
0x2b0: {  	v47 =	vld [tilespmem:s21+$0x16E00]  }
0x2b1: {  	v48 =	vld [tilespmem:s21+$0x16E80]  }
0x2b2: {  	v49 =	vld [tilespmem:s21+$0x16F00]  }
0x2b3: {  	[tilespmem:s21+$0xAF80] =	vst.add.f32.msk $0xffff, v35  }
0x2b4: {  	[tilespmem:s21+$0x9400] =	vst.add.f32.msk $0xffff, v36  }
0x2b5: {  	[tilespmem:s21+$0x9480] =	vst.add.f32.msk $0xffff, v37  }
0x2b6: {  	[tilespmem:s21+$0x9500] =	vst.add.f32.msk $0xffff, v38  }
0x2b7: {  	[tilespmem:s21+$0x9580] =	vst.add.f32.msk $0xffff, v39  }
0x2b8: {  	[tilespmem:s21+$0x9600] =	vst.add.f32.msk $0xffff, v63  }
0x2b9: {  	[tilespmem:s21+$0x9680] =	vst.add.f32.msk $0xffff, v40  }
0x2ba: {  	[tilespmem:s21+$0x9700] =	vst.add.f32.msk $0xffff, v41  }
0x2bb: {  	[tilespmem:s21+$0x9780] =	vst.add.f32.msk $0xffff, v42  }
0x2bc: {  	[tilespmem:s21+$0xAC00] =	vst.add.f32.msk $0xffff, v43  }
0x2bd: {  	s19 =	sshll.u32 s19, $0x4;
	[tilespmem:s21+$0xAC80] =	vst.add.f32.msk $0xffff, v44  }
0x2be: {  	s19 =	sadd.s32 s5, s19;
	[tilespmem:s21+$0xAD00] =	vst.add.f32.msk $0xffff, v45  }
.Ltmp6:
0x2bf: {  	s19 =	sshrl.u32 s19, $0x3;
	[tilespmem:s21+$0xAD80] =	vst.add.f32.msk $0xffff, v46;
	(pc) =	sbr.rel @p0 .LBB2_12-.Ltmp6, $4  }
0x2c0: {  	s19 =	smul.u32 $0x300, s19;
	[tilespmem:s21+$0xAE00] =	vst.add.f32.msk $0xffff, v47  }
0x2c1: {  	[tilespmem:s21+$0xAE80] =	vst.add.f32.msk $0xffff, v48  }
0x2c2: {  	s31 =	simm.s32 $0x9400;
	s19 =	sadd.s32 s3, s19;
	[tilespmem:s21+$0xAF00] =	vst.add.f32.msk $0xffff, v49  }
0x2c3: {  	[hbm4b:s19+s4] =	stream.linear.scatter [tilespmem:s31], [sflag:$0xC], $0x3000, $0x38;
	[tilespmem:$0x18400] =	vst v63  }
0x2c4: {  	_ =	swait.ge [sflag:s2], $0x3000  }
0x2c5: {  	[sflag:s2] =	ssyncset.done $0x0  }
0x2c6: {  	[sflag:s2] =	ssyncadd.s32 $0xFFFFD000  }
0x2c7: {  	v35 =	vld [tilespmem:s18+$0x60];
	_ =	sdelay $0x4  }
0x2c8: {  	v36 =	vshrl.u32 v35, $0x3  }
0x2c9: {  	v36 =	vmul.u32 $0x30, v36  }
0x2ca: {  	v35 =	vand.u32 $0x7, v35  }
0x2cb: {  	v35 =	vor.u32 v35, v36  }
0x2cc: {  	v36 =	vperm.xlane v35, v32;
	_ =	sdelay $0x1  }
0x2cd: {  	v36 =	vadd.s32 v33, v36;
	_ =	sdelay $0x3  }
0x2ce: {  	v35 =	vperm.xlane v35, v34  }
0x2cf: {  	[tilespmem:s28], [sflag:$0x3] =	stream.indirect_vreg.gather [hbm4b:s0+s4], $0x80, v36, vm0, $0xb8;
	[tilespmem:$0x18400] =	vst v63  }
0x2d0: {  	s19 =	simm.s32 $0x6C00;
	v35 =	vadd.s32 v33, v35  }
0x2d1: {  	[tilespmem:s19], [sflag:$0x3] =	stream.indirect_vreg.gather [hbm4b:s9+s4], $0x80, v36, vm0, $0xb8;
	[tilespmem:$0x18400] =	vst v63  }
0x2d2: {  	s24 =	simm.s32 $0x7400  }
0x2d3: {  	[tilespmem:s24], [sflag:$0x3] =	stream.indirect_vreg.gather [hbm4b:s10+s4], $0x80, v36, vm0, $0xb8;
	[tilespmem:$0x18400] =	vst v63  }
0x2d4: {  	s25 =	simm.s32 $0x7C00  }
0x2d5: {  	[tilespmem:s25], [sflag:$0x3] =	stream.indirect_vreg.gather [hbm4b:s0+s4], $0x80, v35, vm0, $0xb8;
	[tilespmem:$0x18400] =	vst v63  }
0x2d6: {  	s31 =	simm.s32 $0x8400  }
0x2d7: {  	[tilespmem:s31], [sflag:$0x3] =	stream.indirect_vreg.gather [hbm4b:s9+s4], $0x80, v35, vm0, $0xb8;
	[tilespmem:$0x18400] =	vst v63  }
0x2d8: {  	s20 =	simm.s32 $0x8C00  }
0x2d9: {  	[tilespmem:s20], [sflag:$0x3] =	stream.indirect_vreg.gather [hbm4b:s10+s4], $0x80, v35, vm0, $0xb8;
	[tilespmem:$0x18400] =	vst v63  }
0x2da: {  	v35 =	vld [tilespmem:s18+$0x260];
	_ =	sdelay $0x4  }
0x2db: {  	v63 =	vshrl.u32 v35, $0x3  }
0x2dc: {  	v36 =	vmul.u32 $0x30, v63  }
0x2dd: {  	v35 =	vand.u32 $0x7, v35  }
0x2de: {  	v35 =	vor.u32 v35, v36  }
0x2df: {  	v36 =	vperm.xlane v35, v32;
	_ =	sdelay $0x1  }
0x2e0: {  	v36 =	vadd.s32 v33, v36;
	_ =	sdelay $0x3  }
0x2e1: {  	s21 =	simm.s32 $0x12400;
	v35 =	vperm.xlane v35, v34  }
0x2e2: {  	[tilespmem:s21], [sflag:$0x7] =	stream.indirect_vreg.gather [hbm4b:s6+s4], $0x80, v36, vm0, $0xb8;
	[tilespmem:$0x18400] =	vst v63  }
0x2e3: {  	s22 =	simm.s32 $0x12C00;
	v35 =	vadd.s32 v33, v35  }
0x2e4: {  	[tilespmem:s22], [sflag:$0x7] =	stream.indirect_vreg.gather [hbm4b:s11+s4], $0x80, v36, vm0, $0xb8;
	[tilespmem:$0x18400] =	vst v63  }
0x2e5: {  	s23 =	simm.s32 $0x13400  }
0x2e6: {  	[tilespmem:s23], [sflag:$0x7] =	stream.indirect_vreg.gather [hbm4b:s12+s4], $0x80, v36, vm0, $0xb8;
	[tilespmem:$0x18400] =	vst v63  }
0x2e7: {  	s24 =	simm.s32 $0x13C00  }
0x2e8: {  	[tilespmem:s24], [sflag:$0x7] =	stream.indirect_vreg.gather [hbm4b:s6+s4], $0x80, v35, vm0, $0xb8;
	[tilespmem:$0x18400] =	vst v63  }
.Ltmp7:
0x2e9: {  	_ = 	snop;
	(pc) =	sbr.rel .LBB2_2-.Ltmp7, $4  }
0x2ea: {  	s25 =	simm.s32 $0x14400  }
0x2eb: {  	[tilespmem:s25], [sflag:$0x7] =	stream.indirect_vreg.gather [hbm4b:s11+s4], $0x80, v35, vm0, $0xb8;
	[tilespmem:$0x18400] =	vst v63  }
0x2ec: {  	s1 =	sadd.s32 $0x1, s1;
	s31 =	simm.s32 $0x14C00  }
0x2ed: {  	[tilespmem:s31], [sflag:$0x7] =	stream.indirect_vreg.gather [hbm4b:s12+s4], $0x80, v35, vm0, $0xb8;
	[tilespmem:$0x18400] =	vst v63  }
.LBB2_13:
0x2ee: {  	_ =	sfence.sel $0x180000  }
0x2ef: {  	[bflag:$0x0] =	sbarrier.arrive $0xFFFF  }
0x2f0: {  	_ =	strace $0x90000047  }
0x2f1: {  	s0 =	stileid.u32;
	[bflag:$0x2] =	sbarrier.arrive $0xFFFF  }
0x2f2: {  	p0 =	sne.s32 s0, $0x0;
	s0 =	rddreg [dreg:$0x5]  }
0x2f3: {  	s0 =	sadd.s32 @!p0 $0x100000, s0  }
0x2f4: {  	[sflag:s0] =	ssyncadd.tile.s32 @!p0 $0x1;
	_ =	shalt  }
.Lfunc_end2:
_tile_overlayer_lowered:
.L_overlay_start_2:
0x2f5: {  	(tag) =	ssettag $0x2  }
0x2f6: {  	s0 =	rddreg [dreg:$0x0];
	s2 =	stileid.u32  }
0x2f7: {  	s1 =	rddreg [dreg:$0x1];
	p0 =	sne.s32 s2, $0x0  }
0x2f8: {  	s3 =	rddreg [dreg:$0x2];
	[bflag:$0x3] =	sbarrier.arrive $0xFFFF;
	s2 =	simm.s32 @!p0 $0x1C0D  }
0x2f9: {  	[timem:s3], [sflag:s2] =	dma.local @!p0 [hbm:s0], s1  }
0x2fa: {  	s0 =	simm.s32 @!p0 $0xD  }
0x2fb: {  	_ =	swait.ge @!p0 [sflag:s0], s1  }
0x2fc: {  	s1 =	ssub.s32 @!p0 $0x0, s1;
	[sflag:s0] =	ssyncset.done @!p0 $0x0  }
0x2fd: {  	[sflag:s0] =	ssyncadd.s32 @!p0 s1  }
0x2fe: {  	[bflag:$0x3] =	sbarrier.arrive $0xFFFF  }
0x2ff: {  	_ =	shalt  }

</sc_bundles>
